<compile_context>
chip_gen: v7x
topology: tpu7x:2x2x1
jax: 0.10.2.dev20260603
libtpu: 0.0.44.dev20260713+nightly
codegen_flags: <defaults>
</compile_context>

<pallas_src>
import functools

import jax
import jax.numpy as jnp
from jax import lax
from jax.experimental import pallas as pl
from jax.experimental.pallas import tpu as pltpu, tpu_sc as plsc

N = 50000
D = 64
DH = 32
NPAD = 50176
PT = NPAD // 16
E = 800000
EPAD = 819200
CH = 128
ROWS_ALL = EPAD // CH
ROWS_W = ROWS_ALL // 32
ROWS_T = ROWS_ALL // 16
ET = EPAD // 16
BR = 512
GRID = NPAD // BR
NQTR = 4
NPASS = 2
R = NPAD // 2
DUMP = 64
ACCN = R + DUMP
AT = R // 16
ST = 98

_mesh = plsc.VectorSubcoreMesh(core_axis_name="c", subcore_axis_name="s")



EPW = EPAD // 32


@functools.partial(
    pl.kernel,
    out_type=jax.ShapeDtypeStruct((32 * NPAD,), jnp.float32),
    mesh=_mesh,
    compiler_params=pltpu.CompilerParams(use_tc_tiling_on_sc=False,
                                         needs_layout_passes=False),
    scratch_types=[
        pltpu.VMEM((EPW,), jnp.int32),
        pltpu.VMEM((NPAD,), jnp.float32),
    ],
)
def _deg_sc(dst_hbm, out_hbm, dstv, counts):
    c = lax.axis_index("c")
    s = lax.axis_index("s")
    w = c * 16 + s
    pltpu.sync_copy(dst_hbm.at[pl.ds(w * EPW, EPW)], dstv)

    def zstep(i, carry):
        counts[pl.ds(i * 16, 16)] = jnp.zeros((16,), jnp.float32)
        return carry

    lax.fori_loop(0, NPAD // 16, zstep, 0)
    ones = jnp.ones((16,), jnp.float32)

    def step(i, carry):
        idx = dstv[pl.ds(i * 16, 16)]
        plsc.addupdate_scatter(counts, [idx], ones)
        return carry

    lax.fori_loop(0, EPW // 16, step, 0)
    pltpu.sync_copy(counts, out_hbm.at[pl.ds(w * NPAD, NPAD)])


@functools.partial(
    pl.kernel,
    out_type=jax.ShapeDtypeStruct((2 * NQTR * NPAD, 128), jnp.float32),
    mesh=_mesh,
    compiler_params=pltpu.CompilerParams(use_tc_tiling_on_sc=False,
                                         needs_layout_passes=False),
    scratch_types=[
        pltpu.VMEM((ET,), jnp.int32),
        pltpu.VMEM((2, CH), jnp.int32),
        pltpu.VMEM((2, CH), jnp.int32),
        pltpu.VMEM((2, CH), jnp.int32),
        pltpu.VMEM((2, CH, 128), jnp.float32),
        pltpu.VMEM((2, CH, DH), jnp.bfloat16),
        pltpu.VMEM((ST, 128), jnp.float32),
        pltpu.VMEM((ST, DH), jnp.bfloat16),
        pltpu.VMEM_SHARED((ACCN, DH), jnp.bfloat16),
        pltpu.SemaphoreType.DMA,
        pltpu.SemaphoreType.DMA,
    ],
)
def _edge_sc(src_hbm, dst_hbm, hp_hbm, out_hbm,
             srcv, dbuf, gbuf, ibuf, bufs, bbuf, stage, qtmp, acc,
             sem0, sem1):
    c = lax.axis_index("c")
    s = lax.axis_index("s")
    coff = c * NPAD
    pltpu.sync_copy(src_hbm.at[pl.ds(s * ET, ET)], srcv)

    def zwide(i, carry):
        for m in range(8):
            stage[i, pl.ds(m * 16, 16)] = jnp.zeros((16,), jnp.float32)
        return carry

    lax.fori_loop(0, ST, zwide, 0)

    def zq(i, carry):
        qtmp[i, :] = jnp.zeros((DH,), jnp.bfloat16)
        return carry

    lax.fori_loop(0, ST, zq, 0)

    def quarter(pq, carry):
        p = pq // NQTR
        qt = pq - p * NQTR
        lo = p * R
        cbase = qt * (ROWS_T // NQTR)

        def zcopy(k, carry1):
            pltpu.sync_copy(qtmp, acc.at[pl.ds(s * AT + k * ST, ST)])
            return carry1

        lax.fori_loop(0, AT // ST, zcopy, 0)
        plsc.subcore_barrier()

        def step(j, carry1):
            i0 = cbase + 2 * j
            ddesc = pltpu.async_copy(
                dst_hbm.at[pl.ds(s * ROWS_T + i0, 2)], dbuf, sem1)
            descs = []
            for k in range(2):
                for m in range(CH // 16):
                    v = srcv[pl.ds((i0 + k) * CH + m * 16, 16)]
                    gbuf[k, pl.ds(m * 16, 16)] = v + coff
                descs.append(pltpu.async_copy(
                    hp_hbm.at[gbuf.at[k]], bufs.at[k], sem0))
            ddesc.wait()
            for k in range(2):
                for m in range(CH // 16):
                    v = dbuf[k, pl.ds(m * 16, 16)]
                    vl = v - lo
                    inr = (vl >= 0) & (vl < R)
                    ibuf[k, pl.ds(m * 16, 16)] = jnp.where(
                        inr, vl, R + (v & (DUMP - 1)))
            for k in range(2):
                descs[k].wait()
                def cvt(e, carry2, k=k):
                    a = bufs[k, e, pl.ds(0, 16)]
                    b = bufs[k, e, pl.ds(16, 16)]
                    bbuf[k, e, :] = plsc.pack(
                        a, b, format=plsc.PackFormat.INTERLEAVED)
                    return carry2

                lax.fori_loop(0, CH, cvt, 0)

            def scat(k, carry2):
                pltpu.sync_copy(bbuf.at[k], acc.at[ibuf.at[k]], add=True)
                return carry2

            lax.fori_loop(0, 2, scat, 0)
            return carry1

        lax.fori_loop(0, ROWS_T // (2 * NQTR), step, 0)
        plsc.subcore_barrier()

        def rcopy(k, carry1):
            pltpu.sync_copy(acc.at[pl.ds(s * AT + k * ST, ST)], qtmp)

            def comb(i, carry2):
                a, b = plsc.unpack(
                    qtmp[i, :], format=plsc.PackFormat.INTERLEAVED)
                stage[i, pl.ds(0, 16)] = a
                stage[i, pl.ds(16, 16)] = b
                return carry2

            lax.fori_loop(0, ST, comb, 0)
            pltpu.sync_copy(
                stage,
                out_hbm.at[pl.ds((qt * 2 + c) * NPAD + lo
                                 + s * AT + k * ST, ST)])
            return carry1

        lax.fori_loop(0, AT // ST, rcopy, 0)
        lax.fori_loop(0, ST, zq, 0)
        return carry

    lax.fori_loop(0, NPASS * NQTR, quarter, 0)



def _mm_body(x_ref, w_ref, o_ref):
    o_ref[...] = jnp.dot(x_ref[...], w_ref[...],
                         preferred_element_type=jnp.float32)


def _mm0_body(x_ref, w_ref, o_ref):
    i = pl.program_id(0)
    ridx = i * BR + lax.broadcasted_iota(jnp.int32, (BR, 1), 0)
    xv = jnp.where(ridx < N, x_ref[...], 0.0)
    o_ref[...] = jnp.dot(xv, w_ref[...], preferred_element_type=jnp.float32)


def _mm(xp, W, body=_mm_body):
    return pl.pallas_call(
        body,
        grid=(GRID,),
        in_specs=[pl.BlockSpec((BR, D), lambda i: (i, 0)),
                  pl.BlockSpec((D, D), lambda i: (0, 0))],
        out_specs=pl.BlockSpec((BR, D), lambda i: (i, 0)),
        out_shape=jax.ShapeDtypeStruct((NPAD, D), jnp.float32),
    )(xp, W)


def _scale_body(c_ref, h_ref, dinv_ref, hp_ref):
    deg = jnp.sum(c_ref[...], axis=0) + 1.0
    dinv = lax.rsqrt(deg)
    dinv_ref[...] = dinv
    hp = h_ref[...] * dinv[:, None]
    z = jnp.zeros((BR, 128 - DH), jnp.float32)
    hp_ref[0, :, :] = jnp.concatenate([hp[:, :DH], z], axis=-1)
    hp_ref[1, :, :] = jnp.concatenate([hp[:, DH:], z], axis=-1)


def _scale(c32, h):
    return pl.pallas_call(
        _scale_body,
        grid=(GRID,),
        in_specs=[pl.BlockSpec((32, BR), lambda i: (0, i)),
                  pl.BlockSpec((BR, D), lambda i: (i, 0))],
        out_specs=[pl.BlockSpec((BR,), lambda i: (i,)),
                   pl.BlockSpec((2, BR, 128), lambda i: (0, i, 0))],
        out_shape=[jax.ShapeDtypeStruct((NPAD,), jnp.float32),
                   jax.ShapeDtypeStruct((2, NPAD, 128), jnp.float32)],
    )(c32, h)


def _epiA_body(s_ref, h_ref, dinv_ref, b_ref, o_ref, a_ref, q_ref):
    i = pl.program_id(0)
    s0 = ((s_ref[0, :, :DH] + s_ref[2, :, :DH])
          + (s_ref[4, :, :DH] + s_ref[6, :, :DH]))
    s1 = ((s_ref[1, :, :DH] + s_ref[3, :, :DH])
          + (s_ref[5, :, :DH] + s_ref[7, :, :DH]))
    sc = jnp.concatenate([s0, s1], axis=-1)
    dinv = dinv_ref[...]
    out = (sc + h_ref[...] * dinv[:, None]) * dinv[:, None] + b_ref[...][None, :]
    o_ref[...] = out
    ridx = i * BR + lax.broadcasted_iota(jnp.int32, (BR, 1), 0)
    om = jnp.where(ridx < N, out, 0.0)
    ps = jnp.sum(om.reshape(8, BR // 8, D), axis=1)
    psq = jnp.sum((om * om).reshape(8, BR // 8, D), axis=1)

    @pl.when(i == 0)
    def _():
        a_ref[...] = ps
        q_ref[...] = psq

    @pl.when(i > 0)
    def _():
        a_ref[...] += ps
        q_ref[...] += psq


def _epiA(S, h, dinv, b):
    return pl.pallas_call(
        _epiA_body,
        grid=(GRID,),
        in_specs=[pl.BlockSpec((8, BR, 128), lambda i: (0, i, 0)),
                  pl.BlockSpec((BR, D), lambda i: (i, 0)),
                  pl.BlockSpec((BR,), lambda i: (i,)),
                  pl.BlockSpec((D,), lambda i: (0,))],
        out_specs=[pl.BlockSpec((BR, D), lambda i: (i, 0)),
                   pl.BlockSpec((8, D), lambda i: (0, 0)),
                   pl.BlockSpec((8, D), lambda i: (0, 0))],
        out_shape=[jax.ShapeDtypeStruct((NPAD, D), jnp.float32),
                   jax.ShapeDtypeStruct((8, D), jnp.float32),
                   jax.ShapeDtypeStruct((8, D), jnp.float32)],
    )(S, h, dinv, b)


def _epiB_body(o_ref, a_ref, q_ref, g_ref, be_ref, y_ref):
    tot = jnp.sum(a_ref[...], axis=0)
    totq = jnp.sum(q_ref[...], axis=0)
    mean = tot * (1.0 / N)
    var = totq * (1.0 / N) - mean * mean
    inv = lax.rsqrt(var + 1e-5) * g_ref[...]
    yv = (o_ref[...] - mean[None, :]) * inv[None, :] + be_ref[...][None, :]
    y_ref[...] = jnp.where(yv >= 0, yv, 0.01 * yv)


def _epiB(o, a, q, g, be, out_rows=NPAD):
    return pl.pallas_call(
        _epiB_body,
        grid=(GRID,),
        in_specs=[pl.BlockSpec((BR, D), lambda i: (i, 0)),
                  pl.BlockSpec((8, D), lambda i: (0, 0)),
                  pl.BlockSpec((8, D), lambda i: (0, 0)),
                  pl.BlockSpec((D,), lambda i: (0,)),
                  pl.BlockSpec((D,), lambda i: (0,))],
        out_specs=pl.BlockSpec((BR, D), lambda i: (i, 0)),
        out_shape=jax.ShapeDtypeStruct((out_rows, D), jnp.float32),
    )(o, a, q, g, be)



def kernel(x, edge_index, W1, b1, g1, be1, W2, b2, g2, be2):
    src = edge_index[0]
    dst = edge_index[1]
    pad = N + (jnp.arange(EPAD - E, dtype=jnp.int32) % (NPAD - N))
    srcp = jnp.concatenate([src, pad])
    dflat = jnp.concatenate([dst, pad])
    dstp = dflat.reshape(ROWS_ALL, CH)

    c32 = _deg_sc(dflat).reshape(32, NPAD)
    h1 = _mm(x, W1, body=_mm0_body)
    dinv, hp1 = _scale(c32, h1)
    S1 = _edge_sc(srcp, dstp, hp1.reshape(2 * NPAD, 128)).reshape(8, NPAD, 128)
    o1, a1, q1 = _epiA(S1, h1, dinv, b1)
    y1 = _epiB(o1, a1, q1, g1, be1)
    h2 = _mm(y1, W2)
    _, hp2 = _scale(c32, h2)
    S2 = _edge_sc(srcp, dstp, hp2.reshape(2 * NPAD, 128)).reshape(8, NPAD, 128)
    o2, a2, q2 = _epiA(S2, h2, dinv, b2)
    return _epiB(o2, a2, q2, g2, be2, out_rows=N)

# --- scband reference (transcript-rebuilt; emitter-appended) ---
"""Pipeline reference for scband-gcn-76802605187214 (READ-ONLY COPY).

The authoritative reference and input builder live on the scoring server;
editing this copy changes nothing except your own understanding.
"""

import jax, jax.numpy as jnp
import numpy as np

N = 50000
E = 800000
D = 64
H = 64


def setup_inputs(seed: int = 0) -> dict:
    key = jax.random.key(seed)
    ks = jax.random.split(key, 12)
    x = jax.random.normal(ks[0], (N, D), dtype=jnp.float32)
    edge_index = jax.random.randint(ks[1], (2, E), 0, N, dtype=jnp.int32)
    s = 1.0 / np.sqrt(D)
    W1 = jax.random.uniform(ks[2], (D, H), dtype=jnp.float32, minval=-s, maxval=s)
    b1 = jnp.zeros((H,), dtype=jnp.float32)
    g1 = jnp.ones((H,), dtype=jnp.float32)
    be1 = jnp.zeros((H,), dtype=jnp.float32)
    s2 = 1.0 / np.sqrt(H)
    W2 = jax.random.uniform(ks[3], (H, D), dtype=jnp.float32, minval=-s2, maxval=s2)
    b2 = jnp.zeros((D,), dtype=jnp.float32)
    g2 = jnp.ones((D,), dtype=jnp.float32)
    be2 = jnp.zeros((D,), dtype=jnp.float32)
    return {"x": x, "edge_index": edge_index, "W1": W1, "b1": b1, "g1": g1, "be1": be1, "W2": W2, "b2": b2, "g2": g2, "be2": be2}


def _gcn_norm(edge_index, n_nodes):
    # add self loops, compute symmetric normalization D^{-1/2} A_hat D^{-1/2}
    loop = jnp.arange(n_nodes, dtype=edge_index.dtype)
    src = jnp.concatenate([edge_index[0], loop])
    dst = jnp.concatenate([edge_index[1], loop])
    ones = jnp.ones(src.shape[0], dtype=jnp.float32)
    deg = jax.ops.segment_sum(ones, dst, num_segments=n_nodes)
    dinv = jnp.where(deg > 0, 1.0 / jnp.sqrt(deg), 0.0)
    norm = dinv[src] * dinv[dst]
    return src, dst, norm


def _gcn_conv(x, src, dst, norm, W, b, n_nodes):
    h = x @ W
    msg = h[src] * norm[:, None]
    out = jax.ops.segment_sum(msg, dst, num_segments=n_nodes)
    return out + b


def _batch_norm(x, gamma, beta, eps=1e-5):
    mean = jnp.mean(x, axis=0)
    var = jnp.mean((x - mean) ** 2, axis=0)
    return (x - mean) / jnp.sqrt(var + eps) * gamma + beta


def reference(x, edge_index, W1, b1, g1, be1, W2, b2, g2, be2):
    src, dst, norm = _gcn_norm(edge_index, N)
    h = _gcn_conv(x, src, dst, norm, W1, b1, N)
    h = jax.nn.leaky_relu(_batch_norm(h, g1, be1), negative_slope=0.01)
    # dropout p=0.0 -> identity
    h = _gcn_conv(h, src, dst, norm, W2, b2, N)
    h = jax.nn.leaky_relu(_batch_norm(h, g2, be2), negative_slope=0.01)
    return h

if __name__ == "__main__":
    import jax
    _d = setup_inputs()
    print(jax.jit(kernel)(*tuple(_d.values())))

</pallas_src>

<mosaic_0001>
#map = affine_map<(d0, d1) -> (0)>
module attributes {stable_mosaic.version = 14 : i64} {
  func.func @_deg_sc(%arg0: i32, %arg1: i32, %arg2: memref<819200xi32, #tpu.memory_space<hbm>>, %arg3: memref<1605632xf32, #tpu.memory_space<hbm>>, %arg4: memref<25600xi32, #tpu.memory_space<vmem>>, %arg5: memref<50176xf32, #tpu.memory_space<vmem>>) attributes {dimension_semantics = [#tpu.dimension_semantics<core_parallel>, #tpu.dimension_semantics<subcore_parallel>], iteration_bounds = array<i64: 2, 16>, scalar_prefetch = 0 : i64, scratch_operands = 2 : i64, tpu.core_type = #tpu.core_type<sc_vector_subcore>, window_params = [{transform_indices = #map}, {transform_indices = #map}]} {
    %mul3A = arith.constant 16 : i32
    %mul3A_0 = arith.muli %arg0, %mul3A : i32
    %add3A = arith.addi %mul3A_0, %arg1 : i32
    %mul3A_1 = arith.constant 25600 : i32
    %mul3A_2 = arith.muli %add3A, %mul3A_1 : i32
    "tpu.region"() ({
      %run_scoped3A = tpu.sem_alloc : memref<!tpu.dma_semaphore, #tpu.memory_space<semaphore_mem>>
      %dma_start3A = tpu.memref_slice %arg2[%mul3A_2] : memref<819200xi32, #tpu.memory_space<hbm>> -> memref<25600xi32, #tpu.memory_space<hbm>>
      %dma_start3A_17 = tpu.memref_slice %arg2[%mul3A_2] : memref<819200xi32, #tpu.memory_space<hbm>> -> memref<25600xi32, #tpu.memory_space<hbm>>
      tpu.enqueue_dma source(%dma_start3A_17 : memref<25600xi32, #tpu.memory_space<hbm>>) target(%arg4 : memref<25600xi32, #tpu.memory_space<vmem>>) target_semaphore(%run_scoped3A : memref<!tpu.dma_semaphore, #tpu.memory_space<semaphore_mem>>)
      %dma_wait3A = tpu.memref_slice %arg2[%mul3A_2] : memref<819200xi32, #tpu.memory_space<hbm>> -> memref<25600xi32, #tpu.memory_space<hbm>>
      %dma_wait3A_18 = tpu.memref_slice %arg2[%mul3A_2] : memref<819200xi32, #tpu.memory_space<hbm>> -> memref<25600xi32, #tpu.memory_space<hbm>>
      tpu.wait_dma2 semaphore(%run_scoped3A : memref<!tpu.dma_semaphore, #tpu.memory_space<semaphore_mem>>) src(%dma_wait3A_18 : memref<25600xi32, #tpu.memory_space<hbm>>) dst(%arg4 : memref<25600xi32, #tpu.memory_space<vmem>>)
      tpu.yield
    }) : () -> ()
    %scan3A = arith.constant 0 : i32
    %scan3A_3 = arith.constant 0 : i32
    %scan3A_4 = arith.constant 3136 : i32
    %scan3A_5 = arith.addi %scan3A_3, %scan3A_4 : i32
    %scan3A_6 = arith.constant 1 : i32
    scf.for %scan3A_17 = %scan3A_3 to %scan3A_5 step %scan3A_6  : i32 {
      %broadcast_in_dim3A_18 = arith.constant 0.000000e+00 : f32
      %broadcast_in_dim3A_19 = vector.broadcast %broadcast_in_dim3A_18 : f32 to vector<16xf32>
      %mul3A_20 = arith.constant 16 : i32
      %mul3A_21 = arith.muli %scan3A_17, %mul3A_20 : i32
      %swap3A = arith.index_cast %mul3A_21 : i32 to index
      %swap3A_22 = tpu.vector_load %arg5[%swap3A] {strides = array<i32>} : memref<50176xf32, #tpu.memory_space<vmem>>, vector<16xf32>,
      tpu.vector_store %arg5[%swap3A], %broadcast_in_dim3A_19 {strides = array<i32>} : memref<50176xf32, #tpu.memory_space<vmem>>, vector<16xf32>,
    }
    %scan3A_7 = arith.constant 3136 : i32
    %broadcast_in_dim3A = arith.constant 1.000000e+00 : f32
    %broadcast_in_dim3A_8 = vector.broadcast %broadcast_in_dim3A : f32 to vector<16xf32>
    %scan3A_9 = arith.constant 0 : i32
    %scan3A_10 = arith.constant 0 : i32
    %scan3A_11 = arith.constant 1600 : i32
    %scan3A_12 = arith.addi %scan3A_10, %scan3A_11 : i32
    %scan3A_13 = arith.constant 1 : i32
    scf.for %scan3A_17 = %scan3A_10 to %scan3A_12 step %scan3A_13  : i32 {
      %mul3A_18 = arith.constant 16 : i32
      %mul3A_19 = arith.muli %scan3A_17, %mul3A_18 : i32
      %get3A = arith.index_cast %mul3A_19 : i32 to index
      %get3A_20 = tpu.vector_load %arg4[%get3A] {strides = array<i32>} : memref<25600xi32, #tpu.memory_space<vmem>>, vector<16xi32>,
      tpu.vector_store_idx %arg5[%get3A_20], %broadcast_in_dim3A_8 {add = true} : memref<50176xf32, #tpu.memory_space<vmem>>[vector<16xi32>], vector<16xf32>,
    }
    %scan3A_14 = arith.constant 1600 : i32
    %mul3A_15 = arith.constant 50176 : i32
    %mul3A_16 = arith.muli %add3A, %mul3A_15 : i32
    "tpu.region"() ({
      %run_scoped3A = tpu.sem_alloc : memref<!tpu.dma_semaphore, #tpu.memory_space<semaphore_mem>>
      %dma_start3A = tpu.memref_slice %arg3[%mul3A_16] : memref<1605632xf32, #tpu.memory_space<hbm>> -> memref<50176xf32, #tpu.memory_space<hbm>>
      %dma_start3A_17 = tpu.memref_slice %arg3[%mul3A_16] : memref<1605632xf32, #tpu.memory_space<hbm>> -> memref<50176xf32, #tpu.memory_space<hbm>>
      tpu.enqueue_dma source(%arg5 : memref<50176xf32, #tpu.memory_space<vmem>>) target(%dma_start3A_17 : memref<50176xf32, #tpu.memory_space<hbm>>) target_semaphore(%run_scoped3A : memref<!tpu.dma_semaphore, #tpu.memory_space<semaphore_mem>>)
      %dma_wait3A = tpu.memref_slice %arg3[%mul3A_16] : memref<1605632xf32, #tpu.memory_space<hbm>> -> memref<50176xf32, #tpu.memory_space<hbm>>
      %dma_wait3A_18 = tpu.memref_slice %arg3[%mul3A_16] : memref<1605632xf32, #tpu.memory_space<hbm>> -> memref<50176xf32, #tpu.memory_space<hbm>>
      tpu.wait_dma2 semaphore(%run_scoped3A : memref<!tpu.dma_semaphore, #tpu.memory_space<semaphore_mem>>) src(%arg5 : memref<50176xf32, #tpu.memory_space<vmem>>) dst(%dma_wait3A_18 : memref<50176xf32, #tpu.memory_space<hbm>>)
      tpu.yield
    }) : () -> ()
    return
  }
}

#map = affine_map<(d0, d1) -> (0)>
#map1 = affine_map<(d0, d1) -> (0, 0)>
module attributes {stable_mosaic.version = 14 : i64} {
  func.func @_edge_sc(%arg0: i32, %arg1: i32, %arg2: memref<819200xi32, #tpu.memory_space<hbm>>, %arg3: memref<6400x128xi32, #tpu.memory_space<hbm>>, %arg4: memref<100352x128xf32, #tpu.memory_space<hbm>>, %arg5: memref<401408x128xf32, #tpu.memory_space<hbm>>, %arg6: memref<51200xi32, #tpu.memory_space<vmem>>, %arg7: memref<2x128xi32, #tpu.memory_space<vmem>>, %arg8: memref<2x128xi32, #tpu.memory_space<vmem>>, %arg9: memref<2x128xi32, #tpu.memory_space<vmem>>, %arg10: memref<2x128x128xf32, #tpu.memory_space<vmem>>, %arg11: memref<2x128x32xbf16, #tpu.memory_space<vmem>>, %arg12: memref<98x128xf32, #tpu.memory_space<vmem>>, %arg13: memref<98x32xbf16, #tpu.memory_space<vmem>>, %arg14: memref<25152x32xbf16, #tpu.memory_space<vmem_shared>>, %arg15: memref<!tpu.dma_semaphore, #tpu.memory_space<semaphore_mem>>, %arg16: memref<!tpu.dma_semaphore, #tpu.memory_space<semaphore_mem>>) attributes {dimension_semantics = [#tpu.dimension_semantics<core_parallel>, #tpu.dimension_semantics<subcore_parallel>], iteration_bounds = array<i64: 2, 16>, scalar_prefetch = 0 : i64, scratch_operands = 11 : i64, tpu.core_type = #tpu.core_type<sc_vector_subcore>, window_params = [{transform_indices = #map}, {transform_indices = #map1}, {transform_indices = #map1}, {transform_indices = #map1}]} {
    %mul3A = arith.constant 50176 : i32
    %mul3A_0 = arith.muli %arg0, %mul3A : i32
    %mul3A_1 = arith.constant 51200 : i32
    %mul3A_2 = arith.muli %arg1, %mul3A_1 : i32
    "tpu.region"() ({
      %run_scoped3A = tpu.sem_alloc : memref<!tpu.dma_semaphore, #tpu.memory_space<semaphore_mem>>
      %dma_start3A = tpu.memref_slice %arg2[%mul3A_2] : memref<819200xi32, #tpu.memory_space<hbm>> -> memref<51200xi32, #tpu.memory_space<hbm>>
      %dma_start3A_20 = tpu.memref_slice %arg2[%mul3A_2] : memref<819200xi32, #tpu.memory_space<hbm>> -> memref<51200xi32, #tpu.memory_space<hbm>>
      tpu.enqueue_dma source(%dma_start3A_20 : memref<51200xi32, #tpu.memory_space<hbm>>) target(%arg6 : memref<51200xi32, #tpu.memory_space<vmem>>) target_semaphore(%run_scoped3A : memref<!tpu.dma_semaphore, #tpu.memory_space<semaphore_mem>>)
      %dma_wait3A = tpu.memref_slice %arg2[%mul3A_2] : memref<819200xi32, #tpu.memory_space<hbm>> -> memref<51200xi32, #tpu.memory_space<hbm>>
      %dma_wait3A_21 = tpu.memref_slice %arg2[%mul3A_2] : memref<819200xi32, #tpu.memory_space<hbm>> -> memref<51200xi32, #tpu.memory_space<hbm>>
      tpu.wait_dma2 semaphore(%run_scoped3A : memref<!tpu.dma_semaphore, #tpu.memory_space<semaphore_mem>>) src(%dma_wait3A_21 : memref<51200xi32, #tpu.memory_space<hbm>>) dst(%arg6 : memref<51200xi32, #tpu.memory_space<vmem>>)
      tpu.yield
    }) : () -> ()
    %scan3A = arith.constant 0 : i32
    %scan3A_3 = arith.constant 0 : i32
    %scan3A_4 = arith.constant 98 : i32
    %scan3A_5 = arith.addi %scan3A_3, %scan3A_4 : i32
    %scan3A_6 = arith.constant 1 : i32
    scf.for %scan3A_20 = %scan3A_3 to %scan3A_5 step %scan3A_6  : i32 {
      %broadcast_in_dim3A = arith.constant 0.000000e+00 : f32
      %broadcast_in_dim3A_21 = vector.broadcast %broadcast_in_dim3A : f32 to vector<16xf32>
      %swap3A = arith.index_cast %scan3A_20 : i32 to index
      %swap3A_22 = arith.constant 0 : index
      %swap3A_23 = tpu.vector_load %arg12[%swap3A, %swap3A_22] {strides = array<i32>} : memref<98x128xf32, #tpu.memory_space<vmem>>, vector<16xf32>,
      tpu.vector_store %arg12[%swap3A, %swap3A_22], %broadcast_in_dim3A_21 {strides = array<i32>} : memref<98x128xf32, #tpu.memory_space<vmem>>, vector<16xf32>,
      %broadcast_in_dim3A_24 = arith.constant 0.000000e+00 : f32
      %broadcast_in_dim3A_25 = vector.broadcast %broadcast_in_dim3A_24 : f32 to vector<16xf32>
      %swap3A_26 = arith.index_cast %scan3A_20 : i32 to index
      %swap3A_27 = arith.constant 16 : index
      %swap3A_28 = tpu.vector_load %arg12[%swap3A_26, %swap3A_27] {strides = array<i32>} : memref<98x128xf32, #tpu.memory_space<vmem>>, vector<16xf32>,
      tpu.vector_store %arg12[%swap3A_26, %swap3A_27], %broadcast_in_dim3A_25 {strides = array<i32>} : memref<98x128xf32, #tpu.memory_space<vmem>>, vector<16xf32>,
      %broadcast_in_dim3A_29 = arith.constant 0.000000e+00 : f32
      %broadcast_in_dim3A_30 = vector.broadcast %broadcast_in_dim3A_29 : f32 to vector<16xf32>
      %swap3A_31 = arith.index_cast %scan3A_20 : i32 to index
      %swap3A_32 = arith.constant 32 : index
      %swap3A_33 = tpu.vector_load %arg12[%swap3A_31, %swap3A_32] {strides = array<i32>} : memref<98x128xf32, #tpu.memory_space<vmem>>, vector<16xf32>,
      tpu.vector_store %arg12[%swap3A_31, %swap3A_32], %broadcast_in_dim3A_30 {strides = array<i32>} : memref<98x128xf32, #tpu.memory_space<vmem>>, vector<16xf32>,
      %broadcast_in_dim3A_34 = arith.constant 0.000000e+00 : f32
      %broadcast_in_dim3A_35 = vector.broadcast %broadcast_in_dim3A_34 : f32 to vector<16xf32>
      %swap3A_36 = arith.index_cast %scan3A_20 : i32 to index
      %swap3A_37 = arith.constant 48 : index
      %swap3A_38 = tpu.vector_load %arg12[%swap3A_36, %swap3A_37] {strides = array<i32>} : memref<98x128xf32, #tpu.memory_space<vmem>>, vector<16xf32>,
      tpu.vector_store %arg12[%swap3A_36, %swap3A_37], %broadcast_in_dim3A_35 {strides = array<i32>} : memref<98x128xf32, #tpu.memory_space<vmem>>, vector<16xf32>,
      %broadcast_in_dim3A_39 = arith.constant 0.000000e+00 : f32
      %broadcast_in_dim3A_40 = vector.broadcast %broadcast_in_dim3A_39 : f32 to vector<16xf32>
      %swap3A_41 = arith.index_cast %scan3A_20 : i32 to index
      %swap3A_42 = arith.constant 64 : index
      %swap3A_43 = tpu.vector_load %arg12[%swap3A_41, %swap3A_42] {strides = array<i32>} : memref<98x128xf32, #tpu.memory_space<vmem>>, vector<16xf32>,
      tpu.vector_store %arg12[%swap3A_41, %swap3A_42], %broadcast_in_dim3A_40 {strides = array<i32>} : memref<98x128xf32, #tpu.memory_space<vmem>>, vector<16xf32>,
      %broadcast_in_dim3A_44 = arith.constant 0.000000e+00 : f32
      %broadcast_in_dim3A_45 = vector.broadcast %broadcast_in_dim3A_44 : f32 to vector<16xf32>
      %swap3A_46 = arith.index_cast %scan3A_20 : i32 to index
      %swap3A_47 = arith.constant 80 : index
      %swap3A_48 = tpu.vector_load %arg12[%swap3A_46, %swap3A_47] {strides = array<i32>} : memref<98x128xf32, #tpu.memory_space<vmem>>, vector<16xf32>,
      tpu.vector_store %arg12[%swap3A_46, %swap3A_47], %broadcast_in_dim3A_45 {strides = array<i32>} : memref<98x128xf32, #tpu.memory_space<vmem>>, vector<16xf32>,
      %broadcast_in_dim3A_49 = arith.constant 0.000000e+00 : f32
      %broadcast_in_dim3A_50 = vector.broadcast %broadcast_in_dim3A_49 : f32 to vector<16xf32>
      %swap3A_51 = arith.index_cast %scan3A_20 : i32 to index
      %swap3A_52 = arith.constant 96 : index
      %swap3A_53 = tpu.vector_load %arg12[%swap3A_51, %swap3A_52] {strides = array<i32>} : memref<98x128xf32, #tpu.memory_space<vmem>>, vector<16xf32>,
      tpu.vector_store %arg12[%swap3A_51, %swap3A_52], %broadcast_in_dim3A_50 {strides = array<i32>} : memref<98x128xf32, #tpu.memory_space<vmem>>, vector<16xf32>,
      %broadcast_in_dim3A_54 = arith.constant 0.000000e+00 : f32
      %broadcast_in_dim3A_55 = vector.broadcast %broadcast_in_dim3A_54 : f32 to vector<16xf32>
      %swap3A_56 = arith.index_cast %scan3A_20 : i32 to index
      %swap3A_57 = arith.constant 112 : index
      %swap3A_58 = tpu.vector_load %arg12[%swap3A_56, %swap3A_57] {strides = array<i32>} : memref<98x128xf32, #tpu.memory_space<vmem>>, vector<16xf32>,
      tpu.vector_store %arg12[%swap3A_56, %swap3A_57], %broadcast_in_dim3A_55 {strides = array<i32>} : memref<98x128xf32, #tpu.memory_space<vmem>>, vector<16xf32>,
    }
    %scan3A_7 = arith.constant 98 : i32
    %scan3A_8 = arith.constant 0 : i32
    %scan3A_9 = arith.constant 0 : i32
    %scan3A_10 = arith.constant 98 : i32
    %scan3A_11 = arith.addi %scan3A_9, %scan3A_10 : i32
    %scan3A_12 = arith.constant 1 : i32
    scf.for %scan3A_20 = %scan3A_9 to %scan3A_11 step %scan3A_12  : i32 {
      %broadcast_in_dim3A = arith.constant 0.000000e+00 : bf16
      %broadcast_in_dim3A_21 = vector.broadcast %broadcast_in_dim3A : bf16 to vector<32xbf16>
      %swap3A = arith.index_cast %scan3A_20 : i32 to index
      %swap3A_22 = arith.constant 0 : index
      %swap3A_23 = tpu.vector_load %arg13[%swap3A, %swap3A_22] {strides = array<i32>} : memref<98x32xbf16, #tpu.memory_space<vmem>>, vector<32xbf16>,
      tpu.vector_store %arg13[%swap3A, %swap3A_22], %broadcast_in_dim3A_21 {strides = array<i32>} : memref<98x32xbf16, #tpu.memory_space<vmem>>, vector<32xbf16>,
    }
    %scan3A_13 = arith.constant 98 : i32
    %scan3A_14 = arith.constant 0 : i32
    %scan3A_15 = arith.constant 0 : i32
    %scan3A_16 = arith.constant 8 : i32
    %scan3A_17 = arith.addi %scan3A_15, %scan3A_16 : i32
    %scan3A_18 = arith.constant 1 : i32
    scf.for %scan3A_20 = %scan3A_15 to %scan3A_17 step %scan3A_18  : i32 {
      %jit3A = arith.constant 4 : i32
      %div3A = arith.divsi %scan3A_20, %jit3A : i32
      %sign3A = arith.constant 0 : i32
      %sign3A_21 = arith.cmpi sgt, %scan3A_20, %sign3A : i32
      %sign3A_22 = arith.extui %sign3A_21 : i1 to i32
      %sign3A_23 = arith.constant 0 : i32
      %sign3A_24 = arith.cmpi slt, %scan3A_20, %sign3A_23 : i32
      %sign3A_25 = arith.extui %sign3A_24 : i1 to i32
      %sign3A_26 = arith.subi %sign3A_22, %sign3A_25 : i32
      %sign3A_27 = arith.constant 0 : i32
      %sign3A_28 = arith.cmpi sgt, %jit3A, %sign3A_27 : i32
      %sign3A_29 = arith.extui %sign3A_28 : i1 to i32
      %sign3A_30 = arith.constant 0 : i32
      %sign3A_31 = arith.cmpi slt, %jit3A, %sign3A_30 : i32
      %sign3A_32 = arith.extui %sign3A_31 : i1 to i32
      %sign3A_33 = arith.subi %sign3A_29, %sign3A_32 : i32
      %ne3A = arith.cmpi ne, %sign3A_26, %sign3A_33 : i32
      %rem3A = arith.remsi %scan3A_20, %jit3A : i32
      %ne3A_34 = arith.constant 0 : i32
      %ne3A_35 = arith.cmpi ne, %rem3A, %ne3A_34 : i32
      %and3A = arith.andi %ne3A, %ne3A_35 : i1
      %sub3A = arith.constant 1 : i32
      %sub3A_36 = arith.subi %div3A, %sub3A : i32
      %select_n3A = arith.select %and3A, %sub3A_36, %div3A : i32
      %mul3A_37 = arith.constant 4 : i32
      %mul3A_38 = arith.muli %select_n3A, %mul3A_37 : i32
      %sub3A_39 = arith.subi %scan3A_20, %mul3A_38 : i32
      %mul3A_40 = arith.constant 25088 : i32
      %mul3A_41 = arith.muli %select_n3A, %mul3A_40 : i32
      %mul3A_42 = arith.constant 100 : i32
      %mul3A_43 = arith.muli %sub3A_39, %mul3A_42 : i32
      %scan3A_44 = arith.constant 0 : i32
      %scan3A_45 = arith.constant 0 : i32
      %scan3A_46 = arith.constant 16 : i32
      %scan3A_47 = arith.addi %scan3A_45, %scan3A_46 : i32
      %scan3A_48 = arith.constant 1 : i32
      scf.for %scan3A_69 = %scan3A_45 to %scan3A_47 step %scan3A_48  : i32 {
        %mul3A_70 = arith.constant 1568 : i32
        %mul3A_71 = arith.muli %arg1, %mul3A_70 : i32
        %mul3A_72 = arith.constant 98 : i32
        %mul3A_73 = arith.muli %scan3A_69, %mul3A_72 : i32
        %add3A = arith.addi %mul3A_71, %mul3A_73 : i32
        "tpu.region"() ({
          %run_scoped3A = tpu.sem_alloc : memref<!tpu.dma_semaphore, #tpu.memory_space<semaphore_mem>>
          %dma_start3A = arith.constant 0 : i32
          %dma_start3A_74 = tpu.memref_slice %arg14[%add3A, %dma_start3A] : memref<25152x32xbf16, #tpu.memory_space<vmem_shared>> -> memref<98x32xbf16, #tpu.memory_space<vmem_shared>>
          %dma_start3A_75 = arith.constant 0 : i32
          %dma_start3A_76 = tpu.memref_slice %arg14[%add3A, %dma_start3A_75] : memref<25152x32xbf16, #tpu.memory_space<vmem_shared>> -> memref<98x32xbf16, #tpu.memory_space<vmem_shared>>
          tpu.enqueue_dma source(%arg13 : memref<98x32xbf16, #tpu.memory_space<vmem>>) target(%dma_start3A_76 : memref<98x32xbf16, #tpu.memory_space<vmem_shared>>) target_semaphore(%run_scoped3A : memref<!tpu.dma_semaphore, #tpu.memory_space<semaphore_mem>>)
          %dma_wait3A = arith.constant 0 : i32
          %dma_wait3A_77 = tpu.memref_slice %arg14[%add3A, %dma_wait3A] : memref<25152x32xbf16, #tpu.memory_space<vmem_shared>> -> memref<98x32xbf16, #tpu.memory_space<vmem_shared>>
          %dma_wait3A_78 = arith.constant 0 : i32
          %dma_wait3A_79 = tpu.memref_slice %arg14[%add3A, %dma_wait3A_78] : memref<25152x32xbf16, #tpu.memory_space<vmem_shared>> -> memref<98x32xbf16, #tpu.memory_space<vmem_shared>>
          tpu.wait_dma2 semaphore(%run_scoped3A : memref<!tpu.dma_semaphore, #tpu.memory_space<semaphore_mem>>) src(%arg13 : memref<98x32xbf16, #tpu.memory_space<vmem>>) dst(%dma_wait3A_79 : memref<98x32xbf16, #tpu.memory_space<vmem_shared>>)
          tpu.yield
        }) : () -> ()
      }
      %scan3A_49 = arith.constant 16 : i32
      %barrier3A = arith.constant 0 : index
      tpu.barrier barrier_id(%barrier3A)
      %scan3A_50 = arith.constant 0 : i32
      %scan3A_51 = arith.constant 0 : i32
      %scan3A_52 = arith.constant 50 : i32
      %scan3A_53 = arith.addi %scan3A_51, %scan3A_52 : i32
      %scan3A_54 = arith.constant 1 : i32
      scf.for %scan3A_69 = %scan3A_51 to %scan3A_53 step %scan3A_54  : i32 {
        %mul3A_70 = arith.constant 2 : i32
        %mul3A_71 = arith.muli %mul3A_70, %scan3A_69 : i32
        %add3A = arith.addi %mul3A_43, %mul3A_71 : i32
        %mul3A_72 = arith.constant 400 : i32
        %mul3A_73 = arith.muli %arg1, %mul3A_72 : i32
        %add3A_74 = arith.addi %mul3A_73, %add3A : i32
        %dma_start3A = arith.constant 0 : i32
        %dma_start3A_75 = tpu.memref_slice %arg3[%add3A_74, %dma_start3A] : memref<6400x128xi32, #tpu.memory_space<hbm>> -> memref<2x128xi32, #tpu.memory_space<hbm>>
        %dma_start3A_76 = arith.constant 0 : i32
        %dma_start3A_77 = tpu.memref_slice %arg3[%add3A_74, %dma_start3A_76] : memref<6400x128xi32, #tpu.memory_space<hbm>> -> memref<2x128xi32, #tpu.memory_space<hbm>>
        tpu.enqueue_dma source(%dma_start3A_77 : memref<2x128xi32, #tpu.memory_space<hbm>>) target(%arg7 : memref<2x128xi32, #tpu.memory_space<vmem>>) target_semaphore(%arg16 : memref<!tpu.dma_semaphore, #tpu.memory_space<semaphore_mem>>)
        %add3A_78 = arith.constant 0 : i32
        %add3A_79 = arith.addi %add3A, %add3A_78 : i32
        %mul3A_80 = arith.constant 128 : i32
        %mul3A_81 = arith.muli %add3A_79, %mul3A_80 : i32
        %add3A_82 = arith.constant 0 : i32
        %add3A_83 = arith.addi %mul3A_81, %add3A_82 : i32
        %get3A = arith.index_cast %add3A_83 : i32 to index
        %get3A_84 = tpu.vector_load %arg6[%get3A] {strides = array<i32>} : memref<51200xi32, #tpu.memory_space<vmem>>, vector<16xi32>,
        %add3A_85 = vector.broadcast %mul3A_0 : i32 to vector<16xi32>
        %add3A_86 = arith.addi %get3A_84, %add3A_85 : vector<16xi32>
        %swap3A = arith.constant 0 : i32
        %swap3A_87 = arith.index_cast %swap3A : i32 to index
        %swap3A_88 = arith.constant 0 : index
        %swap3A_89 = tpu.vector_load %arg8[%swap3A_87, %swap3A_88] {strides = array<i32>} : memref<2x128xi32, #tpu.memory_space<vmem>>, vector<16xi32>,
        tpu.vector_store %arg8[%swap3A_87, %swap3A_88], %add3A_86 {strides = array<i32>} : memref<2x128xi32, #tpu.memory_space<vmem>>, vector<16xi32>,
        %add3A_90 = arith.constant 0 : i32
        %add3A_91 = arith.addi %add3A, %add3A_90 : i32
        %mul3A_92 = arith.constant 128 : i32
        %mul3A_93 = arith.muli %add3A_91, %mul3A_92 : i32
        %add3A_94 = arith.constant 16 : i32
        %add3A_95 = arith.addi %mul3A_93, %add3A_94 : i32
        %get3A_96 = arith.index_cast %add3A_95 : i32 to index
        %get3A_97 = tpu.vector_load %arg6[%get3A_96] {strides = array<i32>} : memref<51200xi32, #tpu.memory_space<vmem>>, vector<16xi32>,
        %add3A_98 = vector.broadcast %mul3A_0 : i32 to vector<16xi32>
        %add3A_99 = arith.addi %get3A_97, %add3A_98 : vector<16xi32>
        %swap3A_100 = arith.constant 0 : i32
        %swap3A_101 = arith.index_cast %swap3A_100 : i32 to index
        %swap3A_102 = arith.constant 16 : index
        %swap3A_103 = tpu.vector_load %arg8[%swap3A_101, %swap3A_102] {strides = array<i32>} : memref<2x128xi32, #tpu.memory_space<vmem>>, vector<16xi32>,
        tpu.vector_store %arg8[%swap3A_101, %swap3A_102], %add3A_99 {strides = array<i32>} : memref<2x128xi32, #tpu.memory_space<vmem>>, vector<16xi32>,
        %add3A_104 = arith.constant 0 : i32
        %add3A_105 = arith.addi %add3A, %add3A_104 : i32
        %mul3A_106 = arith.constant 128 : i32
        %mul3A_107 = arith.muli %add3A_105, %mul3A_106 : i32
        %add3A_108 = arith.constant 32 : i32
        %add3A_109 = arith.addi %mul3A_107, %add3A_108 : i32
        %get3A_110 = arith.index_cast %add3A_109 : i32 to index
        %get3A_111 = tpu.vector_load %arg6[%get3A_110] {strides = array<i32>} : memref<51200xi32, #tpu.memory_space<vmem>>, vector<16xi32>,
        %add3A_112 = vector.broadcast %mul3A_0 : i32 to vector<16xi32>
        %add3A_113 = arith.addi %get3A_111, %add3A_112 : vector<16xi32>
        %swap3A_114 = arith.constant 0 : i32
        %swap3A_115 = arith.index_cast %swap3A_114 : i32 to index
        %swap3A_116 = arith.constant 32 : index
        %swap3A_117 = tpu.vector_load %arg8[%swap3A_115, %swap3A_116] {strides = array<i32>} : memref<2x128xi32, #tpu.memory_space<vmem>>, vector<16xi32>,
        tpu.vector_store %arg8[%swap3A_115, %swap3A_116], %add3A_113 {strides = array<i32>} : memref<2x128xi32, #tpu.memory_space<vmem>>, vector<16xi32>,
        %add3A_118 = arith.constant 0 : i32
        %add3A_119 = arith.addi %add3A, %add3A_118 : i32
        %mul3A_120 = arith.constant 128 : i32
        %mul3A_121 = arith.muli %add3A_119, %mul3A_120 : i32
        %add3A_122 = arith.constant 48 : i32
        %add3A_123 = arith.addi %mul3A_121, %add3A_122 : i32
        %get3A_124 = arith.index_cast %add3A_123 : i32 to index
        %get3A_125 = tpu.vector_load %arg6[%get3A_124] {strides = array<i32>} : memref<51200xi32, #tpu.memory_space<vmem>>, vector<16xi32>,
        %add3A_126 = vector.broadcast %mul3A_0 : i32 to vector<16xi32>
        %add3A_127 = arith.addi %get3A_125, %add3A_126 : vector<16xi32>
        %swap3A_128 = arith.constant 0 : i32
        %swap3A_129 = arith.index_cast %swap3A_128 : i32 to index
        %swap3A_130 = arith.constant 48 : index
        %swap3A_131 = tpu.vector_load %arg8[%swap3A_129, %swap3A_130] {strides = array<i32>} : memref<2x128xi32, #tpu.memory_space<vmem>>, vector<16xi32>,
        tpu.vector_store %arg8[%swap3A_129, %swap3A_130], %add3A_127 {strides = array<i32>} : memref<2x128xi32, #tpu.memory_space<vmem>>, vector<16xi32>,
        %add3A_132 = arith.constant 0 : i32
        %add3A_133 = arith.addi %add3A, %add3A_132 : i32
        %mul3A_134 = arith.constant 128 : i32
        %mul3A_135 = arith.muli %add3A_133, %mul3A_134 : i32
        %add3A_136 = arith.constant 64 : i32
        %add3A_137 = arith.addi %mul3A_135, %add3A_136 : i32
        %get3A_138 = arith.index_cast %add3A_137 : i32 to index
        %get3A_139 = tpu.vector_load %arg6[%get3A_138] {strides = array<i32>} : memref<51200xi32, #tpu.memory_space<vmem>>, vector<16xi32>,
        %add3A_140 = vector.broadcast %mul3A_0 : i32 to vector<16xi32>
        %add3A_141 = arith.addi %get3A_139, %add3A_140 : vector<16xi32>
        %swap3A_142 = arith.constant 0 : i32
        %swap3A_143 = arith.index_cast %swap3A_142 : i32 to index
        %swap3A_144 = arith.constant 64 : index
        %swap3A_145 = tpu.vector_load %arg8[%swap3A_143, %swap3A_144] {strides = array<i32>} : memref<2x128xi32, #tpu.memory_space<vmem>>, vector<16xi32>,
        tpu.vector_store %arg8[%swap3A_143, %swap3A_144], %add3A_141 {strides = array<i32>} : memref<2x128xi32, #tpu.memory_space<vmem>>, vector<16xi32>,
        %add3A_146 = arith.constant 0 : i32
        %add3A_147 = arith.addi %add3A, %add3A_146 : i32
        %mul3A_148 = arith.constant 128 : i32
        %mul3A_149 = arith.muli %add3A_147, %mul3A_148 : i32
        %add3A_150 = arith.constant 80 : i32
        %add3A_151 = arith.addi %mul3A_149, %add3A_150 : i32
        %get3A_152 = arith.index_cast %add3A_151 : i32 to index
        %get3A_153 = tpu.vector_load %arg6[%get3A_152] {strides = array<i32>} : memref<51200xi32, #tpu.memory_space<vmem>>, vector<16xi32>,
        %add3A_154 = vector.broadcast %mul3A_0 : i32 to vector<16xi32>
        %add3A_155 = arith.addi %get3A_153, %add3A_154 : vector<16xi32>
        %swap3A_156 = arith.constant 0 : i32
        %swap3A_157 = arith.index_cast %swap3A_156 : i32 to index
        %swap3A_158 = arith.constant 80 : index
        %swap3A_159 = tpu.vector_load %arg8[%swap3A_157, %swap3A_158] {strides = array<i32>} : memref<2x128xi32, #tpu.memory_space<vmem>>, vector<16xi32>,
        tpu.vector_store %arg8[%swap3A_157, %swap3A_158], %add3A_155 {strides = array<i32>} : memref<2x128xi32, #tpu.memory_space<vmem>>, vector<16xi32>,
        %add3A_160 = arith.constant 0 : i32
        %add3A_161 = arith.addi %add3A, %add3A_160 : i32
        %mul3A_162 = arith.constant 128 : i32
        %mul3A_163 = arith.muli %add3A_161, %mul3A_162 : i32
        %add3A_164 = arith.constant 96 : i32
        %add3A_165 = arith.addi %mul3A_163, %add3A_164 : i32
        %get3A_166 = arith.index_cast %add3A_165 : i32 to index
        %get3A_167 = tpu.vector_load %arg6[%get3A_166] {strides = array<i32>} : memref<51200xi32, #tpu.memory_space<vmem>>, vector<16xi32>,
        %add3A_168 = vector.broadcast %mul3A_0 : i32 to vector<16xi32>
        %add3A_169 = arith.addi %get3A_167, %add3A_168 : vector<16xi32>
        %swap3A_170 = arith.constant 0 : i32
        %swap3A_171 = arith.index_cast %swap3A_170 : i32 to index
        %swap3A_172 = arith.constant 96 : index
        %swap3A_173 = tpu.vector_load %arg8[%swap3A_171, %swap3A_172] {strides = array<i32>} : memref<2x128xi32, #tpu.memory_space<vmem>>, vector<16xi32>,
        tpu.vector_store %arg8[%swap3A_171, %swap3A_172], %add3A_169 {strides = array<i32>} : memref<2x128xi32, #tpu.memory_space<vmem>>, vector<16xi32>,
        %add3A_174 = arith.constant 0 : i32
        %add3A_175 = arith.addi %add3A, %add3A_174 : i32
        %mul3A_176 = arith.constant 128 : i32
        %mul3A_177 = arith.muli %add3A_175, %mul3A_176 : i32
        %add3A_178 = arith.constant 112 : i32
        %add3A_179 = arith.addi %mul3A_177, %add3A_178 : i32
        %get3A_180 = arith.index_cast %add3A_179 : i32 to index
        %get3A_181 = tpu.vector_load %arg6[%get3A_180] {strides = array<i32>} : memref<51200xi32, #tpu.memory_space<vmem>>, vector<16xi32>,
        %add3A_182 = vector.broadcast %mul3A_0 : i32 to vector<16xi32>
        %add3A_183 = arith.addi %get3A_181, %add3A_182 : vector<16xi32>
        %swap3A_184 = arith.constant 0 : i32
        %swap3A_185 = arith.index_cast %swap3A_184 : i32 to index
        %swap3A_186 = arith.constant 112 : index
        %swap3A_187 = tpu.vector_load %arg8[%swap3A_185, %swap3A_186] {strides = array<i32>} : memref<2x128xi32, #tpu.memory_space<vmem>>, vector<16xi32>,
        tpu.vector_store %arg8[%swap3A_185, %swap3A_186], %add3A_183 {strides = array<i32>} : memref<2x128xi32, #tpu.memory_space<vmem>>, vector<16xi32>,
        %dma_start3A_188 = arith.constant 0 : i32
        %dma_start3A_189 = arith.constant 0 : i32
        %dma_start3A_190 = arith.constant 0 : i32
        %dma_start3A_191 = arith.constant 0 : i32
        %dma_start3A_192 = tpu.memref_slice %arg10[%dma_start3A_189, %dma_start3A_190, %dma_start3A_191] : memref<2x128x128xf32, #tpu.memory_space<vmem>> -> memref<1x128x128xf32, #tpu.memory_space<vmem>>
        %dma_start3A_193 = tpu.memref_squeeze %dma_start3A_192 : memref<1x128x128xf32, #tpu.memory_space<vmem>> -> memref<128x128xf32, #tpu.memory_space<vmem>>
        %dma_start3A_194 = arith.constant 0 : i32
        %dma_start3A_195 = tpu.memref_slice %arg8[%dma_start3A_188, %dma_start3A_194] : memref<2x128xi32, #tpu.memory_space<vmem>> -> memref<1x128xi32, #tpu.memory_space<vmem>>
        %dma_start3A_196 = tpu.memref_squeeze %dma_start3A_195 : memref<1x128xi32, #tpu.memory_space<vmem>> -> memref<128xi32, #tpu.memory_space<vmem>>
        %dma_start3A_197 = arith.constant 0 : i32
        %dma_start3A_198 = arith.constant 0 : i32
        %dma_start3A_199 = tpu.memref_slice %arg4[%dma_start3A_197, %dma_start3A_198] : memref<100352x128xf32, #tpu.memory_space<hbm>> -> memref<100352x128xf32, #tpu.memory_space<hbm>>
        tpu.enqueue_indirect_dma source(%dma_start3A_199 : memref<100352x128xf32, #tpu.memory_space<hbm>>) target(%dma_start3A_193 : memref<128x128xf32, #tpu.memory_space<vmem>>) offsets(%dma_start3A_196 : memref<128xi32, #tpu.memory_space<vmem>>) semaphore(%arg15 : memref<!tpu.dma_semaphore, #tpu.memory_space<semaphore_mem>>)
        %add3A_200 = arith.constant 1 : i32
        %add3A_201 = arith.addi %add3A, %add3A_200 : i32
        %mul3A_202 = arith.constant 128 : i32
        %mul3A_203 = arith.muli %add3A_201, %mul3A_202 : i32
        %add3A_204 = arith.constant 0 : i32
        %add3A_205 = arith.addi %mul3A_203, %add3A_204 : i32
        %get3A_206 = arith.index_cast %add3A_205 : i32 to index
        %get3A_207 = tpu.vector_load %arg6[%get3A_206] {strides = array<i32>} : memref<51200xi32, #tpu.memory_space<vmem>>, vector<16xi32>,
        %add3A_208 = vector.broadcast %mul3A_0 : i32 to vector<16xi32>
        %add3A_209 = arith.addi %get3A_207, %add3A_208 : vector<16xi32>
        %swap3A_210 = arith.constant 1 : i32
        %swap3A_211 = arith.index_cast %swap3A_210 : i32 to index
        %swap3A_212 = arith.constant 0 : index
        %swap3A_213 = tpu.vector_load %arg8[%swap3A_211, %swap3A_212] {strides = array<i32>} : memref<2x128xi32, #tpu.memory_space<vmem>>, vector<16xi32>,
        tpu.vector_store %arg8[%swap3A_211, %swap3A_212], %add3A_209 {strides = array<i32>} : memref<2x128xi32, #tpu.memory_space<vmem>>, vector<16xi32>,
        %add3A_214 = arith.constant 1 : i32
        %add3A_215 = arith.addi %add3A, %add3A_214 : i32
        %mul3A_216 = arith.constant 128 : i32
        %mul3A_217 = arith.muli %add3A_215, %mul3A_216 : i32
        %add3A_218 = arith.constant 16 : i32
        %add3A_219 = arith.addi %mul3A_217, %add3A_218 : i32
        %get3A_220 = arith.index_cast %add3A_219 : i32 to index
        %get3A_221 = tpu.vector_load %arg6[%get3A_220] {strides = array<i32>} : memref<51200xi32, #tpu.memory_space<vmem>>, vector<16xi32>,
        %add3A_222 = vector.broadcast %mul3A_0 : i32 to vector<16xi32>
        %add3A_223 = arith.addi %get3A_221, %add3A_222 : vector<16xi32>
        %swap3A_224 = arith.constant 1 : i32
        %swap3A_225 = arith.index_cast %swap3A_224 : i32 to index
        %swap3A_226 = arith.constant 16 : index
        %swap3A_227 = tpu.vector_load %arg8[%swap3A_225, %swap3A_226] {strides = array<i32>} : memref<2x128xi32, #tpu.memory_space<vmem>>, vector<16xi32>,
        tpu.vector_store %arg8[%swap3A_225, %swap3A_226], %add3A_223 {strides = array<i32>} : memref<2x128xi32, #tpu.memory_space<vmem>>, vector<16xi32>,
        %add3A_228 = arith.constant 1 : i32
        %add3A_229 = arith.addi %add3A, %add3A_228 : i32
        %mul3A_230 = arith.constant 128 : i32
        %mul3A_231 = arith.muli %add3A_229, %mul3A_230 : i32
        %add3A_232 = arith.constant 32 : i32
        %add3A_233 = arith.addi %mul3A_231, %add3A_232 : i32
        %get3A_234 = arith.index_cast %add3A_233 : i32 to index
        %get3A_235 = tpu.vector_load %arg6[%get3A_234] {strides = array<i32>} : memref<51200xi32, #tpu.memory_space<vmem>>, vector<16xi32>,
        %add3A_236 = vector.broadcast %mul3A_0 : i32 to vector<16xi32>
        %add3A_237 = arith.addi %get3A_235, %add3A_236 : vector<16xi32>
        %swap3A_238 = arith.constant 1 : i32
        %swap3A_239 = arith.index_cast %swap3A_238 : i32 to index
        %swap3A_240 = arith.constant 32 : index
        %swap3A_241 = tpu.vector_load %arg8[%swap3A_239, %swap3A_240] {strides = array<i32>} : memref<2x128xi32, #tpu.memory_space<vmem>>, vector<16xi32>,
        tpu.vector_store %arg8[%swap3A_239, %swap3A_240], %add3A_237 {strides = array<i32>} : memref<2x128xi32, #tpu.memory_space<vmem>>, vector<16xi32>,
        %add3A_242 = arith.constant 1 : i32
        %add3A_243 = arith.addi %add3A, %add3A_242 : i32
        %mul3A_244 = arith.constant 128 : i32
        %mul3A_245 = arith.muli %add3A_243, %mul3A_244 : i32
        %add3A_246 = arith.constant 48 : i32
        %add3A_247 = arith.addi %mul3A_245, %add3A_246 : i32
        %get3A_248 = arith.index_cast %add3A_247 : i32 to index
        %get3A_249 = tpu.vector_load %arg6[%get3A_248] {strides = array<i32>} : memref<51200xi32, #tpu.memory_space<vmem>>, vector<16xi32>,
        %add3A_250 = vector.broadcast %mul3A_0 : i32 to vector<16xi32>
        %add3A_251 = arith.addi %get3A_249, %add3A_250 : vector<16xi32>
        %swap3A_252 = arith.constant 1 : i32
        %swap3A_253 = arith.index_cast %swap3A_252 : i32 to index
        %swap3A_254 = arith.constant 48 : index
        %swap3A_255 = tpu.vector_load %arg8[%swap3A_253, %swap3A_254] {strides = array<i32>} : memref<2x128xi32, #tpu.memory_space<vmem>>, vector<16xi32>,
        tpu.vector_store %arg8[%swap3A_253, %swap3A_254], %add3A_251 {strides = array<i32>} : memref<2x128xi32, #tpu.memory_space<vmem>>, vector<16xi32>,
        %add3A_256 = arith.constant 1 : i32
        %add3A_257 = arith.addi %add3A, %add3A_256 : i32
        %mul3A_258 = arith.constant 128 : i32
        %mul3A_259 = arith.muli %add3A_257, %mul3A_258 : i32
        %add3A_260 = arith.constant 64 : i32
        %add3A_261 = arith.addi %mul3A_259, %add3A_260 : i32
        %get3A_262 = arith.index_cast %add3A_261 : i32 to index
        %get3A_263 = tpu.vector_load %arg6[%get3A_262] {strides = array<i32>} : memref<51200xi32, #tpu.memory_space<vmem>>, vector<16xi32>,
        %add3A_264 = vector.broadcast %mul3A_0 : i32 to vector<16xi32>
        %add3A_265 = arith.addi %get3A_263, %add3A_264 : vector<16xi32>
        %swap3A_266 = arith.constant 1 : i32
        %swap3A_267 = arith.index_cast %swap3A_266 : i32 to index
        %swap3A_268 = arith.constant 64 : index
        %swap3A_269 = tpu.vector_load %arg8[%swap3A_267, %swap3A_268] {strides = array<i32>} : memref<2x128xi32, #tpu.memory_space<vmem>>, vector<16xi32>,
        tpu.vector_store %arg8[%swap3A_267, %swap3A_268], %add3A_265 {strides = array<i32>} : memref<2x128xi32, #tpu.memory_space<vmem>>, vector<16xi32>,
        %add3A_270 = arith.constant 1 : i32
        %add3A_271 = arith.addi %add3A, %add3A_270 : i32
        %mul3A_272 = arith.constant 128 : i32
        %mul3A_273 = arith.muli %add3A_271, %mul3A_272 : i32
        %add3A_274 = arith.constant 80 : i32
        %add3A_275 = arith.addi %mul3A_273, %add3A_274 : i32
        %get3A_276 = arith.index_cast %add3A_275 : i32 to index
        %get3A_277 = tpu.vector_load %arg6[%get3A_276] {strides = array<i32>} : memref<51200xi32, #tpu.memory_space<vmem>>, vector<16xi32>,
        %add3A_278 = vector.broadcast %mul3A_0 : i32 to vector<16xi32>
        %add3A_279 = arith.addi %get3A_277, %add3A_278 : vector<16xi32>
        %swap3A_280 = arith.constant 1 : i32
        %swap3A_281 = arith.index_cast %swap3A_280 : i32 to index
        %swap3A_282 = arith.constant 80 : index
        %swap3A_283 = tpu.vector_load %arg8[%swap3A_281, %swap3A_282] {strides = array<i32>} : memref<2x128xi32, #tpu.memory_space<vmem>>, vector<16xi32>,
        tpu.vector_store %arg8[%swap3A_281, %swap3A_282], %add3A_279 {strides = array<i32>} : memref<2x128xi32, #tpu.memory_space<vmem>>, vector<16xi32>,
        %add3A_284 = arith.constant 1 : i32
        %add3A_285 = arith.addi %add3A, %add3A_284 : i32
        %mul3A_286 = arith.constant 128 : i32
        %mul3A_287 = arith.muli %add3A_285, %mul3A_286 : i32
        %add3A_288 = arith.constant 96 : i32
        %add3A_289 = arith.addi %mul3A_287, %add3A_288 : i32
        %get3A_290 = arith.index_cast %add3A_289 : i32 to index
        %get3A_291 = tpu.vector_load %arg6[%get3A_290] {strides = array<i32>} : memref<51200xi32, #tpu.memory_space<vmem>>, vector<16xi32>,
        %add3A_292 = vector.broadcast %mul3A_0 : i32 to vector<16xi32>
        %add3A_293 = arith.addi %get3A_291, %add3A_292 : vector<16xi32>
        %swap3A_294 = arith.constant 1 : i32
        %swap3A_295 = arith.index_cast %swap3A_294 : i32 to index
        %swap3A_296 = arith.constant 96 : index
        %swap3A_297 = tpu.vector_load %arg8[%swap3A_295, %swap3A_296] {strides = array<i32>} : memref<2x128xi32, #tpu.memory_space<vmem>>, vector<16xi32>,
        tpu.vector_store %arg8[%swap3A_295, %swap3A_296], %add3A_293 {strides = array<i32>} : memref<2x128xi32, #tpu.memory_space<vmem>>, vector<16xi32>,
        %add3A_298 = arith.constant 1 : i32
        %add3A_299 = arith.addi %add3A, %add3A_298 : i32
        %mul3A_300 = arith.constant 128 : i32
        %mul3A_301 = arith.muli %add3A_299, %mul3A_300 : i32
        %add3A_302 = arith.constant 112 : i32
        %add3A_303 = arith.addi %mul3A_301, %add3A_302 : i32
        %get3A_304 = arith.index_cast %add3A_303 : i32 to index
        %get3A_305 = tpu.vector_load %arg6[%get3A_304] {strides = array<i32>} : memref<51200xi32, #tpu.memory_space<vmem>>, vector<16xi32>,
        %add3A_306 = vector.broadcast %mul3A_0 : i32 to vector<16xi32>
        %add3A_307 = arith.addi %get3A_305, %add3A_306 : vector<16xi32>
        %swap3A_308 = arith.constant 1 : i32
        %swap3A_309 = arith.index_cast %swap3A_308 : i32 to index
        %swap3A_310 = arith.constant 112 : index
        %swap3A_311 = tpu.vector_load %arg8[%swap3A_309, %swap3A_310] {strides = array<i32>} : memref<2x128xi32, #tpu.memory_space<vmem>>, vector<16xi32>,
        tpu.vector_store %arg8[%swap3A_309, %swap3A_310], %add3A_307 {strides = array<i32>} : memref<2x128xi32, #tpu.memory_space<vmem>>, vector<16xi32>,
        %dma_start3A_312 = arith.constant 1 : i32
        %dma_start3A_313 = arith.constant 1 : i32
        %dma_start3A_314 = arith.constant 0 : i32
        %dma_start3A_315 = arith.constant 0 : i32
        %dma_start3A_316 = tpu.memref_slice %arg10[%dma_start3A_313, %dma_start3A_314, %dma_start3A_315] : memref<2x128x128xf32, #tpu.memory_space<vmem>> -> memref<1x128x128xf32, #tpu.memory_space<vmem>>
        %dma_start3A_317 = tpu.memref_squeeze %dma_start3A_316 : memref<1x128x128xf32, #tpu.memory_space<vmem>> -> memref<128x128xf32, #tpu.memory_space<vmem>>
        %dma_start3A_318 = arith.constant 0 : i32
        %dma_start3A_319 = tpu.memref_slice %arg8[%dma_start3A_312, %dma_start3A_318] : memref<2x128xi32, #tpu.memory_space<vmem>> -> memref<1x128xi32, #tpu.memory_space<vmem>>
        %dma_start3A_320 = tpu.memref_squeeze %dma_start3A_319 : memref<1x128xi32, #tpu.memory_space<vmem>> -> memref<128xi32, #tpu.memory_space<vmem>>
        %dma_start3A_321 = arith.constant 0 : i32
        %dma_start3A_322 = arith.constant 0 : i32
        %dma_start3A_323 = tpu.memref_slice %arg4[%dma_start3A_321, %dma_start3A_322] : memref<100352x128xf32, #tpu.memory_space<hbm>> -> memref<100352x128xf32, #tpu.memory_space<hbm>>
        tpu.enqueue_indirect_dma source(%dma_start3A_323 : memref<100352x128xf32, #tpu.memory_space<hbm>>) target(%dma_start3A_317 : memref<128x128xf32, #tpu.memory_space<vmem>>) offsets(%dma_start3A_320 : memref<128xi32, #tpu.memory_space<vmem>>) semaphore(%arg15 : memref<!tpu.dma_semaphore, #tpu.memory_space<semaphore_mem>>)
        %dma_wait3A = arith.constant 0 : i32
        %dma_wait3A_324 = tpu.memref_slice %arg3[%add3A_74, %dma_wait3A] : memref<6400x128xi32, #tpu.memory_space<hbm>> -> memref<2x128xi32, #tpu.memory_space<hbm>>
        %dma_wait3A_325 = arith.constant 0 : i32
        %dma_wait3A_326 = tpu.memref_slice %arg3[%add3A_74, %dma_wait3A_325] : memref<6400x128xi32, #tpu.memory_space<hbm>> -> memref<2x128xi32, #tpu.memory_space<hbm>>
        tpu.wait_dma2 semaphore(%arg16 : memref<!tpu.dma_semaphore, #tpu.memory_space<semaphore_mem>>) src(%dma_wait3A_326 : memref<2x128xi32, #tpu.memory_space<hbm>>) dst(%arg7 : memref<2x128xi32, #tpu.memory_space<vmem>>)
        %get3A_327 = arith.constant 0 : i32
        %get3A_328 = arith.index_cast %get3A_327 : i32 to index
        %get3A_329 = arith.constant 0 : index
        %get3A_330 = tpu.vector_load %arg7[%get3A_328, %get3A_329] {strides = array<i32>} : memref<2x128xi32, #tpu.memory_space<vmem>>, vector<16xi32>,
        %sub3A_331 = vector.broadcast %mul3A_41 : i32 to vector<16xi32>
        %sub3A_332 = arith.subi %get3A_330, %sub3A_331 : vector<16xi32>
        %ge3A = arith.constant 0 : i32
        %ge3A_333 = vector.broadcast %ge3A : i32 to vector<16xi32>
        %ge3A_334 = arith.cmpi sge, %sub3A_332, %ge3A_333 : vector<16xi32>
        %lt3A = arith.constant 25088 : i32
        %lt3A_335 = vector.broadcast %lt3A : i32 to vector<16xi32>
        %lt3A_336 = arith.cmpi slt, %sub3A_332, %lt3A_335 : vector<16xi32>
        %and3A_337 = arith.andi %ge3A_334, %lt3A_336 : vector<16xi1>
        %and3A_338 = arith.constant 63 : i32
        %and3A_339 = vector.broadcast %and3A_338 : i32 to vector<16xi32>
        %and3A_340 = arith.andi %get3A_330, %and3A_339 : vector<16xi32>
        %add3A_341 = arith.constant 25088 : i32
        %add3A_342 = vector.broadcast %add3A_341 : i32 to vector<16xi32>
        %add3A_343 = arith.addi %add3A_342, %and3A_340 : vector<16xi32>
        %select_n3A_344 = arith.select %and3A_337, %sub3A_332, %add3A_343 : vector<16xi1>, vector<16xi32>
        %swap3A_345 = arith.constant 0 : i32
        %swap3A_346 = arith.index_cast %swap3A_345 : i32 to index
        %swap3A_347 = arith.constant 0 : index
        %swap3A_348 = tpu.vector_load %arg9[%swap3A_346, %swap3A_347] {strides = array<i32>} : memref<2x128xi32, #tpu.memory_space<vmem>>, vector<16xi32>,
        tpu.vector_store %arg9[%swap3A_346, %swap3A_347], %select_n3A_344 {strides = array<i32>} : memref<2x128xi32, #tpu.memory_space<vmem>>, vector<16xi32>,
        %get3A_349 = arith.constant 0 : i32
        %get3A_350 = arith.index_cast %get3A_349 : i32 to index
        %get3A_351 = arith.constant 16 : index
        %get3A_352 = tpu.vector_load %arg7[%get3A_350, %get3A_351] {strides = array<i32>} : memref<2x128xi32, #tpu.memory_space<vmem>>, vector<16xi32>,
        %sub3A_353 = vector.broadcast %mul3A_41 : i32 to vector<16xi32>
        %sub3A_354 = arith.subi %get3A_352, %sub3A_353 : vector<16xi32>
        %ge3A_355 = arith.constant 0 : i32
        %ge3A_356 = vector.broadcast %ge3A_355 : i32 to vector<16xi32>
        %ge3A_357 = arith.cmpi sge, %sub3A_354, %ge3A_356 : vector<16xi32>
        %lt3A_358 = arith.constant 25088 : i32
        %lt3A_359 = vector.broadcast %lt3A_358 : i32 to vector<16xi32>
        %lt3A_360 = arith.cmpi slt, %sub3A_354, %lt3A_359 : vector<16xi32>
        %and3A_361 = arith.andi %ge3A_357, %lt3A_360 : vector<16xi1>
        %and3A_362 = arith.constant 63 : i32
        %and3A_363 = vector.broadcast %and3A_362 : i32 to vector<16xi32>
        %and3A_364 = arith.andi %get3A_352, %and3A_363 : vector<16xi32>
        %add3A_365 = arith.constant 25088 : i32
        %add3A_366 = vector.broadcast %add3A_365 : i32 to vector<16xi32>
        %add3A_367 = arith.addi %add3A_366, %and3A_364 : vector<16xi32>
        %select_n3A_368 = arith.select %and3A_361, %sub3A_354, %add3A_367 : vector<16xi1>, vector<16xi32>
        %swap3A_369 = arith.constant 0 : i32
        %swap3A_370 = arith.index_cast %swap3A_369 : i32 to index
        %swap3A_371 = arith.constant 16 : index
        %swap3A_372 = tpu.vector_load %arg9[%swap3A_370, %swap3A_371] {strides = array<i32>} : memref<2x128xi32, #tpu.memory_space<vmem>>, vector<16xi32>,
        tpu.vector_store %arg9[%swap3A_370, %swap3A_371], %select_n3A_368 {strides = array<i32>} : memref<2x128xi32, #tpu.memory_space<vmem>>, vector<16xi32>,
        %get3A_373 = arith.constant 0 : i32
        %get3A_374 = arith.index_cast %get3A_373 : i32 to index
        %get3A_375 = arith.constant 32 : index
        %get3A_376 = tpu.vector_load %arg7[%get3A_374, %get3A_375] {strides = array<i32>} : memref<2x128xi32, #tpu.memory_space<vmem>>, vector<16xi32>,
        %sub3A_377 = vector.broadcast %mul3A_41 : i32 to vector<16xi32>
        %sub3A_378 = arith.subi %get3A_376, %sub3A_377 : vector<16xi32>
        %ge3A_379 = arith.constant 0 : i32
        %ge3A_380 = vector.broadcast %ge3A_379 : i32 to vector<16xi32>
        %ge3A_381 = arith.cmpi sge, %sub3A_378, %ge3A_380 : vector<16xi32>
        %lt3A_382 = arith.constant 25088 : i32
        %lt3A_383 = vector.broadcast %lt3A_382 : i32 to vector<16xi32>
        %lt3A_384 = arith.cmpi slt, %sub3A_378, %lt3A_383 : vector<16xi32>
        %and3A_385 = arith.andi %ge3A_381, %lt3A_384 : vector<16xi1>
        %and3A_386 = arith.constant 63 : i32
        %and3A_387 = vector.broadcast %and3A_386 : i32 to vector<16xi32>
        %and3A_388 = arith.andi %get3A_376, %and3A_387 : vector<16xi32>
        %add3A_389 = arith.constant 25088 : i32
        %add3A_390 = vector.broadcast %add3A_389 : i32 to vector<16xi32>
        %add3A_391 = arith.addi %add3A_390, %and3A_388 : vector<16xi32>
        %select_n3A_392 = arith.select %and3A_385, %sub3A_378, %add3A_391 : vector<16xi1>, vector<16xi32>
        %swap3A_393 = arith.constant 0 : i32
        %swap3A_394 = arith.index_cast %swap3A_393 : i32 to index
        %swap3A_395 = arith.constant 32 : index
        %swap3A_396 = tpu.vector_load %arg9[%swap3A_394, %swap3A_395] {strides = array<i32>} : memref<2x128xi32, #tpu.memory_space<vmem>>, vector<16xi32>,
        tpu.vector_store %arg9[%swap3A_394, %swap3A_395], %select_n3A_392 {strides = array<i32>} : memref<2x128xi32, #tpu.memory_space<vmem>>, vector<16xi32>,
        %get3A_397 = arith.constant 0 : i32
        %get3A_398 = arith.index_cast %get3A_397 : i32 to index
        %get3A_399 = arith.constant 48 : index
        %get3A_400 = tpu.vector_load %arg7[%get3A_398, %get3A_399] {strides = array<i32>} : memref<2x128xi32, #tpu.memory_space<vmem>>, vector<16xi32>,
        %sub3A_401 = vector.broadcast %mul3A_41 : i32 to vector<16xi32>
        %sub3A_402 = arith.subi %get3A_400, %sub3A_401 : vector<16xi32>
        %ge3A_403 = arith.constant 0 : i32
        %ge3A_404 = vector.broadcast %ge3A_403 : i32 to vector<16xi32>
        %ge3A_405 = arith.cmpi sge, %sub3A_402, %ge3A_404 : vector<16xi32>
        %lt3A_406 = arith.constant 25088 : i32
        %lt3A_407 = vector.broadcast %lt3A_406 : i32 to vector<16xi32>
        %lt3A_408 = arith.cmpi slt, %sub3A_402, %lt3A_407 : vector<16xi32>
        %and3A_409 = arith.andi %ge3A_405, %lt3A_408 : vector<16xi1>
        %and3A_410 = arith.constant 63 : i32
        %and3A_411 = vector.broadcast %and3A_410 : i32 to vector<16xi32>
        %and3A_412 = arith.andi %get3A_400, %and3A_411 : vector<16xi32>
        %add3A_413 = arith.constant 25088 : i32
        %add3A_414 = vector.broadcast %add3A_413 : i32 to vector<16xi32>
        %add3A_415 = arith.addi %add3A_414, %and3A_412 : vector<16xi32>
        %select_n3A_416 = arith.select %and3A_409, %sub3A_402, %add3A_415 : vector<16xi1>, vector<16xi32>
        %swap3A_417 = arith.constant 0 : i32
        %swap3A_418 = arith.index_cast %swap3A_417 : i32 to index
        %swap3A_419 = arith.constant 48 : index
        %swap3A_420 = tpu.vector_load %arg9[%swap3A_418, %swap3A_419] {strides = array<i32>} : memref<2x128xi32, #tpu.memory_space<vmem>>, vector<16xi32>,
        tpu.vector_store %arg9[%swap3A_418, %swap3A_419], %select_n3A_416 {strides = array<i32>} : memref<2x128xi32, #tpu.memory_space<vmem>>, vector<16xi32>,
        %get3A_421 = arith.constant 0 : i32
        %get3A_422 = arith.index_cast %get3A_421 : i32 to index
        %get3A_423 = arith.constant 64 : index
        %get3A_424 = tpu.vector_load %arg7[%get3A_422, %get3A_423] {strides = array<i32>} : memref<2x128xi32, #tpu.memory_space<vmem>>, vector<16xi32>,
        %sub3A_425 = vector.broadcast %mul3A_41 : i32 to vector<16xi32>
        %sub3A_426 = arith.subi %get3A_424, %sub3A_425 : vector<16xi32>
        %ge3A_427 = arith.constant 0 : i32
        %ge3A_428 = vector.broadcast %ge3A_427 : i32 to vector<16xi32>
        %ge3A_429 = arith.cmpi sge, %sub3A_426, %ge3A_428 : vector<16xi32>
        %lt3A_430 = arith.constant 25088 : i32
        %lt3A_431 = vector.broadcast %lt3A_430 : i32 to vector<16xi32>
        %lt3A_432 = arith.cmpi slt, %sub3A_426, %lt3A_431 : vector<16xi32>
        %and3A_433 = arith.andi %ge3A_429, %lt3A_432 : vector<16xi1>
        %and3A_434 = arith.constant 63 : i32
        %and3A_435 = vector.broadcast %and3A_434 : i32 to vector<16xi32>
        %and3A_436 = arith.andi %get3A_424, %and3A_435 : vector<16xi32>
        %add3A_437 = arith.constant 25088 : i32
        %add3A_438 = vector.broadcast %add3A_437 : i32 to vector<16xi32>
        %add3A_439 = arith.addi %add3A_438, %and3A_436 : vector<16xi32>
        %select_n3A_440 = arith.select %and3A_433, %sub3A_426, %add3A_439 : vector<16xi1>, vector<16xi32>
        %swap3A_441 = arith.constant 0 : i32
        %swap3A_442 = arith.index_cast %swap3A_441 : i32 to index
        %swap3A_443 = arith.constant 64 : index
        %swap3A_444 = tpu.vector_load %arg9[%swap3A_442, %swap3A_443] {strides = array<i32>} : memref<2x128xi32, #tpu.memory_space<vmem>>, vector<16xi32>,
        tpu.vector_store %arg9[%swap3A_442, %swap3A_443], %select_n3A_440 {strides = array<i32>} : memref<2x128xi32, #tpu.memory_space<vmem>>, vector<16xi32>,
        %get3A_445 = arith.constant 0 : i32
        %get3A_446 = arith.index_cast %get3A_445 : i32 to index
        %get3A_447 = arith.constant 80 : index
        %get3A_448 = tpu.vector_load %arg7[%get3A_446, %get3A_447] {strides = array<i32>} : memref<2x128xi32, #tpu.memory_space<vmem>>, vector<16xi32>,
        %sub3A_449 = vector.broadcast %mul3A_41 : i32 to vector<16xi32>
        %sub3A_450 = arith.subi %get3A_448, %sub3A_449 : vector<16xi32>
        %ge3A_451 = arith.constant 0 : i32
        %ge3A_452 = vector.broadcast %ge3A_451 : i32 to vector<16xi32>
        %ge3A_453 = arith.cmpi sge, %sub3A_450, %ge3A_452 : vector<16xi32>
        %lt3A_454 = arith.constant 25088 : i32
        %lt3A_455 = vector.broadcast %lt3A_454 : i32 to vector<16xi32>
        %lt3A_456 = arith.cmpi slt, %sub3A_450, %lt3A_455 : vector<16xi32>
        %and3A_457 = arith.andi %ge3A_453, %lt3A_456 : vector<16xi1>
        %and3A_458 = arith.constant 63 : i32
        %and3A_459 = vector.broadcast %and3A_458 : i32 to vector<16xi32>
        %and3A_460 = arith.andi %get3A_448, %and3A_459 : vector<16xi32>
        %add3A_461 = arith.constant 25088 : i32
        %add3A_462 = vector.broadcast %add3A_461 : i32 to vector<16xi32>
        %add3A_463 = arith.addi %add3A_462, %and3A_460 : vector<16xi32>
        %select_n3A_464 = arith.select %and3A_457, %sub3A_450, %add3A_463 : vector<16xi1>, vector<16xi32>
        %swap3A_465 = arith.constant 0 : i32
        %swap3A_466 = arith.index_cast %swap3A_465 : i32 to index
        %swap3A_467 = arith.constant 80 : index
        %swap3A_468 = tpu.vector_load %arg9[%swap3A_466, %swap3A_467] {strides = array<i32>} : memref<2x128xi32, #tpu.memory_space<vmem>>, vector<16xi32>,
        tpu.vector_store %arg9[%swap3A_466, %swap3A_467], %select_n3A_464 {strides = array<i32>} : memref<2x128xi32, #tpu.memory_space<vmem>>, vector<16xi32>,
        %get3A_469 = arith.constant 0 : i32
        %get3A_470 = arith.index_cast %get3A_469 : i32 to index
        %get3A_471 = arith.constant 96 : index
        %get3A_472 = tpu.vector_load %arg7[%get3A_470, %get3A_471] {strides = array<i32>} : memref<2x128xi32, #tpu.memory_space<vmem>>, vector<16xi32>,
        %sub3A_473 = vector.broadcast %mul3A_41 : i32 to vector<16xi32>
        %sub3A_474 = arith.subi %get3A_472, %sub3A_473 : vector<16xi32>
        %ge3A_475 = arith.constant 0 : i32
        %ge3A_476 = vector.broadcast %ge3A_475 : i32 to vector<16xi32>
        %ge3A_477 = arith.cmpi sge, %sub3A_474, %ge3A_476 : vector<16xi32>
        %lt3A_478 = arith.constant 25088 : i32
        %lt3A_479 = vector.broadcast %lt3A_478 : i32 to vector<16xi32>
        %lt3A_480 = arith.cmpi slt, %sub3A_474, %lt3A_479 : vector<16xi32>
        %and3A_481 = arith.andi %ge3A_477, %lt3A_480 : vector<16xi1>
        %and3A_482 = arith.constant 63 : i32
        %and3A_483 = vector.broadcast %and3A_482 : i32 to vector<16xi32>
        %and3A_484 = arith.andi %get3A_472, %and3A_483 : vector<16xi32>
        %add3A_485 = arith.constant 25088 : i32
        %add3A_486 = vector.broadcast %add3A_485 : i32 to vector<16xi32>
        %add3A_487 = arith.addi %add3A_486, %and3A_484 : vector<16xi32>
        %select_n3A_488 = arith.select %and3A_481, %sub3A_474, %add3A_487 : vector<16xi1>, vector<16xi32>
        %swap3A_489 = arith.constant 0 : i32
        %swap3A_490 = arith.index_cast %swap3A_489 : i32 to index
        %swap3A_491 = arith.constant 96 : index
        %swap3A_492 = tpu.vector_load %arg9[%swap3A_490, %swap3A_491] {strides = array<i32>} : memref<2x128xi32, #tpu.memory_space<vmem>>, vector<16xi32>,
        tpu.vector_store %arg9[%swap3A_490, %swap3A_491], %select_n3A_488 {strides = array<i32>} : memref<2x128xi32, #tpu.memory_space<vmem>>, vector<16xi32>,
        %get3A_493 = arith.constant 0 : i32
        %get3A_494 = arith.index_cast %get3A_493 : i32 to index
        %get3A_495 = arith.constant 112 : index
        %get3A_496 = tpu.vector_load %arg7[%get3A_494, %get3A_495] {strides = array<i32>} : memref<2x128xi32, #tpu.memory_space<vmem>>, vector<16xi32>,
        %sub3A_497 = vector.broadcast %mul3A_41 : i32 to vector<16xi32>
        %sub3A_498 = arith.subi %get3A_496, %sub3A_497 : vector<16xi32>
        %ge3A_499 = arith.constant 0 : i32
        %ge3A_500 = vector.broadcast %ge3A_499 : i32 to vector<16xi32>
        %ge3A_501 = arith.cmpi sge, %sub3A_498, %ge3A_500 : vector<16xi32>
        %lt3A_502 = arith.constant 25088 : i32
        %lt3A_503 = vector.broadcast %lt3A_502 : i32 to vector<16xi32>
        %lt3A_504 = arith.cmpi slt, %sub3A_498, %lt3A_503 : vector<16xi32>
        %and3A_505 = arith.andi %ge3A_501, %lt3A_504 : vector<16xi1>
        %and3A_506 = arith.constant 63 : i32
        %and3A_507 = vector.broadcast %and3A_506 : i32 to vector<16xi32>
        %and3A_508 = arith.andi %get3A_496, %and3A_507 : vector<16xi32>
        %add3A_509 = arith.constant 25088 : i32
        %add3A_510 = vector.broadcast %add3A_509 : i32 to vector<16xi32>
        %add3A_511 = arith.addi %add3A_510, %and3A_508 : vector<16xi32>
        %select_n3A_512 = arith.select %and3A_505, %sub3A_498, %add3A_511 : vector<16xi1>, vector<16xi32>
        %swap3A_513 = arith.constant 0 : i32
        %swap3A_514 = arith.index_cast %swap3A_513 : i32 to index
        %swap3A_515 = arith.constant 112 : index
        %swap3A_516 = tpu.vector_load %arg9[%swap3A_514, %swap3A_515] {strides = array<i32>} : memref<2x128xi32, #tpu.memory_space<vmem>>, vector<16xi32>,
        tpu.vector_store %arg9[%swap3A_514, %swap3A_515], %select_n3A_512 {strides = array<i32>} : memref<2x128xi32, #tpu.memory_space<vmem>>, vector<16xi32>,
        %get3A_517 = arith.constant 1 : i32
        %get3A_518 = arith.index_cast %get3A_517 : i32 to index
        %get3A_519 = arith.constant 0 : index
        %get3A_520 = tpu.vector_load %arg7[%get3A_518, %get3A_519] {strides = array<i32>} : memref<2x128xi32, #tpu.memory_space<vmem>>, vector<16xi32>,
        %sub3A_521 = vector.broadcast %mul3A_41 : i32 to vector<16xi32>
        %sub3A_522 = arith.subi %get3A_520, %sub3A_521 : vector<16xi32>
        %ge3A_523 = arith.constant 0 : i32
        %ge3A_524 = vector.broadcast %ge3A_523 : i32 to vector<16xi32>
        %ge3A_525 = arith.cmpi sge, %sub3A_522, %ge3A_524 : vector<16xi32>
        %lt3A_526 = arith.constant 25088 : i32
        %lt3A_527 = vector.broadcast %lt3A_526 : i32 to vector<16xi32>
        %lt3A_528 = arith.cmpi slt, %sub3A_522, %lt3A_527 : vector<16xi32>
        %and3A_529 = arith.andi %ge3A_525, %lt3A_528 : vector<16xi1>
        %and3A_530 = arith.constant 63 : i32
        %and3A_531 = vector.broadcast %and3A_530 : i32 to vector<16xi32>
        %and3A_532 = arith.andi %get3A_520, %and3A_531 : vector<16xi32>
        %add3A_533 = arith.constant 25088 : i32
        %add3A_534 = vector.broadcast %add3A_533 : i32 to vector<16xi32>
        %add3A_535 = arith.addi %add3A_534, %and3A_532 : vector<16xi32>
        %select_n3A_536 = arith.select %and3A_529, %sub3A_522, %add3A_535 : vector<16xi1>, vector<16xi32>
        %swap3A_537 = arith.constant 1 : i32
        %swap3A_538 = arith.index_cast %swap3A_537 : i32 to index
        %swap3A_539 = arith.constant 0 : index
        %swap3A_540 = tpu.vector_load %arg9[%swap3A_538, %swap3A_539] {strides = array<i32>} : memref<2x128xi32, #tpu.memory_space<vmem>>, vector<16xi32>,
        tpu.vector_store %arg9[%swap3A_538, %swap3A_539], %select_n3A_536 {strides = array<i32>} : memref<2x128xi32, #tpu.memory_space<vmem>>, vector<16xi32>,
        %get3A_541 = arith.constant 1 : i32
        %get3A_542 = arith.index_cast %get3A_541 : i32 to index
        %get3A_543 = arith.constant 16 : index
        %get3A_544 = tpu.vector_load %arg7[%get3A_542, %get3A_543] {strides = array<i32>} : memref<2x128xi32, #tpu.memory_space<vmem>>, vector<16xi32>,
        %sub3A_545 = vector.broadcast %mul3A_41 : i32 to vector<16xi32>
        %sub3A_546 = arith.subi %get3A_544, %sub3A_545 : vector<16xi32>
        %ge3A_547 = arith.constant 0 : i32
        %ge3A_548 = vector.broadcast %ge3A_547 : i32 to vector<16xi32>
        %ge3A_549 = arith.cmpi sge, %sub3A_546, %ge3A_548 : vector<16xi32>
        %lt3A_550 = arith.constant 25088 : i32
        %lt3A_551 = vector.broadcast %lt3A_550 : i32 to vector<16xi32>
        %lt3A_552 = arith.cmpi slt, %sub3A_546, %lt3A_551 : vector<16xi32>
        %and3A_553 = arith.andi %ge3A_549, %lt3A_552 : vector<16xi1>
        %and3A_554 = arith.constant 63 : i32
        %and3A_555 = vector.broadcast %and3A_554 : i32 to vector<16xi32>
        %and3A_556 = arith.andi %get3A_544, %and3A_555 : vector<16xi32>
        %add3A_557 = arith.constant 25088 : i32
        %add3A_558 = vector.broadcast %add3A_557 : i32 to vector<16xi32>
        %add3A_559 = arith.addi %add3A_558, %and3A_556 : vector<16xi32>
        %select_n3A_560 = arith.select %and3A_553, %sub3A_546, %add3A_559 : vector<16xi1>, vector<16xi32>
        %swap3A_561 = arith.constant 1 : i32
        %swap3A_562 = arith.index_cast %swap3A_561 : i32 to index
        %swap3A_563 = arith.constant 16 : index
        %swap3A_564 = tpu.vector_load %arg9[%swap3A_562, %swap3A_563] {strides = array<i32>} : memref<2x128xi32, #tpu.memory_space<vmem>>, vector<16xi32>,
        tpu.vector_store %arg9[%swap3A_562, %swap3A_563], %select_n3A_560 {strides = array<i32>} : memref<2x128xi32, #tpu.memory_space<vmem>>, vector<16xi32>,
        %get3A_565 = arith.constant 1 : i32
        %get3A_566 = arith.index_cast %get3A_565 : i32 to index
        %get3A_567 = arith.constant 32 : index
        %get3A_568 = tpu.vector_load %arg7[%get3A_566, %get3A_567] {strides = array<i32>} : memref<2x128xi32, #tpu.memory_space<vmem>>, vector<16xi32>,
        %sub3A_569 = vector.broadcast %mul3A_41 : i32 to vector<16xi32>
        %sub3A_570 = arith.subi %get3A_568, %sub3A_569 : vector<16xi32>
        %ge3A_571 = arith.constant 0 : i32
        %ge3A_572 = vector.broadcast %ge3A_571 : i32 to vector<16xi32>
        %ge3A_573 = arith.cmpi sge, %sub3A_570, %ge3A_572 : vector<16xi32>
        %lt3A_574 = arith.constant 25088 : i32
        %lt3A_575 = vector.broadcast %lt3A_574 : i32 to vector<16xi32>
        %lt3A_576 = arith.cmpi slt, %sub3A_570, %lt3A_575 : vector<16xi32>
        %and3A_577 = arith.andi %ge3A_573, %lt3A_576 : vector<16xi1>
        %and3A_578 = arith.constant 63 : i32
        %and3A_579 = vector.broadcast %and3A_578 : i32 to vector<16xi32>
        %and3A_580 = arith.andi %get3A_568, %and3A_579 : vector<16xi32>
        %add3A_581 = arith.constant 25088 : i32
        %add3A_582 = vector.broadcast %add3A_581 : i32 to vector<16xi32>
        %add3A_583 = arith.addi %add3A_582, %and3A_580 : vector<16xi32>
        %select_n3A_584 = arith.select %and3A_577, %sub3A_570, %add3A_583 : vector<16xi1>, vector<16xi32>
        %swap3A_585 = arith.constant 1 : i32
        %swap3A_586 = arith.index_cast %swap3A_585 : i32 to index
        %swap3A_587 = arith.constant 32 : index
        %swap3A_588 = tpu.vector_load %arg9[%swap3A_586, %swap3A_587] {strides = array<i32>} : memref<2x128xi32, #tpu.memory_space<vmem>>, vector<16xi32>,
        tpu.vector_store %arg9[%swap3A_586, %swap3A_587], %select_n3A_584 {strides = array<i32>} : memref<2x128xi32, #tpu.memory_space<vmem>>, vector<16xi32>,
        %get3A_589 = arith.constant 1 : i32
        %get3A_590 = arith.index_cast %get3A_589 : i32 to index
        %get3A_591 = arith.constant 48 : index
        %get3A_592 = tpu.vector_load %arg7[%get3A_590, %get3A_591] {strides = array<i32>} : memref<2x128xi32, #tpu.memory_space<vmem>>, vector<16xi32>,
        %sub3A_593 = vector.broadcast %mul3A_41 : i32 to vector<16xi32>
        %sub3A_594 = arith.subi %get3A_592, %sub3A_593 : vector<16xi32>
        %ge3A_595 = arith.constant 0 : i32
        %ge3A_596 = vector.broadcast %ge3A_595 : i32 to vector<16xi32>
        %ge3A_597 = arith.cmpi sge, %sub3A_594, %ge3A_596 : vector<16xi32>
        %lt3A_598 = arith.constant 25088 : i32
        %lt3A_599 = vector.broadcast %lt3A_598 : i32 to vector<16xi32>
        %lt3A_600 = arith.cmpi slt, %sub3A_594, %lt3A_599 : vector<16xi32>
        %and3A_601 = arith.andi %ge3A_597, %lt3A_600 : vector<16xi1>
        %and3A_602 = arith.constant 63 : i32
        %and3A_603 = vector.broadcast %and3A_602 : i32 to vector<16xi32>
        %and3A_604 = arith.andi %get3A_592, %and3A_603 : vector<16xi32>
        %add3A_605 = arith.constant 25088 : i32
        %add3A_606 = vector.broadcast %add3A_605 : i32 to vector<16xi32>
        %add3A_607 = arith.addi %add3A_606, %and3A_604 : vector<16xi32>
        %select_n3A_608 = arith.select %and3A_601, %sub3A_594, %add3A_607 : vector<16xi1>, vector<16xi32>
        %swap3A_609 = arith.constant 1 : i32
        %swap3A_610 = arith.index_cast %swap3A_609 : i32 to index
        %swap3A_611 = arith.constant 48 : index
        %swap3A_612 = tpu.vector_load %arg9[%swap3A_610, %swap3A_611] {strides = array<i32>} : memref<2x128xi32, #tpu.memory_space<vmem>>, vector<16xi32>,
        tpu.vector_store %arg9[%swap3A_610, %swap3A_611], %select_n3A_608 {strides = array<i32>} : memref<2x128xi32, #tpu.memory_space<vmem>>, vector<16xi32>,
        %get3A_613 = arith.constant 1 : i32
        %get3A_614 = arith.index_cast %get3A_613 : i32 to index
        %get3A_615 = arith.constant 64 : index
        %get3A_616 = tpu.vector_load %arg7[%get3A_614, %get3A_615] {strides = array<i32>} : memref<2x128xi32, #tpu.memory_space<vmem>>, vector<16xi32>,
        %sub3A_617 = vector.broadcast %mul3A_41 : i32 to vector<16xi32>
        %sub3A_618 = arith.subi %get3A_616, %sub3A_617 : vector<16xi32>
        %ge3A_619 = arith.constant 0 : i32
        %ge3A_620 = vector.broadcast %ge3A_619 : i32 to vector<16xi32>
        %ge3A_621 = arith.cmpi sge, %sub3A_618, %ge3A_620 : vector<16xi32>
        %lt3A_622 = arith.constant 25088 : i32
        %lt3A_623 = vector.broadcast %lt3A_622 : i32 to vector<16xi32>
        %lt3A_624 = arith.cmpi slt, %sub3A_618, %lt3A_623 : vector<16xi32>
        %and3A_625 = arith.andi %ge3A_621, %lt3A_624 : vector<16xi1>
        %and3A_626 = arith.constant 63 : i32
        %and3A_627 = vector.broadcast %and3A_626 : i32 to vector<16xi32>
        %and3A_628 = arith.andi %get3A_616, %and3A_627 : vector<16xi32>
        %add3A_629 = arith.constant 25088 : i32
        %add3A_630 = vector.broadcast %add3A_629 : i32 to vector<16xi32>
        %add3A_631 = arith.addi %add3A_630, %and3A_628 : vector<16xi32>
        %select_n3A_632 = arith.select %and3A_625, %sub3A_618, %add3A_631 : vector<16xi1>, vector<16xi32>
        %swap3A_633 = arith.constant 1 : i32
        %swap3A_634 = arith.index_cast %swap3A_633 : i32 to index
        %swap3A_635 = arith.constant 64 : index
        %swap3A_636 = tpu.vector_load %arg9[%swap3A_634, %swap3A_635] {strides = array<i32>} : memref<2x128xi32, #tpu.memory_space<vmem>>, vector<16xi32>,
        tpu.vector_store %arg9[%swap3A_634, %swap3A_635], %select_n3A_632 {strides = array<i32>} : memref<2x128xi32, #tpu.memory_space<vmem>>, vector<16xi32>,
        %get3A_637 = arith.constant 1 : i32
        %get3A_638 = arith.index_cast %get3A_637 : i32 to index
        %get3A_639 = arith.constant 80 : index
        %get3A_640 = tpu.vector_load %arg7[%get3A_638, %get3A_639] {strides = array<i32>} : memref<2x128xi32, #tpu.memory_space<vmem>>, vector<16xi32>,
        %sub3A_641 = vector.broadcast %mul3A_41 : i32 to vector<16xi32>
        %sub3A_642 = arith.subi %get3A_640, %sub3A_641 : vector<16xi32>
        %ge3A_643 = arith.constant 0 : i32
        %ge3A_644 = vector.broadcast %ge3A_643 : i32 to vector<16xi32>
        %ge3A_645 = arith.cmpi sge, %sub3A_642, %ge3A_644 : vector<16xi32>
        %lt3A_646 = arith.constant 25088 : i32
        %lt3A_647 = vector.broadcast %lt3A_646 : i32 to vector<16xi32>
        %lt3A_648 = arith.cmpi slt, %sub3A_642, %lt3A_647 : vector<16xi32>
        %and3A_649 = arith.andi %ge3A_645, %lt3A_648 : vector<16xi1>
        %and3A_650 = arith.constant 63 : i32
        %and3A_651 = vector.broadcast %and3A_650 : i32 to vector<16xi32>
        %and3A_652 = arith.andi %get3A_640, %and3A_651 : vector<16xi32>
        %add3A_653 = arith.constant 25088 : i32
        %add3A_654 = vector.broadcast %add3A_653 : i32 to vector<16xi32>
        %add3A_655 = arith.addi %add3A_654, %and3A_652 : vector<16xi32>
        %select_n3A_656 = arith.select %and3A_649, %sub3A_642, %add3A_655 : vector<16xi1>, vector<16xi32>
        %swap3A_657 = arith.constant 1 : i32
        %swap3A_658 = arith.index_cast %swap3A_657 : i32 to index
        %swap3A_659 = arith.constant 80 : index
        %swap3A_660 = tpu.vector_load %arg9[%swap3A_658, %swap3A_659] {strides = array<i32>} : memref<2x128xi32, #tpu.memory_space<vmem>>, vector<16xi32>,
        tpu.vector_store %arg9[%swap3A_658, %swap3A_659], %select_n3A_656 {strides = array<i32>} : memref<2x128xi32, #tpu.memory_space<vmem>>, vector<16xi32>,
        %get3A_661 = arith.constant 1 : i32
        %get3A_662 = arith.index_cast %get3A_661 : i32 to index
        %get3A_663 = arith.constant 96 : index
        %get3A_664 = tpu.vector_load %arg7[%get3A_662, %get3A_663] {strides = array<i32>} : memref<2x128xi32, #tpu.memory_space<vmem>>, vector<16xi32>,
        %sub3A_665 = vector.broadcast %mul3A_41 : i32 to vector<16xi32>
        %sub3A_666 = arith.subi %get3A_664, %sub3A_665 : vector<16xi32>
        %ge3A_667 = arith.constant 0 : i32
        %ge3A_668 = vector.broadcast %ge3A_667 : i32 to vector<16xi32>
        %ge3A_669 = arith.cmpi sge, %sub3A_666, %ge3A_668 : vector<16xi32>
        %lt3A_670 = arith.constant 25088 : i32
        %lt3A_671 = vector.broadcast %lt3A_670 : i32 to vector<16xi32>
        %lt3A_672 = arith.cmpi slt, %sub3A_666, %lt3A_671 : vector<16xi32>
        %and3A_673 = arith.andi %ge3A_669, %lt3A_672 : vector<16xi1>
        %and3A_674 = arith.constant 63 : i32
        %and3A_675 = vector.broadcast %and3A_674 : i32 to vector<16xi32>
        %and3A_676 = arith.andi %get3A_664, %and3A_675 : vector<16xi32>
        %add3A_677 = arith.constant 25088 : i32
        %add3A_678 = vector.broadcast %add3A_677 : i32 to vector<16xi32>
        %add3A_679 = arith.addi %add3A_678, %and3A_676 : vector<16xi32>
        %select_n3A_680 = arith.select %and3A_673, %sub3A_666, %add3A_679 : vector<16xi1>, vector<16xi32>
        %swap3A_681 = arith.constant 1 : i32
        %swap3A_682 = arith.index_cast %swap3A_681 : i32 to index
        %swap3A_683 = arith.constant 96 : index
        %swap3A_684 = tpu.vector_load %arg9[%swap3A_682, %swap3A_683] {strides = array<i32>} : memref<2x128xi32, #tpu.memory_space<vmem>>, vector<16xi32>,
        tpu.vector_store %arg9[%swap3A_682, %swap3A_683], %select_n3A_680 {strides = array<i32>} : memref<2x128xi32, #tpu.memory_space<vmem>>, vector<16xi32>,
        %get3A_685 = arith.constant 1 : i32
        %get3A_686 = arith.index_cast %get3A_685 : i32 to index
        %get3A_687 = arith.constant 112 : index
        %get3A_688 = tpu.vector_load %arg7[%get3A_686, %get3A_687] {strides = array<i32>} : memref<2x128xi32, #tpu.memory_space<vmem>>, vector<16xi32>,
        %sub3A_689 = vector.broadcast %mul3A_41 : i32 to vector<16xi32>
        %sub3A_690 = arith.subi %get3A_688, %sub3A_689 : vector<16xi32>
        %ge3A_691 = arith.constant 0 : i32
        %ge3A_692 = vector.broadcast %ge3A_691 : i32 to vector<16xi32>
        %ge3A_693 = arith.cmpi sge, %sub3A_690, %ge3A_692 : vector<16xi32>
        %lt3A_694 = arith.constant 25088 : i32
        %lt3A_695 = vector.broadcast %lt3A_694 : i32 to vector<16xi32>
        %lt3A_696 = arith.cmpi slt, %sub3A_690, %lt3A_695 : vector<16xi32>
        %and3A_697 = arith.andi %ge3A_693, %lt3A_696 : vector<16xi1>
        %and3A_698 = arith.constant 63 : i32
        %and3A_699 = vector.broadcast %and3A_698 : i32 to vector<16xi32>
        %and3A_700 = arith.andi %get3A_688, %and3A_699 : vector<16xi32>
        %add3A_701 = arith.constant 25088 : i32
        %add3A_702 = vector.broadcast %add3A_701 : i32 to vector<16xi32>
        %add3A_703 = arith.addi %add3A_702, %and3A_700 : vector<16xi32>
        %select_n3A_704 = arith.select %and3A_697, %sub3A_690, %add3A_703 : vector<16xi1>, vector<16xi32>
        %swap3A_705 = arith.constant 1 : i32
        %swap3A_706 = arith.index_cast %swap3A_705 : i32 to index
        %swap3A_707 = arith.constant 112 : index
        %swap3A_708 = tpu.vector_load %arg9[%swap3A_706, %swap3A_707] {strides = array<i32>} : memref<2x128xi32, #tpu.memory_space<vmem>>, vector<16xi32>,
        tpu.vector_store %arg9[%swap3A_706, %swap3A_707], %select_n3A_704 {strides = array<i32>} : memref<2x128xi32, #tpu.memory_space<vmem>>, vector<16xi32>,
        %dma_wait3A_709 = arith.constant 0 : i32
        %dma_wait3A_710 = arith.constant 0 : i32
        %dma_wait3A_711 = arith.constant 0 : i32
        %dma_wait3A_712 = arith.constant 0 : i32
        %dma_wait3A_713 = tpu.memref_slice %arg10[%dma_wait3A_710, %dma_wait3A_711, %dma_wait3A_712] : memref<2x128x128xf32, #tpu.memory_space<vmem>> -> memref<1x128x128xf32, #tpu.memory_space<vmem>>
        %dma_wait3A_714 = tpu.memref_squeeze %dma_wait3A_713 : memref<1x128x128xf32, #tpu.memory_space<vmem>> -> memref<128x128xf32, #tpu.memory_space<vmem>>
        %dma_wait3A_715 = arith.constant 0 : i32
        %dma_wait3A_716 = tpu.memref_slice %arg8[%dma_wait3A_709, %dma_wait3A_715] : memref<2x128xi32, #tpu.memory_space<vmem>> -> memref<1x128xi32, #tpu.memory_space<vmem>>
        %dma_wait3A_717 = tpu.memref_squeeze %dma_wait3A_716 : memref<1x128xi32, #tpu.memory_space<vmem>> -> memref<128xi32, #tpu.memory_space<vmem>>
        %dma_wait3A_718 = arith.constant 0 : i32
        %dma_wait3A_719 = arith.constant 0 : i32
        %dma_wait3A_720 = tpu.memref_slice %arg4[%dma_wait3A_718, %dma_wait3A_719] : memref<100352x128xf32, #tpu.memory_space<hbm>> -> memref<100352x128xf32, #tpu.memory_space<hbm>>
        tpu.wait_indirect_dma semaphore(%arg15 : memref<!tpu.dma_semaphore, #tpu.memory_space<semaphore_mem>>) src(%dma_wait3A_720 : memref<100352x128xf32, #tpu.memory_space<hbm>>) dst(%dma_wait3A_714 : memref<128x128xf32, #tpu.memory_space<vmem>>)
        %scan3A_721 = arith.constant 0 : i32
        %scan3A_722 = arith.constant 0 : i32
        %scan3A_723 = arith.constant 128 : i32
        %scan3A_724 = arith.addi %scan3A_722, %scan3A_723 : i32
        %scan3A_725 = arith.constant 1 : i32
        scf.for %scan3A_751 = %scan3A_722 to %scan3A_724 step %scan3A_725  : i32 {
          %get3A_752 = arith.constant 0 : i32
          %get3A_753 = arith.index_cast %get3A_752 : i32 to index
          %get3A_754 = arith.index_cast %scan3A_751 : i32 to index
          %get3A_755 = arith.constant 0 : index
          %get3A_756 = tpu.vector_load %arg10[%get3A_753, %get3A_754, %get3A_755] {strides = array<i32>} : memref<2x128x128xf32, #tpu.memory_space<vmem>>, vector<16xf32>,
          %get3A_757 = arith.constant 0 : i32
          %get3A_758 = arith.index_cast %get3A_757 : i32 to index
          %get3A_759 = arith.index_cast %scan3A_751 : i32 to index
          %get3A_760 = arith.constant 16 : index
          %get3A_761 = tpu.vector_load %arg10[%get3A_758, %get3A_759, %get3A_760] {strides = array<i32>} : memref<2x128x128xf32, #tpu.memory_space<vmem>>, vector<16xf32>,
          %pack3A = tpu.pack_subelements %get3A_756, %get3A_761 {pack_format = #tpu.pack_format<interleaved>, positions = array<i32: 0, 1>} : vector<16xf32>, vector<16xf32> -> vector<32xbf16>
          %swap3A_762 = arith.constant 0 : i32
          %swap3A_763 = arith.index_cast %swap3A_762 : i32 to index
          %swap3A_764 = arith.index_cast %scan3A_751 : i32 to index
          %swap3A_765 = arith.constant 0 : index
          %swap3A_766 = tpu.vector_load %arg11[%swap3A_763, %swap3A_764, %swap3A_765] {strides = array<i32>} : memref<2x128x32xbf16, #tpu.memory_space<vmem>>, vector<32xbf16>,
          tpu.vector_store %arg11[%swap3A_763, %swap3A_764, %swap3A_765], %pack3A {strides = array<i32>} : memref<2x128x32xbf16, #tpu.memory_space<vmem>>, vector<32xbf16>,
        }
        %scan3A_726 = arith.constant 128 : i32
        %dma_wait3A_727 = arith.constant 1 : i32
        %dma_wait3A_728 = arith.constant 1 : i32
        %dma_wait3A_729 = arith.constant 0 : i32
        %dma_wait3A_730 = arith.constant 0 : i32
        %dma_wait3A_731 = tpu.memref_slice %arg10[%dma_wait3A_728, %dma_wait3A_729, %dma_wait3A_730] : memref<2x128x128xf32, #tpu.memory_space<vmem>> -> memref<1x128x128xf32, #tpu.memory_space<vmem>>
        %dma_wait3A_732 = tpu.memref_squeeze %dma_wait3A_731 : memref<1x128x128xf32, #tpu.memory_space<vmem>> -> memref<128x128xf32, #tpu.memory_space<vmem>>
        %dma_wait3A_733 = arith.constant 0 : i32
        %dma_wait3A_734 = tpu.memref_slice %arg8[%dma_wait3A_727, %dma_wait3A_733] : memref<2x128xi32, #tpu.memory_space<vmem>> -> memref<1x128xi32, #tpu.memory_space<vmem>>
        %dma_wait3A_735 = tpu.memref_squeeze %dma_wait3A_734 : memref<1x128xi32, #tpu.memory_space<vmem>> -> memref<128xi32, #tpu.memory_space<vmem>>
        %dma_wait3A_736 = arith.constant 0 : i32
        %dma_wait3A_737 = arith.constant 0 : i32
        %dma_wait3A_738 = tpu.memref_slice %arg4[%dma_wait3A_736, %dma_wait3A_737] : memref<100352x128xf32, #tpu.memory_space<hbm>> -> memref<100352x128xf32, #tpu.memory_space<hbm>>
        tpu.wait_indirect_dma semaphore(%arg15 : memref<!tpu.dma_semaphore, #tpu.memory_space<semaphore_mem>>) src(%dma_wait3A_738 : memref<100352x128xf32, #tpu.memory_space<hbm>>) dst(%dma_wait3A_732 : memref<128x128xf32, #tpu.memory_space<vmem>>)
        %scan3A_739 = arith.constant 0 : i32
        %scan3A_740 = arith.constant 0 : i32
        %scan3A_741 = arith.constant 128 : i32
        %scan3A_742 = arith.addi %scan3A_740, %scan3A_741 : i32
        %scan3A_743 = arith.constant 1 : i32
        scf.for %scan3A_751 = %scan3A_740 to %scan3A_742 step %scan3A_743  : i32 {
          %get3A_752 = arith.constant 1 : i32
          %get3A_753 = arith.index_cast %get3A_752 : i32 to index
          %get3A_754 = arith.index_cast %scan3A_751 : i32 to index
          %get3A_755 = arith.constant 0 : index
          %get3A_756 = tpu.vector_load %arg10[%get3A_753, %get3A_754, %get3A_755] {strides = array<i32>} : memref<2x128x128xf32, #tpu.memory_space<vmem>>, vector<16xf32>,
          %get3A_757 = arith.constant 1 : i32
          %get3A_758 = arith.index_cast %get3A_757 : i32 to index
          %get3A_759 = arith.index_cast %scan3A_751 : i32 to index
          %get3A_760 = arith.constant 16 : index
          %get3A_761 = tpu.vector_load %arg10[%get3A_758, %get3A_759, %get3A_760] {strides = array<i32>} : memref<2x128x128xf32, #tpu.memory_space<vmem>>, vector<16xf32>,
          %pack3A = tpu.pack_subelements %get3A_756, %get3A_761 {pack_format = #tpu.pack_format<interleaved>, positions = array<i32: 0, 1>} : vector<16xf32>, vector<16xf32> -> vector<32xbf16>
          %swap3A_762 = arith.constant 1 : i32
          %swap3A_763 = arith.index_cast %swap3A_762 : i32 to index
          %swap3A_764 = arith.index_cast %scan3A_751 : i32 to index
          %swap3A_765 = arith.constant 0 : index
          %swap3A_766 = tpu.vector_load %arg11[%swap3A_763, %swap3A_764, %swap3A_765] {strides = array<i32>} : memref<2x128x32xbf16, #tpu.memory_space<vmem>>, vector<32xbf16>,
          tpu.vector_store %arg11[%swap3A_763, %swap3A_764, %swap3A_765], %pack3A {strides = array<i32>} : memref<2x128x32xbf16, #tpu.memory_space<vmem>>, vector<32xbf16>,
        }
        %scan3A_744 = arith.constant 128 : i32
        %scan3A_745 = arith.constant 0 : i32
        %scan3A_746 = arith.constant 0 : i32
        %scan3A_747 = arith.constant 2 : i32
        %scan3A_748 = arith.addi %scan3A_746, %scan3A_747 : i32
        %scan3A_749 = arith.constant 1 : i32
        scf.for %scan3A_751 = %scan3A_746 to %scan3A_748 step %scan3A_749  : i32 {
          "tpu.region"() ({
            %run_scoped3A = tpu.sem_alloc : memref<!tpu.dma_semaphore, #tpu.memory_space<semaphore_mem>>
            %dma_start3A_752 = arith.constant 0 : i32
            %dma_start3A_753 = arith.constant 0 : i32
            %dma_start3A_754 = tpu.memref_slice %arg11[%scan3A_751, %dma_start3A_752, %dma_start3A_753] : memref<2x128x32xbf16, #tpu.memory_space<vmem>> -> memref<1x128x32xbf16, #tpu.memory_space<vmem>>
            %dma_start3A_755 = tpu.memref_squeeze %dma_start3A_754 : memref<1x128x32xbf16, #tpu.memory_space<vmem>> -> memref<128x32xbf16, #tpu.memory_space<vmem>>
            %dma_start3A_756 = arith.constant 0 : i32
            %dma_start3A_757 = tpu.memref_slice %arg9[%scan3A_751, %dma_start3A_756] : memref<2x128xi32, #tpu.memory_space<vmem>> -> memref<1x128xi32, #tpu.memory_space<vmem>>
            %dma_start3A_758 = tpu.memref_squeeze %dma_start3A_757 : memref<1x128xi32, #tpu.memory_space<vmem>> -> memref<128xi32, #tpu.memory_space<vmem>>
            %dma_start3A_759 = arith.constant 0 : i32
            %dma_start3A_760 = arith.constant 0 : i32
            %dma_start3A_761 = tpu.memref_slice %arg14[%dma_start3A_759, %dma_start3A_760] : memref<25152x32xbf16, #tpu.memory_space<vmem_shared>> -> memref<25152x32xbf16, #tpu.memory_space<vmem_shared>>
            tpu.enqueue_indirect_dma source(%dma_start3A_755 : memref<128x32xbf16, #tpu.memory_space<vmem>>) target(%dma_start3A_761 : memref<25152x32xbf16, #tpu.memory_space<vmem_shared>>) offsets(%dma_start3A_758 : memref<128xi32, #tpu.memory_space<vmem>>) semaphore(%run_scoped3A : memref<!tpu.dma_semaphore, #tpu.memory_space<semaphore_mem>>) {add = true}
            %dma_wait3A_762 = arith.constant 0 : i32
            %dma_wait3A_763 = arith.constant 0 : i32
            %dma_wait3A_764 = tpu.memref_slice %arg11[%scan3A_751, %dma_wait3A_762, %dma_wait3A_763] : memref<2x128x32xbf16, #tpu.memory_space<vmem>> -> memref<1x128x32xbf16, #tpu.memory_space<vmem>>
            %dma_wait3A_765 = tpu.memref_squeeze %dma_wait3A_764 : memref<1x128x32xbf16, #tpu.memory_space<vmem>> -> memref<128x32xbf16, #tpu.memory_space<vmem>>
            %dma_wait3A_766 = arith.constant 0 : i32
            %dma_wait3A_767 = tpu.memref_slice %arg9[%scan3A_751, %dma_wait3A_766] : memref<2x128xi32, #tpu.memory_space<vmem>> -> memref<1x128xi32, #tpu.memory_space<vmem>>
            %dma_wait3A_768 = tpu.memref_squeeze %dma_wait3A_767 : memref<1x128xi32, #tpu.memory_space<vmem>> -> memref<128xi32, #tpu.memory_space<vmem>>
            %dma_wait3A_769 = arith.constant 0 : i32
            %dma_wait3A_770 = arith.constant 0 : i32
            %dma_wait3A_771 = tpu.memref_slice %arg14[%dma_wait3A_769, %dma_wait3A_770] : memref<25152x32xbf16, #tpu.memory_space<vmem_shared>> -> memref<25152x32xbf16, #tpu.memory_space<vmem_shared>>
            tpu.wait_indirect_dma semaphore(%run_scoped3A : memref<!tpu.dma_semaphore, #tpu.memory_space<semaphore_mem>>) src(%dma_wait3A_765 : memref<128x32xbf16, #tpu.memory_space<vmem>>) dst(%dma_wait3A_771 : memref<25152x32xbf16, #tpu.memory_space<vmem_shared>>)
            tpu.yield
          }) : () -> ()
        }
        %scan3A_750 = arith.constant 2 : i32
      }
      %scan3A_55 = arith.constant 50 : i32
      %barrier3A_56 = arith.constant 0 : index
      tpu.barrier barrier_id(%barrier3A_56)
      %scan3A_57 = arith.constant 0 : i32
      %scan3A_58 = arith.constant 0 : i32
      %scan3A_59 = arith.constant 16 : i32
      %scan3A_60 = arith.addi %scan3A_58, %scan3A_59 : i32
      %scan3A_61 = arith.constant 1 : i32
      scf.for %scan3A_69 = %scan3A_58 to %scan3A_60 step %scan3A_61  : i32 {
        %mul3A_70 = arith.constant 1568 : i32
        %mul3A_71 = arith.muli %arg1, %mul3A_70 : i32
        %mul3A_72 = arith.constant 98 : i32
        %mul3A_73 = arith.muli %scan3A_69, %mul3A_72 : i32
        %add3A = arith.addi %mul3A_71, %mul3A_73 : i32
        "tpu.region"() ({
          %run_scoped3A = tpu.sem_alloc : memref<!tpu.dma_semaphore, #tpu.memory_space<semaphore_mem>>
          %dma_start3A = arith.constant 0 : i32
          %dma_start3A_92 = tpu.memref_slice %arg14[%add3A, %dma_start3A] : memref<25152x32xbf16, #tpu.memory_space<vmem_shared>> -> memref<98x32xbf16, #tpu.memory_space<vmem_shared>>
          %dma_start3A_93 = arith.constant 0 : i32
          %dma_start3A_94 = tpu.memref_slice %arg14[%add3A, %dma_start3A_93] : memref<25152x32xbf16, #tpu.memory_space<vmem_shared>> -> memref<98x32xbf16, #tpu.memory_space<vmem_shared>>
          tpu.enqueue_dma source(%dma_start3A_94 : memref<98x32xbf16, #tpu.memory_space<vmem_shared>>) target(%arg13 : memref<98x32xbf16, #tpu.memory_space<vmem>>) target_semaphore(%run_scoped3A : memref<!tpu.dma_semaphore, #tpu.memory_space<semaphore_mem>>)
          %dma_wait3A = arith.constant 0 : i32
          %dma_wait3A_95 = tpu.memref_slice %arg14[%add3A, %dma_wait3A] : memref<25152x32xbf16, #tpu.memory_space<vmem_shared>> -> memref<98x32xbf16, #tpu.memory_space<vmem_shared>>
          %dma_wait3A_96 = arith.constant 0 : i32
          %dma_wait3A_97 = tpu.memref_slice %arg14[%add3A, %dma_wait3A_96] : memref<25152x32xbf16, #tpu.memory_space<vmem_shared>> -> memref<98x32xbf16, #tpu.memory_space<vmem_shared>>
          tpu.wait_dma2 semaphore(%run_scoped3A : memref<!tpu.dma_semaphore, #tpu.memory_space<semaphore_mem>>) src(%dma_wait3A_97 : memref<98x32xbf16, #tpu.memory_space<vmem_shared>>) dst(%arg13 : memref<98x32xbf16, #tpu.memory_space<vmem>>)
          tpu.yield
        }) : () -> ()
        %scan3A_74 = arith.constant 0 : i32
        %scan3A_75 = arith.constant 0 : i32
        %scan3A_76 = arith.constant 98 : i32
        %scan3A_77 = arith.addi %scan3A_75, %scan3A_76 : i32
        %scan3A_78 = arith.constant 1 : i32
        scf.for %scan3A_92 = %scan3A_75 to %scan3A_77 step %scan3A_78  : i32 {
          %get3A = arith.index_cast %scan3A_92 : i32 to index
          %get3A_93 = arith.constant 0 : index
          %get3A_94 = tpu.vector_load %arg13[%get3A, %get3A_93] {strides = array<i32>} : memref<98x32xbf16, #tpu.memory_space<vmem>>, vector<32xbf16>,
          %unpack3A = tpu.unpack_subelements %get3A_94, 0 {pack_format = #tpu.pack_format<interleaved>} : vector<32xbf16> -> vector<16xf32>
          %unpack3A_95 = tpu.unpack_subelements %get3A_94, 1 {pack_format = #tpu.pack_format<interleaved>} : vector<32xbf16> -> vector<16xf32>
          %swap3A = arith.index_cast %scan3A_92 : i32 to index
          %swap3A_96 = arith.constant 0 : index
          %swap3A_97 = tpu.vector_load %arg12[%swap3A, %swap3A_96] {strides = array<i32>} : memref<98x128xf32, #tpu.memory_space<vmem>>, vector<16xf32>,
          tpu.vector_store %arg12[%swap3A, %swap3A_96], %unpack3A {strides = array<i32>} : memref<98x128xf32, #tpu.memory_space<vmem>>, vector<16xf32>,
          %swap3A_98 = arith.index_cast %scan3A_92 : i32 to index
          %swap3A_99 = arith.constant 16 : index
          %swap3A_100 = tpu.vector_load %arg12[%swap3A_98, %swap3A_99] {strides = array<i32>} : memref<98x128xf32, #tpu.memory_space<vmem>>, vector<16xf32>,
          tpu.vector_store %arg12[%swap3A_98, %swap3A_99], %unpack3A_95 {strides = array<i32>} : memref<98x128xf32, #tpu.memory_space<vmem>>, vector<16xf32>,
        }
        %scan3A_79 = arith.constant 98 : i32
        %mul3A_80 = arith.constant 2 : i32
        %mul3A_81 = arith.muli %sub3A_39, %mul3A_80 : i32
        %add3A_82 = arith.addi %mul3A_81, %arg0 : i32
        %mul3A_83 = arith.constant 50176 : i32
        %mul3A_84 = arith.muli %add3A_82, %mul3A_83 : i32
        %add3A_85 = arith.addi %mul3A_84, %mul3A_41 : i32
        %mul3A_86 = arith.constant 1568 : i32
        %mul3A_87 = arith.muli %arg1, %mul3A_86 : i32
        %add3A_88 = arith.addi %add3A_85, %mul3A_87 : i32
        %mul3A_89 = arith.constant 98 : i32
        %mul3A_90 = arith.muli %scan3A_69, %mul3A_89 : i32
        %add3A_91 = arith.addi %add3A_88, %mul3A_90 : i32
        "tpu.region"() ({
          %run_scoped3A = tpu.sem_alloc : memref<!tpu.dma_semaphore, #tpu.memory_space<semaphore_mem>>
          %dma_start3A = arith.constant 0 : i32
          %dma_start3A_92 = tpu.memref_slice %arg5[%add3A_91, %dma_start3A] : memref<401408x128xf32, #tpu.memory_space<hbm>> -> memref<98x128xf32, #tpu.memory_space<hbm>>
          %dma_start3A_93 = arith.constant 0 : i32
          %dma_start3A_94 = tpu.memref_slice %arg5[%add3A_91, %dma_start3A_93] : memref<401408x128xf32, #tpu.memory_space<hbm>> -> memref<98x128xf32, #tpu.memory_space<hbm>>
          tpu.enqueue_dma source(%arg12 : memref<98x128xf32, #tpu.memory_space<vmem>>) target(%dma_start3A_94 : memref<98x128xf32, #tpu.memory_space<hbm>>) target_semaphore(%run_scoped3A : memref<!tpu.dma_semaphore, #tpu.memory_space<semaphore_mem>>)
          %dma_wait3A = arith.constant 0 : i32
          %dma_wait3A_95 = tpu.memref_slice %arg5[%add3A_91, %dma_wait3A] : memref<401408x128xf32, #tpu.memory_space<hbm>> -> memref<98x128xf32, #tpu.memory_space<hbm>>
          %dma_wait3A_96 = arith.constant 0 : i32
          %dma_wait3A_97 = tpu.memref_slice %arg5[%add3A_91, %dma_wait3A_96] : memref<401408x128xf32, #tpu.memory_space<hbm>> -> memref<98x128xf32, #tpu.memory_space<hbm>>
          tpu.wait_dma2 semaphore(%run_scoped3A : memref<!tpu.dma_semaphore, #tpu.memory_space<semaphore_mem>>) src(%arg12 : memref<98x128xf32, #tpu.memory_space<vmem>>) dst(%dma_wait3A_97 : memref<98x128xf32, #tpu.memory_space<hbm>>)
          tpu.yield
        }) : () -> ()
      }
      %scan3A_62 = arith.constant 16 : i32
      %scan3A_63 = arith.constant 0 : i32
      %scan3A_64 = arith.constant 0 : i32
      %scan3A_65 = arith.constant 98 : i32
      %scan3A_66 = arith.addi %scan3A_64, %scan3A_65 : i32
      %scan3A_67 = arith.constant 1 : i32
      scf.for %scan3A_69 = %scan3A_64 to %scan3A_66 step %scan3A_67  : i32 {
        %broadcast_in_dim3A = arith.constant 0.000000e+00 : bf16
        %broadcast_in_dim3A_70 = vector.broadcast %broadcast_in_dim3A : bf16 to vector<32xbf16>
        %swap3A = arith.index_cast %scan3A_69 : i32 to index
        %swap3A_71 = arith.constant 0 : index
        %swap3A_72 = tpu.vector_load %arg13[%swap3A, %swap3A_71] {strides = array<i32>} : memref<98x32xbf16, #tpu.memory_space<vmem>>, vector<32xbf16>,
        tpu.vector_store %arg13[%swap3A, %swap3A_71], %broadcast_in_dim3A_70 {strides = array<i32>} : memref<98x32xbf16, #tpu.memory_space<vmem>>, vector<32xbf16>,
      }
      %scan3A_68 = arith.constant 98 : i32
    }
    %scan3A_19 = arith.constant 8 : i32
    return
  }
}

#map = affine_map<(d0, d1) -> (0)>
#map1 = affine_map<(d0, d1) -> (0, 0)>
module attributes {stable_mosaic.version = 14 : i64} {
  func.func @_edge_sc(%arg0: i32, %arg1: i32, %arg2: memref<819200xi32, #tpu.memory_space<hbm>>, %arg3: memref<6400x128xi32, #tpu.memory_space<hbm>>, %arg4: memref<100352x128xf32, #tpu.memory_space<hbm>>, %arg5: memref<401408x128xf32, #tpu.memory_space<hbm>>, %arg6: memref<51200xi32, #tpu.memory_space<vmem>>, %arg7: memref<2x128xi32, #tpu.memory_space<vmem>>, %arg8: memref<2x128xi32, #tpu.memory_space<vmem>>, %arg9: memref<2x128xi32, #tpu.memory_space<vmem>>, %arg10: memref<2x128x128xf32, #tpu.memory_space<vmem>>, %arg11: memref<2x128x32xbf16, #tpu.memory_space<vmem>>, %arg12: memref<98x128xf32, #tpu.memory_space<vmem>>, %arg13: memref<98x32xbf16, #tpu.memory_space<vmem>>, %arg14: memref<25152x32xbf16, #tpu.memory_space<vmem_shared>>, %arg15: memref<!tpu.dma_semaphore, #tpu.memory_space<semaphore_mem>>, %arg16: memref<!tpu.dma_semaphore, #tpu.memory_space<semaphore_mem>>) attributes {dimension_semantics = [#tpu.dimension_semantics<core_parallel>, #tpu.dimension_semantics<subcore_parallel>], iteration_bounds = array<i64: 2, 16>, scalar_prefetch = 0 : i64, scratch_operands = 11 : i64, tpu.core_type = #tpu.core_type<sc_vector_subcore>, window_params = [{transform_indices = #map}, {transform_indices = #map1}, {transform_indices = #map1}, {transform_indices = #map1}]} {
    %mul3A = arith.constant 50176 : i32
    %mul3A_0 = arith.muli %arg0, %mul3A : i32
    %mul3A_1 = arith.constant 51200 : i32
    %mul3A_2 = arith.muli %arg1, %mul3A_1 : i32
    "tpu.region"() ({
      %run_scoped3A = tpu.sem_alloc : memref<!tpu.dma_semaphore, #tpu.memory_space<semaphore_mem>>
      %dma_start3A = tpu.memref_slice %arg2[%mul3A_2] : memref<819200xi32, #tpu.memory_space<hbm>> -> memref<51200xi32, #tpu.memory_space<hbm>>
      %dma_start3A_20 = tpu.memref_slice %arg2[%mul3A_2] : memref<819200xi32, #tpu.memory_space<hbm>> -> memref<51200xi32, #tpu.memory_space<hbm>>
      tpu.enqueue_dma source(%dma_start3A_20 : memref<51200xi32, #tpu.memory_space<hbm>>) target(%arg6 : memref<51200xi32, #tpu.memory_space<vmem>>) target_semaphore(%run_scoped3A : memref<!tpu.dma_semaphore, #tpu.memory_space<semaphore_mem>>)
      %dma_wait3A = tpu.memref_slice %arg2[%mul3A_2] : memref<819200xi32, #tpu.memory_space<hbm>> -> memref<51200xi32, #tpu.memory_space<hbm>>
      %dma_wait3A_21 = tpu.memref_slice %arg2[%mul3A_2] : memref<819200xi32, #tpu.memory_space<hbm>> -> memref<51200xi32, #tpu.memory_space<hbm>>
      tpu.wait_dma2 semaphore(%run_scoped3A : memref<!tpu.dma_semaphore, #tpu.memory_space<semaphore_mem>>) src(%dma_wait3A_21 : memref<51200xi32, #tpu.memory_space<hbm>>) dst(%arg6 : memref<51200xi32, #tpu.memory_space<vmem>>)
      tpu.yield
    }) : () -> ()
    %scan3A = arith.constant 0 : i32
    %scan3A_3 = arith.constant 0 : i32
    %scan3A_4 = arith.constant 98 : i32
    %scan3A_5 = arith.addi %scan3A_3, %scan3A_4 : i32
    %scan3A_6 = arith.constant 1 : i32
    scf.for %scan3A_20 = %scan3A_3 to %scan3A_5 step %scan3A_6  : i32 {
      %broadcast_in_dim3A = arith.constant 0.000000e+00 : f32
      %broadcast_in_dim3A_21 = vector.broadcast %broadcast_in_dim3A : f32 to vector<16xf32>
      %swap3A = arith.index_cast %scan3A_20 : i32 to index
      %swap3A_22 = arith.constant 0 : index
      %swap3A_23 = tpu.vector_load %arg12[%swap3A, %swap3A_22] {strides = array<i32>} : memref<98x128xf32, #tpu.memory_space<vmem>>, vector<16xf32>,
      tpu.vector_store %arg12[%swap3A, %swap3A_22], %broadcast_in_dim3A_21 {strides = array<i32>} : memref<98x128xf32, #tpu.memory_space<vmem>>, vector<16xf32>,
      %broadcast_in_dim3A_24 = arith.constant 0.000000e+00 : f32
      %broadcast_in_dim3A_25 = vector.broadcast %broadcast_in_dim3A_24 : f32 to vector<16xf32>
      %swap3A_26 = arith.index_cast %scan3A_20 : i32 to index
      %swap3A_27 = arith.constant 16 : index
      %swap3A_28 = tpu.vector_load %arg12[%swap3A_26, %swap3A_27] {strides = array<i32>} : memref<98x128xf32, #tpu.memory_space<vmem>>, vector<16xf32>,
      tpu.vector_store %arg12[%swap3A_26, %swap3A_27], %broadcast_in_dim3A_25 {strides = array<i32>} : memref<98x128xf32, #tpu.memory_space<vmem>>, vector<16xf32>,
      %broadcast_in_dim3A_29 = arith.constant 0.000000e+00 : f32
      %broadcast_in_dim3A_30 = vector.broadcast %broadcast_in_dim3A_29 : f32 to vector<16xf32>
      %swap3A_31 = arith.index_cast %scan3A_20 : i32 to index
      %swap3A_32 = arith.constant 32 : index
      %swap3A_33 = tpu.vector_load %arg12[%swap3A_31, %swap3A_32] {strides = array<i32>} : memref<98x128xf32, #tpu.memory_space<vmem>>, vector<16xf32>,
      tpu.vector_store %arg12[%swap3A_31, %swap3A_32], %broadcast_in_dim3A_30 {strides = array<i32>} : memref<98x128xf32, #tpu.memory_space<vmem>>, vector<16xf32>,
      %broadcast_in_dim3A_34 = arith.constant 0.000000e+00 : f32
      %broadcast_in_dim3A_35 = vector.broadcast %broadcast_in_dim3A_34 : f32 to vector<16xf32>
      %swap3A_36 = arith.index_cast %scan3A_20 : i32 to index
      %swap3A_37 = arith.constant 48 : index
      %swap3A_38 = tpu.vector_load %arg12[%swap3A_36, %swap3A_37] {strides = array<i32>} : memref<98x128xf32, #tpu.memory_space<vmem>>, vector<16xf32>,
      tpu.vector_store %arg12[%swap3A_36, %swap3A_37], %broadcast_in_dim3A_35 {strides = array<i32>} : memref<98x128xf32, #tpu.memory_space<vmem>>, vector<16xf32>,
      %broadcast_in_dim3A_39 = arith.constant 0.000000e+00 : f32
      %broadcast_in_dim3A_40 = vector.broadcast %broadcast_in_dim3A_39 : f32 to vector<16xf32>
      %swap3A_41 = arith.index_cast %scan3A_20 : i32 to index
      %swap3A_42 = arith.constant 64 : index
      %swap3A_43 = tpu.vector_load %arg12[%swap3A_41, %swap3A_42] {strides = array<i32>} : memref<98x128xf32, #tpu.memory_space<vmem>>, vector<16xf32>,
      tpu.vector_store %arg12[%swap3A_41, %swap3A_42], %broadcast_in_dim3A_40 {strides = array<i32>} : memref<98x128xf32, #tpu.memory_space<vmem>>, vector<16xf32>,
      %broadcast_in_dim3A_44 = arith.constant 0.000000e+00 : f32
      %broadcast_in_dim3A_45 = vector.broadcast %broadcast_in_dim3A_44 : f32 to vector<16xf32>
      %swap3A_46 = arith.index_cast %scan3A_20 : i32 to index
      %swap3A_47 = arith.constant 80 : index
      %swap3A_48 = tpu.vector_load %arg12[%swap3A_46, %swap3A_47] {strides = array<i32>} : memref<98x128xf32, #tpu.memory_space<vmem>>, vector<16xf32>,
      tpu.vector_store %arg12[%swap3A_46, %swap3A_47], %broadcast_in_dim3A_45 {strides = array<i32>} : memref<98x128xf32, #tpu.memory_space<vmem>>, vector<16xf32>,
      %broadcast_in_dim3A_49 = arith.constant 0.000000e+00 : f32
      %broadcast_in_dim3A_50 = vector.broadcast %broadcast_in_dim3A_49 : f32 to vector<16xf32>
      %swap3A_51 = arith.index_cast %scan3A_20 : i32 to index
      %swap3A_52 = arith.constant 96 : index
      %swap3A_53 = tpu.vector_load %arg12[%swap3A_51, %swap3A_52] {strides = array<i32>} : memref<98x128xf32, #tpu.memory_space<vmem>>, vector<16xf32>,
      tpu.vector_store %arg12[%swap3A_51, %swap3A_52], %broadcast_in_dim3A_50 {strides = array<i32>} : memref<98x128xf32, #tpu.memory_space<vmem>>, vector<16xf32>,
      %broadcast_in_dim3A_54 = arith.constant 0.000000e+00 : f32
      %broadcast_in_dim3A_55 = vector.broadcast %broadcast_in_dim3A_54 : f32 to vector<16xf32>
      %swap3A_56 = arith.index_cast %scan3A_20 : i32 to index
      %swap3A_57 = arith.constant 112 : index
      %swap3A_58 = tpu.vector_load %arg12[%swap3A_56, %swap3A_57] {strides = array<i32>} : memref<98x128xf32, #tpu.memory_space<vmem>>, vector<16xf32>,
      tpu.vector_store %arg12[%swap3A_56, %swap3A_57], %broadcast_in_dim3A_55 {strides = array<i32>} : memref<98x128xf32, #tpu.memory_space<vmem>>, vector<16xf32>,
    }
    %scan3A_7 = arith.constant 98 : i32
    %scan3A_8 = arith.constant 0 : i32
    %scan3A_9 = arith.constant 0 : i32
    %scan3A_10 = arith.constant 98 : i32
    %scan3A_11 = arith.addi %scan3A_9, %scan3A_10 : i32
    %scan3A_12 = arith.constant 1 : i32
    scf.for %scan3A_20 = %scan3A_9 to %scan3A_11 step %scan3A_12  : i32 {
      %broadcast_in_dim3A = arith.constant 0.000000e+00 : bf16
      %broadcast_in_dim3A_21 = vector.broadcast %broadcast_in_dim3A : bf16 to vector<32xbf16>
      %swap3A = arith.index_cast %scan3A_20 : i32 to index
      %swap3A_22 = arith.constant 0 : index
      %swap3A_23 = tpu.vector_load %arg13[%swap3A, %swap3A_22] {strides = array<i32>} : memref<98x32xbf16, #tpu.memory_space<vmem>>, vector<32xbf16>,
      tpu.vector_store %arg13[%swap3A, %swap3A_22], %broadcast_in_dim3A_21 {strides = array<i32>} : memref<98x32xbf16, #tpu.memory_space<vmem>>, vector<32xbf16>,
    }
    %scan3A_13 = arith.constant 98 : i32
    %scan3A_14 = arith.constant 0 : i32
    %scan3A_15 = arith.constant 0 : i32
    %scan3A_16 = arith.constant 8 : i32
    %scan3A_17 = arith.addi %scan3A_15, %scan3A_16 : i32
    %scan3A_18 = arith.constant 1 : i32
    scf.for %scan3A_20 = %scan3A_15 to %scan3A_17 step %scan3A_18  : i32 {
      %jit3A = arith.constant 4 : i32
      %div3A = arith.divsi %scan3A_20, %jit3A : i32
      %sign3A = arith.constant 0 : i32
      %sign3A_21 = arith.cmpi sgt, %scan3A_20, %sign3A : i32
      %sign3A_22 = arith.extui %sign3A_21 : i1 to i32
      %sign3A_23 = arith.constant 0 : i32
      %sign3A_24 = arith.cmpi slt, %scan3A_20, %sign3A_23 : i32
      %sign3A_25 = arith.extui %sign3A_24 : i1 to i32
      %sign3A_26 = arith.subi %sign3A_22, %sign3A_25 : i32
      %sign3A_27 = arith.constant 0 : i32
      %sign3A_28 = arith.cmpi sgt, %jit3A, %sign3A_27 : i32
      %sign3A_29 = arith.extui %sign3A_28 : i1 to i32
      %sign3A_30 = arith.constant 0 : i32
      %sign3A_31 = arith.cmpi slt, %jit3A, %sign3A_30 : i32
      %sign3A_32 = arith.extui %sign3A_31 : i1 to i32
      %sign3A_33 = arith.subi %sign3A_29, %sign3A_32 : i32
      %ne3A = arith.cmpi ne, %sign3A_26, %sign3A_33 : i32
      %rem3A = arith.remsi %scan3A_20, %jit3A : i32
      %ne3A_34 = arith.constant 0 : i32
      %ne3A_35 = arith.cmpi ne, %rem3A, %ne3A_34 : i32
      %and3A = arith.andi %ne3A, %ne3A_35 : i1
      %sub3A = arith.constant 1 : i32
      %sub3A_36 = arith.subi %div3A, %sub3A : i32
      %select_n3A = arith.select %and3A, %sub3A_36, %div3A : i32
      %mul3A_37 = arith.constant 4 : i32
      %mul3A_38 = arith.muli %select_n3A, %mul3A_37 : i32
      %sub3A_39 = arith.subi %scan3A_20, %mul3A_38 : i32
      %mul3A_40 = arith.constant 25088 : i32
      %mul3A_41 = arith.muli %select_n3A, %mul3A_40 : i32
      %mul3A_42 = arith.constant 100 : i32
      %mul3A_43 = arith.muli %sub3A_39, %mul3A_42 : i32
      %scan3A_44 = arith.constant 0 : i32
      %scan3A_45 = arith.constant 0 : i32
      %scan3A_46 = arith.constant 16 : i32
      %scan3A_47 = arith.addi %scan3A_45, %scan3A_46 : i32
      %scan3A_48 = arith.constant 1 : i32
      scf.for %scan3A_69 = %scan3A_45 to %scan3A_47 step %scan3A_48  : i32 {
        %mul3A_70 = arith.constant 1568 : i32
        %mul3A_71 = arith.muli %arg1, %mul3A_70 : i32
        %mul3A_72 = arith.constant 98 : i32
        %mul3A_73 = arith.muli %scan3A_69, %mul3A_72 : i32
        %add3A = arith.addi %mul3A_71, %mul3A_73 : i32
        "tpu.region"() ({
          %run_scoped3A = tpu.sem_alloc : memref<!tpu.dma_semaphore, #tpu.memory_space<semaphore_mem>>
          %dma_start3A = arith.constant 0 : i32
          %dma_start3A_74 = tpu.memref_slice %arg14[%add3A, %dma_start3A] : memref<25152x32xbf16, #tpu.memory_space<vmem_shared>> -> memref<98x32xbf16, #tpu.memory_space<vmem_shared>>
          %dma_start3A_75 = arith.constant 0 : i32
          %dma_start3A_76 = tpu.memref_slice %arg14[%add3A, %dma_start3A_75] : memref<25152x32xbf16, #tpu.memory_space<vmem_shared>> -> memref<98x32xbf16, #tpu.memory_space<vmem_shared>>
          tpu.enqueue_dma source(%arg13 : memref<98x32xbf16, #tpu.memory_space<vmem>>) target(%dma_start3A_76 : memref<98x32xbf16, #tpu.memory_space<vmem_shared>>) target_semaphore(%run_scoped3A : memref<!tpu.dma_semaphore, #tpu.memory_space<semaphore_mem>>)
          %dma_wait3A = arith.constant 0 : i32
          %dma_wait3A_77 = tpu.memref_slice %arg14[%add3A, %dma_wait3A] : memref<25152x32xbf16, #tpu.memory_space<vmem_shared>> -> memref<98x32xbf16, #tpu.memory_space<vmem_shared>>
          %dma_wait3A_78 = arith.constant 0 : i32
          %dma_wait3A_79 = tpu.memref_slice %arg14[%add3A, %dma_wait3A_78] : memref<25152x32xbf16, #tpu.memory_space<vmem_shared>> -> memref<98x32xbf16, #tpu.memory_space<vmem_shared>>
          tpu.wait_dma2 semaphore(%run_scoped3A : memref<!tpu.dma_semaphore, #tpu.memory_space<semaphore_mem>>) src(%arg13 : memref<98x32xbf16, #tpu.memory_space<vmem>>) dst(%dma_wait3A_79 : memref<98x32xbf16, #tpu.memory_space<vmem_shared>>)
          tpu.yield
        }) : () -> ()
      }
      %scan3A_49 = arith.constant 16 : i32
      %barrier3A = arith.constant 0 : index
      tpu.barrier barrier_id(%barrier3A)
      %scan3A_50 = arith.constant 0 : i32
      %scan3A_51 = arith.constant 0 : i32
      %scan3A_52 = arith.constant 50 : i32
      %scan3A_53 = arith.addi %scan3A_51, %scan3A_52 : i32
      %scan3A_54 = arith.constant 1 : i32
      scf.for %scan3A_69 = %scan3A_51 to %scan3A_53 step %scan3A_54  : i32 {
        %mul3A_70 = arith.constant 2 : i32
        %mul3A_71 = arith.muli %mul3A_70, %scan3A_69 : i32
        %add3A = arith.addi %mul3A_43, %mul3A_71 : i32
        %mul3A_72 = arith.constant 400 : i32
        %mul3A_73 = arith.muli %arg1, %mul3A_72 : i32
        %add3A_74 = arith.addi %mul3A_73, %add3A : i32
        %dma_start3A = arith.constant 0 : i32
        %dma_start3A_75 = tpu.memref_slice %arg3[%add3A_74, %dma_start3A] : memref<6400x128xi32, #tpu.memory_space<hbm>> -> memref<2x128xi32, #tpu.memory_space<hbm>>
        %dma_start3A_76 = arith.constant 0 : i32
        %dma_start3A_77 = tpu.memref_slice %arg3[%add3A_74, %dma_start3A_76] : memref<6400x128xi32, #tpu.memory_space<hbm>> -> memref<2x128xi32, #tpu.memory_space<hbm>>
        tpu.enqueue_dma source(%dma_start3A_77 : memref<2x128xi32, #tpu.memory_space<hbm>>) target(%arg7 : memref<2x128xi32, #tpu.memory_space<vmem>>) target_semaphore(%arg16 : memref<!tpu.dma_semaphore, #tpu.memory_space<semaphore_mem>>)
        %add3A_78 = arith.constant 0 : i32
        %add3A_79 = arith.addi %add3A, %add3A_78 : i32
        %mul3A_80 = arith.constant 128 : i32
        %mul3A_81 = arith.muli %add3A_79, %mul3A_80 : i32
        %add3A_82 = arith.constant 0 : i32
        %add3A_83 = arith.addi %mul3A_81, %add3A_82 : i32
        %get3A = arith.index_cast %add3A_83 : i32 to index
        %get3A_84 = tpu.vector_load %arg6[%get3A] {strides = array<i32>} : memref<51200xi32, #tpu.memory_space<vmem>>, vector<16xi32>,
        %add3A_85 = vector.broadcast %mul3A_0 : i32 to vector<16xi32>
        %add3A_86 = arith.addi %get3A_84, %add3A_85 : vector<16xi32>
        %swap3A = arith.constant 0 : i32
        %swap3A_87 = arith.index_cast %swap3A : i32 to index
        %swap3A_88 = arith.constant 0 : index
        %swap3A_89 = tpu.vector_load %arg8[%swap3A_87, %swap3A_88] {strides = array<i32>} : memref<2x128xi32, #tpu.memory_space<vmem>>, vector<16xi32>,
        tpu.vector_store %arg8[%swap3A_87, %swap3A_88], %add3A_86 {strides = array<i32>} : memref<2x128xi32, #tpu.memory_space<vmem>>, vector<16xi32>,
        %add3A_90 = arith.constant 0 : i32
        %add3A_91 = arith.addi %add3A, %add3A_90 : i32
        %mul3A_92 = arith.constant 128 : i32
        %mul3A_93 = arith.muli %add3A_91, %mul3A_92 : i32
        %add3A_94 = arith.constant 16 : i32
        %add3A_95 = arith.addi %mul3A_93, %add3A_94 : i32
        %get3A_96 = arith.index_cast %add3A_95 : i32 to index
        %get3A_97 = tpu.vector_load %arg6[%get3A_96] {strides = array<i32>} : memref<51200xi32, #tpu.memory_space<vmem>>, vector<16xi32>,
        %add3A_98 = vector.broadcast %mul3A_0 : i32 to vector<16xi32>
        %add3A_99 = arith.addi %get3A_97, %add3A_98 : vector<16xi32>
        %swap3A_100 = arith.constant 0 : i32
        %swap3A_101 = arith.index_cast %swap3A_100 : i32 to index
        %swap3A_102 = arith.constant 16 : index
        %swap3A_103 = tpu.vector_load %arg8[%swap3A_101, %swap3A_102] {strides = array<i32>} : memref<2x128xi32, #tpu.memory_space<vmem>>, vector<16xi32>,
        tpu.vector_store %arg8[%swap3A_101, %swap3A_102], %add3A_99 {strides = array<i32>} : memref<2x128xi32, #tpu.memory_space<vmem>>, vector<16xi32>,
        %add3A_104 = arith.constant 0 : i32
        %add3A_105 = arith.addi %add3A, %add3A_104 : i32
        %mul3A_106 = arith.constant 128 : i32
        %mul3A_107 = arith.muli %add3A_105, %mul3A_106 : i32
        %add3A_108 = arith.constant 32 : i32
        %add3A_109 = arith.addi %mul3A_107, %add3A_108 : i32
        %get3A_110 = arith.index_cast %add3A_109 : i32 to index
        %get3A_111 = tpu.vector_load %arg6[%get3A_110] {strides = array<i32>} : memref<51200xi32, #tpu.memory_space<vmem>>, vector<16xi32>,
        %add3A_112 = vector.broadcast %mul3A_0 : i32 to vector<16xi32>
        %add3A_113 = arith.addi %get3A_111, %add3A_112 : vector<16xi32>
        %swap3A_114 = arith.constant 0 : i32
        %swap3A_115 = arith.index_cast %swap3A_114 : i32 to index
        %swap3A_116 = arith.constant 32 : index
        %swap3A_117 = tpu.vector_load %arg8[%swap3A_115, %swap3A_116] {strides = array<i32>} : memref<2x128xi32, #tpu.memory_space<vmem>>, vector<16xi32>,
        tpu.vector_store %arg8[%swap3A_115, %swap3A_116], %add3A_113 {strides = array<i32>} : memref<2x128xi32, #tpu.memory_space<vmem>>, vector<16xi32>,
        %add3A_118 = arith.constant 0 : i32
        %add3A_119 = arith.addi %add3A, %add3A_118 : i32
        %mul3A_120 = arith.constant 128 : i32
        %mul3A_121 = arith.muli %add3A_119, %mul3A_120 : i32
        %add3A_122 = arith.constant 48 : i32
        %add3A_123 = arith.addi %mul3A_121, %add3A_122 : i32
        %get3A_124 = arith.index_cast %add3A_123 : i32 to index
        %get3A_125 = tpu.vector_load %arg6[%get3A_124] {strides = array<i32>} : memref<51200xi32, #tpu.memory_space<vmem>>, vector<16xi32>,
        %add3A_126 = vector.broadcast %mul3A_0 : i32 to vector<16xi32>
        %add3A_127 = arith.addi %get3A_125, %add3A_126 : vector<16xi32>
        %swap3A_128 = arith.constant 0 : i32
        %swap3A_129 = arith.index_cast %swap3A_128 : i32 to index
        %swap3A_130 = arith.constant 48 : index
        %swap3A_131 = tpu.vector_load %arg8[%swap3A_129, %swap3A_130] {strides = array<i32>} : memref<2x128xi32, #tpu.memory_space<vmem>>, vector<16xi32>,
        tpu.vector_store %arg8[%swap3A_129, %swap3A_130], %add3A_127 {strides = array<i32>} : memref<2x128xi32, #tpu.memory_space<vmem>>, vector<16xi32>,
        %add3A_132 = arith.constant 0 : i32
        %add3A_133 = arith.addi %add3A, %add3A_132 : i32
        %mul3A_134 = arith.constant 128 : i32
        %mul3A_135 = arith.muli %add3A_133, %mul3A_134 : i32
        %add3A_136 = arith.constant 64 : i32
        %add3A_137 = arith.addi %mul3A_135, %add3A_136 : i32
        %get3A_138 = arith.index_cast %add3A_137 : i32 to index
        %get3A_139 = tpu.vector_load %arg6[%get3A_138] {strides = array<i32>} : memref<51200xi32, #tpu.memory_space<vmem>>, vector<16xi32>,
        %add3A_140 = vector.broadcast %mul3A_0 : i32 to vector<16xi32>
        %add3A_141 = arith.addi %get3A_139, %add3A_140 : vector<16xi32>
        %swap3A_142 = arith.constant 0 : i32
        %swap3A_143 = arith.index_cast %swap3A_142 : i32 to index
        %swap3A_144 = arith.constant 64 : index
        %swap3A_145 = tpu.vector_load %arg8[%swap3A_143, %swap3A_144] {strides = array<i32>} : memref<2x128xi32, #tpu.memory_space<vmem>>, vector<16xi32>,
        tpu.vector_store %arg8[%swap3A_143, %swap3A_144], %add3A_141 {strides = array<i32>} : memref<2x128xi32, #tpu.memory_space<vmem>>, vector<16xi32>,
        %add3A_146 = arith.constant 0 : i32
        %add3A_147 = arith.addi %add3A, %add3A_146 : i32
        %mul3A_148 = arith.constant 128 : i32
        %mul3A_149 = arith.muli %add3A_147, %mul3A_148 : i32
        %add3A_150 = arith.constant 80 : i32
        %add3A_151 = arith.addi %mul3A_149, %add3A_150 : i32
        %get3A_152 = arith.index_cast %add3A_151 : i32 to index
        %get3A_153 = tpu.vector_load %arg6[%get3A_152] {strides = array<i32>} : memref<51200xi32, #tpu.memory_space<vmem>>, vector<16xi32>,
        %add3A_154 = vector.broadcast %mul3A_0 : i32 to vector<16xi32>
        %add3A_155 = arith.addi %get3A_153, %add3A_154 : vector<16xi32>
        %swap3A_156 = arith.constant 0 : i32
        %swap3A_157 = arith.index_cast %swap3A_156 : i32 to index
        %swap3A_158 = arith.constant 80 : index
        %swap3A_159 = tpu.vector_load %arg8[%swap3A_157, %swap3A_158] {strides = array<i32>} : memref<2x128xi32, #tpu.memory_space<vmem>>, vector<16xi32>,
        tpu.vector_store %arg8[%swap3A_157, %swap3A_158], %add3A_155 {strides = array<i32>} : memref<2x128xi32, #tpu.memory_space<vmem>>, vector<16xi32>,
        %add3A_160 = arith.constant 0 : i32
        %add3A_161 = arith.addi %add3A, %add3A_160 : i32
        %mul3A_162 = arith.constant 128 : i32
        %mul3A_163 = arith.muli %add3A_161, %mul3A_162 : i32
        %add3A_164 = arith.constant 96 : i32
        %add3A_165 = arith.addi %mul3A_163, %add3A_164 : i32
        %get3A_166 = arith.index_cast %add3A_165 : i32 to index
        %get3A_167 = tpu.vector_load %arg6[%get3A_166] {strides = array<i32>} : memref<51200xi32, #tpu.memory_space<vmem>>, vector<16xi32>,
        %add3A_168 = vector.broadcast %mul3A_0 : i32 to vector<16xi32>
        %add3A_169 = arith.addi %get3A_167, %add3A_168 : vector<16xi32>
        %swap3A_170 = arith.constant 0 : i32
        %swap3A_171 = arith.index_cast %swap3A_170 : i32 to index
        %swap3A_172 = arith.constant 96 : index
        %swap3A_173 = tpu.vector_load %arg8[%swap3A_171, %swap3A_172] {strides = array<i32>} : memref<2x128xi32, #tpu.memory_space<vmem>>, vector<16xi32>,
        tpu.vector_store %arg8[%swap3A_171, %swap3A_172], %add3A_169 {strides = array<i32>} : memref<2x128xi32, #tpu.memory_space<vmem>>, vector<16xi32>,
        %add3A_174 = arith.constant 0 : i32
        %add3A_175 = arith.addi %add3A, %add3A_174 : i32
        %mul3A_176 = arith.constant 128 : i32
        %mul3A_177 = arith.muli %add3A_175, %mul3A_176 : i32
        %add3A_178 = arith.constant 112 : i32
        %add3A_179 = arith.addi %mul3A_177, %add3A_178 : i32
        %get3A_180 = arith.index_cast %add3A_179 : i32 to index
        %get3A_181 = tpu.vector_load %arg6[%get3A_180] {strides = array<i32>} : memref<51200xi32, #tpu.memory_space<vmem>>, vector<16xi32>,
        %add3A_182 = vector.broadcast %mul3A_0 : i32 to vector<16xi32>
        %add3A_183 = arith.addi %get3A_181, %add3A_182 : vector<16xi32>
        %swap3A_184 = arith.constant 0 : i32
        %swap3A_185 = arith.index_cast %swap3A_184 : i32 to index
        %swap3A_186 = arith.constant 112 : index
        %swap3A_187 = tpu.vector_load %arg8[%swap3A_185, %swap3A_186] {strides = array<i32>} : memref<2x128xi32, #tpu.memory_space<vmem>>, vector<16xi32>,
        tpu.vector_store %arg8[%swap3A_185, %swap3A_186], %add3A_183 {strides = array<i32>} : memref<2x128xi32, #tpu.memory_space<vmem>>, vector<16xi32>,
        %dma_start3A_188 = arith.constant 0 : i32
        %dma_start3A_189 = arith.constant 0 : i32
        %dma_start3A_190 = arith.constant 0 : i32
        %dma_start3A_191 = arith.constant 0 : i32
        %dma_start3A_192 = tpu.memref_slice %arg10[%dma_start3A_189, %dma_start3A_190, %dma_start3A_191] : memref<2x128x128xf32, #tpu.memory_space<vmem>> -> memref<1x128x128xf32, #tpu.memory_space<vmem>>
        %dma_start3A_193 = tpu.memref_squeeze %dma_start3A_192 : memref<1x128x128xf32, #tpu.memory_space<vmem>> -> memref<128x128xf32, #tpu.memory_space<vmem>>
        %dma_start3A_194 = arith.constant 0 : i32
        %dma_start3A_195 = tpu.memref_slice %arg8[%dma_start3A_188, %dma_start3A_194] : memref<2x128xi32, #tpu.memory_space<vmem>> -> memref<1x128xi32, #tpu.memory_space<vmem>>
        %dma_start3A_196 = tpu.memref_squeeze %dma_start3A_195 : memref<1x128xi32, #tpu.memory_space<vmem>> -> memref<128xi32, #tpu.memory_space<vmem>>
        %dma_start3A_197 = arith.constant 0 : i32
        %dma_start3A_198 = arith.constant 0 : i32
        %dma_start3A_199 = tpu.memref_slice %arg4[%dma_start3A_197, %dma_start3A_198] : memref<100352x128xf32, #tpu.memory_space<hbm>> -> memref<100352x128xf32, #tpu.memory_space<hbm>>
        tpu.enqueue_indirect_dma source(%dma_start3A_199 : memref<100352x128xf32, #tpu.memory_space<hbm>>) target(%dma_start3A_193 : memref<128x128xf32, #tpu.memory_space<vmem>>) offsets(%dma_start3A_196 : memref<128xi32, #tpu.memory_space<vmem>>) semaphore(%arg15 : memref<!tpu.dma_semaphore, #tpu.memory_space<semaphore_mem>>)
        %add3A_200 = arith.constant 1 : i32
        %add3A_201 = arith.addi %add3A, %add3A_200 : i32
        %mul3A_202 = arith.constant 128 : i32
        %mul3A_203 = arith.muli %add3A_201, %mul3A_202 : i32
        %add3A_204 = arith.constant 0 : i32
        %add3A_205 = arith.addi %mul3A_203, %add3A_204 : i32
        %get3A_206 = arith.index_cast %add3A_205 : i32 to index
        %get3A_207 = tpu.vector_load %arg6[%get3A_206] {strides = array<i32>} : memref<51200xi32, #tpu.memory_space<vmem>>, vector<16xi32>,
        %add3A_208 = vector.broadcast %mul3A_0 : i32 to vector<16xi32>
        %add3A_209 = arith.addi %get3A_207, %add3A_208 : vector<16xi32>
        %swap3A_210 = arith.constant 1 : i32
        %swap3A_211 = arith.index_cast %swap3A_210 : i32 to index
        %swap3A_212 = arith.constant 0 : index
        %swap3A_213 = tpu.vector_load %arg8[%swap3A_211, %swap3A_212] {strides = array<i32>} : memref<2x128xi32, #tpu.memory_space<vmem>>, vector<16xi32>,
        tpu.vector_store %arg8[%swap3A_211, %swap3A_212], %add3A_209 {strides = array<i32>} : memref<2x128xi32, #tpu.memory_space<vmem>>, vector<16xi32>,
        %add3A_214 = arith.constant 1 : i32
        %add3A_215 = arith.addi %add3A, %add3A_214 : i32
        %mul3A_216 = arith.constant 128 : i32
        %mul3A_217 = arith.muli %add3A_215, %mul3A_216 : i32
        %add3A_218 = arith.constant 16 : i32
        %add3A_219 = arith.addi %mul3A_217, %add3A_218 : i32
        %get3A_220 = arith.index_cast %add3A_219 : i32 to index
        %get3A_221 = tpu.vector_load %arg6[%get3A_220] {strides = array<i32>} : memref<51200xi32, #tpu.memory_space<vmem>>, vector<16xi32>,
        %add3A_222 = vector.broadcast %mul3A_0 : i32 to vector<16xi32>
        %add3A_223 = arith.addi %get3A_221, %add3A_222 : vector<16xi32>
        %swap3A_224 = arith.constant 1 : i32
        %swap3A_225 = arith.index_cast %swap3A_224 : i32 to index
        %swap3A_226 = arith.constant 16 : index
        %swap3A_227 = tpu.vector_load %arg8[%swap3A_225, %swap3A_226] {strides = array<i32>} : memref<2x128xi32, #tpu.memory_space<vmem>>, vector<16xi32>,
        tpu.vector_store %arg8[%swap3A_225, %swap3A_226], %add3A_223 {strides = array<i32>} : memref<2x128xi32, #tpu.memory_space<vmem>>, vector<16xi32>,
        %add3A_228 = arith.constant 1 : i32
        %add3A_229 = arith.addi %add3A, %add3A_228 : i32
        %mul3A_230 = arith.constant 128 : i32
        %mul3A_231 = arith.muli %add3A_229, %mul3A_230 : i32
        %add3A_232 = arith.constant 32 : i32
        %add3A_233 = arith.addi %mul3A_231, %add3A_232 : i32
        %get3A_234 = arith.index_cast %add3A_233 : i32 to index
        %get3A_235 = tpu.vector_load %arg6[%get3A_234] {strides = array<i32>} : memref<51200xi32, #tpu.memory_space<vmem>>, vector<16xi32>,
        %add3A_236 = vector.broadcast %mul3A_0 : i32 to vector<16xi32>
        %add3A_237 = arith.addi %get3A_235, %add3A_236 : vector<16xi32>
        %swap3A_238 = arith.constant 1 : i32
        %swap3A_239 = arith.index_cast %swap3A_238 : i32 to index
        %swap3A_240 = arith.constant 32 : index
        %swap3A_241 = tpu.vector_load %arg8[%swap3A_239, %swap3A_240] {strides = array<i32>} : memref<2x128xi32, #tpu.memory_space<vmem>>, vector<16xi32>,
        tpu.vector_store %arg8[%swap3A_239, %swap3A_240], %add3A_237 {strides = array<i32>} : memref<2x128xi32, #tpu.memory_space<vmem>>, vector<16xi32>,
        %add3A_242 = arith.constant 1 : i32
        %add3A_243 = arith.addi %add3A, %add3A_242 : i32
        %mul3A_244 = arith.constant 128 : i32
        %mul3A_245 = arith.muli %add3A_243, %mul3A_244 : i32
        %add3A_246 = arith.constant 48 : i32
        %add3A_247 = arith.addi %mul3A_245, %add3A_246 : i32
        %get3A_248 = arith.index_cast %add3A_247 : i32 to index
        %get3A_249 = tpu.vector_load %arg6[%get3A_248] {strides = array<i32>} : memref<51200xi32, #tpu.memory_space<vmem>>, vector<16xi32>,
        %add3A_250 = vector.broadcast %mul3A_0 : i32 to vector<16xi32>
        %add3A_251 = arith.addi %get3A_249, %add3A_250 : vector<16xi32>
        %swap3A_252 = arith.constant 1 : i32
        %swap3A_253 = arith.index_cast %swap3A_252 : i32 to index
        %swap3A_254 = arith.constant 48 : index
        %swap3A_255 = tpu.vector_load %arg8[%swap3A_253, %swap3A_254] {strides = array<i32>} : memref<2x128xi32, #tpu.memory_space<vmem>>, vector<16xi32>,
        tpu.vector_store %arg8[%swap3A_253, %swap3A_254], %add3A_251 {strides = array<i32>} : memref<2x128xi32, #tpu.memory_space<vmem>>, vector<16xi32>,
        %add3A_256 = arith.constant 1 : i32
        %add3A_257 = arith.addi %add3A, %add3A_256 : i32
        %mul3A_258 = arith.constant 128 : i32
        %mul3A_259 = arith.muli %add3A_257, %mul3A_258 : i32
        %add3A_260 = arith.constant 64 : i32
        %add3A_261 = arith.addi %mul3A_259, %add3A_260 : i32
        %get3A_262 = arith.index_cast %add3A_261 : i32 to index
        %get3A_263 = tpu.vector_load %arg6[%get3A_262] {strides = array<i32>} : memref<51200xi32, #tpu.memory_space<vmem>>, vector<16xi32>,
        %add3A_264 = vector.broadcast %mul3A_0 : i32 to vector<16xi32>
        %add3A_265 = arith.addi %get3A_263, %add3A_264 : vector<16xi32>
        %swap3A_266 = arith.constant 1 : i32
        %swap3A_267 = arith.index_cast %swap3A_266 : i32 to index
        %swap3A_268 = arith.constant 64 : index
        %swap3A_269 = tpu.vector_load %arg8[%swap3A_267, %swap3A_268] {strides = array<i32>} : memref<2x128xi32, #tpu.memory_space<vmem>>, vector<16xi32>,
        tpu.vector_store %arg8[%swap3A_267, %swap3A_268], %add3A_265 {strides = array<i32>} : memref<2x128xi32, #tpu.memory_space<vmem>>, vector<16xi32>,
        %add3A_270 = arith.constant 1 : i32
        %add3A_271 = arith.addi %add3A, %add3A_270 : i32
        %mul3A_272 = arith.constant 128 : i32
        %mul3A_273 = arith.muli %add3A_271, %mul3A_272 : i32
        %add3A_274 = arith.constant 80 : i32
        %add3A_275 = arith.addi %mul3A_273, %add3A_274 : i32
        %get3A_276 = arith.index_cast %add3A_275 : i32 to index
        %get3A_277 = tpu.vector_load %arg6[%get3A_276] {strides = array<i32>} : memref<51200xi32, #tpu.memory_space<vmem>>, vector<16xi32>,
        %add3A_278 = vector.broadcast %mul3A_0 : i32 to vector<16xi32>
        %add3A_279 = arith.addi %get3A_277, %add3A_278 : vector<16xi32>
        %swap3A_280 = arith.constant 1 : i32
        %swap3A_281 = arith.index_cast %swap3A_280 : i32 to index
        %swap3A_282 = arith.constant 80 : index
        %swap3A_283 = tpu.vector_load %arg8[%swap3A_281, %swap3A_282] {strides = array<i32>} : memref<2x128xi32, #tpu.memory_space<vmem>>, vector<16xi32>,
        tpu.vector_store %arg8[%swap3A_281, %swap3A_282], %add3A_279 {strides = array<i32>} : memref<2x128xi32, #tpu.memory_space<vmem>>, vector<16xi32>,
        %add3A_284 = arith.constant 1 : i32
        %add3A_285 = arith.addi %add3A, %add3A_284 : i32
        %mul3A_286 = arith.constant 128 : i32
        %mul3A_287 = arith.muli %add3A_285, %mul3A_286 : i32
        %add3A_288 = arith.constant 96 : i32
        %add3A_289 = arith.addi %mul3A_287, %add3A_288 : i32
        %get3A_290 = arith.index_cast %add3A_289 : i32 to index
        %get3A_291 = tpu.vector_load %arg6[%get3A_290] {strides = array<i32>} : memref<51200xi32, #tpu.memory_space<vmem>>, vector<16xi32>,
        %add3A_292 = vector.broadcast %mul3A_0 : i32 to vector<16xi32>
        %add3A_293 = arith.addi %get3A_291, %add3A_292 : vector<16xi32>
        %swap3A_294 = arith.constant 1 : i32
        %swap3A_295 = arith.index_cast %swap3A_294 : i32 to index
        %swap3A_296 = arith.constant 96 : index
        %swap3A_297 = tpu.vector_load %arg8[%swap3A_295, %swap3A_296] {strides = array<i32>} : memref<2x128xi32, #tpu.memory_space<vmem>>, vector<16xi32>,
        tpu.vector_store %arg8[%swap3A_295, %swap3A_296], %add3A_293 {strides = array<i32>} : memref<2x128xi32, #tpu.memory_space<vmem>>, vector<16xi32>,
        %add3A_298 = arith.constant 1 : i32
        %add3A_299 = arith.addi %add3A, %add3A_298 : i32
        %mul3A_300 = arith.constant 128 : i32
        %mul3A_301 = arith.muli %add3A_299, %mul3A_300 : i32
        %add3A_302 = arith.constant 112 : i32
        %add3A_303 = arith.addi %mul3A_301, %add3A_302 : i32
        %get3A_304 = arith.index_cast %add3A_303 : i32 to index
        %get3A_305 = tpu.vector_load %arg6[%get3A_304] {strides = array<i32>} : memref<51200xi32, #tpu.memory_space<vmem>>, vector<16xi32>,
        %add3A_306 = vector.broadcast %mul3A_0 : i32 to vector<16xi32>
        %add3A_307 = arith.addi %get3A_305, %add3A_306 : vector<16xi32>
        %swap3A_308 = arith.constant 1 : i32
        %swap3A_309 = arith.index_cast %swap3A_308 : i32 to index
        %swap3A_310 = arith.constant 112 : index
        %swap3A_311 = tpu.vector_load %arg8[%swap3A_309, %swap3A_310] {strides = array<i32>} : memref<2x128xi32, #tpu.memory_space<vmem>>, vector<16xi32>,
        tpu.vector_store %arg8[%swap3A_309, %swap3A_310], %add3A_307 {strides = array<i32>} : memref<2x128xi32, #tpu.memory_space<vmem>>, vector<16xi32>,
        %dma_start3A_312 = arith.constant 1 : i32
        %dma_start3A_313 = arith.constant 1 : i32
        %dma_start3A_314 = arith.constant 0 : i32
        %dma_start3A_315 = arith.constant 0 : i32
        %dma_start3A_316 = tpu.memref_slice %arg10[%dma_start3A_313, %dma_start3A_314, %dma_start3A_315] : memref<2x128x128xf32, #tpu.memory_space<vmem>> -> memref<1x128x128xf32, #tpu.memory_space<vmem>>
        %dma_start3A_317 = tpu.memref_squeeze %dma_start3A_316 : memref<1x128x128xf32, #tpu.memory_space<vmem>> -> memref<128x128xf32, #tpu.memory_space<vmem>>
        %dma_start3A_318 = arith.constant 0 : i32
        %dma_start3A_319 = tpu.memref_slice %arg8[%dma_start3A_312, %dma_start3A_318] : memref<2x128xi32, #tpu.memory_space<vmem>> -> memref<1x128xi32, #tpu.memory_space<vmem>>
        %dma_start3A_320 = tpu.memref_squeeze %dma_start3A_319 : memref<1x128xi32, #tpu.memory_space<vmem>> -> memref<128xi32, #tpu.memory_space<vmem>>
        %dma_start3A_321 = arith.constant 0 : i32
        %dma_start3A_322 = arith.constant 0 : i32
        %dma_start3A_323 = tpu.memref_slice %arg4[%dma_start3A_321, %dma_start3A_322] : memref<100352x128xf32, #tpu.memory_space<hbm>> -> memref<100352x128xf32, #tpu.memory_space<hbm>>
        tpu.enqueue_indirect_dma source(%dma_start3A_323 : memref<100352x128xf32, #tpu.memory_space<hbm>>) target(%dma_start3A_317 : memref<128x128xf32, #tpu.memory_space<vmem>>) offsets(%dma_start3A_320 : memref<128xi32, #tpu.memory_space<vmem>>) semaphore(%arg15 : memref<!tpu.dma_semaphore, #tpu.memory_space<semaphore_mem>>)
        %dma_wait3A = arith.constant 0 : i32
        %dma_wait3A_324 = tpu.memref_slice %arg3[%add3A_74, %dma_wait3A] : memref<6400x128xi32, #tpu.memory_space<hbm>> -> memref<2x128xi32, #tpu.memory_space<hbm>>
        %dma_wait3A_325 = arith.constant 0 : i32
        %dma_wait3A_326 = tpu.memref_slice %arg3[%add3A_74, %dma_wait3A_325] : memref<6400x128xi32, #tpu.memory_space<hbm>> -> memref<2x128xi32, #tpu.memory_space<hbm>>
        tpu.wait_dma2 semaphore(%arg16 : memref<!tpu.dma_semaphore, #tpu.memory_space<semaphore_mem>>) src(%dma_wait3A_326 : memref<2x128xi32, #tpu.memory_space<hbm>>) dst(%arg7 : memref<2x128xi32, #tpu.memory_space<vmem>>)
        %get3A_327 = arith.constant 0 : i32
        %get3A_328 = arith.index_cast %get3A_327 : i32 to index
        %get3A_329 = arith.constant 0 : index
        %get3A_330 = tpu.vector_load %arg7[%get3A_328, %get3A_329] {strides = array<i32>} : memref<2x128xi32, #tpu.memory_space<vmem>>, vector<16xi32>,
        %sub3A_331 = vector.broadcast %mul3A_41 : i32 to vector<16xi32>
        %sub3A_332 = arith.subi %get3A_330, %sub3A_331 : vector<16xi32>
        %ge3A = arith.constant 0 : i32
        %ge3A_333 = vector.broadcast %ge3A : i32 to vector<16xi32>
        %ge3A_334 = arith.cmpi sge, %sub3A_332, %ge3A_333 : vector<16xi32>
        %lt3A = arith.constant 25088 : i32
        %lt3A_335 = vector.broadcast %lt3A : i32 to vector<16xi32>
        %lt3A_336 = arith.cmpi slt, %sub3A_332, %lt3A_335 : vector<16xi32>
        %and3A_337 = arith.andi %ge3A_334, %lt3A_336 : vector<16xi1>
        %and3A_338 = arith.constant 63 : i32
        %and3A_339 = vector.broadcast %and3A_338 : i32 to vector<16xi32>
        %and3A_340 = arith.andi %get3A_330, %and3A_339 : vector<16xi32>
        %add3A_341 = arith.constant 25088 : i32
        %add3A_342 = vector.broadcast %add3A_341 : i32 to vector<16xi32>
        %add3A_343 = arith.addi %add3A_342, %and3A_340 : vector<16xi32>
        %select_n3A_344 = arith.select %and3A_337, %sub3A_332, %add3A_343 : vector<16xi1>, vector<16xi32>
        %swap3A_345 = arith.constant 0 : i32
        %swap3A_346 = arith.index_cast %swap3A_345 : i32 to index
        %swap3A_347 = arith.constant 0 : index
        %swap3A_348 = tpu.vector_load %arg9[%swap3A_346, %swap3A_347] {strides = array<i32>} : memref<2x128xi32, #tpu.memory_space<vmem>>, vector<16xi32>,
        tpu.vector_store %arg9[%swap3A_346, %swap3A_347], %select_n3A_344 {strides = array<i32>} : memref<2x128xi32, #tpu.memory_space<vmem>>, vector<16xi32>,
        %get3A_349 = arith.constant 0 : i32
        %get3A_350 = arith.index_cast %get3A_349 : i32 to index
        %get3A_351 = arith.constant 16 : index
        %get3A_352 = tpu.vector_load %arg7[%get3A_350, %get3A_351] {strides = array<i32>} : memref<2x128xi32, #tpu.memory_space<vmem>>, vector<16xi32>,
        %sub3A_353 = vector.broadcast %mul3A_41 : i32 to vector<16xi32>
        %sub3A_354 = arith.subi %get3A_352, %sub3A_353 : vector<16xi32>
        %ge3A_355 = arith.constant 0 : i32
        %ge3A_356 = vector.broadcast %ge3A_355 : i32 to vector<16xi32>
        %ge3A_357 = arith.cmpi sge, %sub3A_354, %ge3A_356 : vector<16xi32>
        %lt3A_358 = arith.constant 25088 : i32
        %lt3A_359 = vector.broadcast %lt3A_358 : i32 to vector<16xi32>
        %lt3A_360 = arith.cmpi slt, %sub3A_354, %lt3A_359 : vector<16xi32>
        %and3A_361 = arith.andi %ge3A_357, %lt3A_360 : vector<16xi1>
        %and3A_362 = arith.constant 63 : i32
        %and3A_363 = vector.broadcast %and3A_362 : i32 to vector<16xi32>
        %and3A_364 = arith.andi %get3A_352, %and3A_363 : vector<16xi32>
        %add3A_365 = arith.constant 25088 : i32
        %add3A_366 = vector.broadcast %add3A_365 : i32 to vector<16xi32>
        %add3A_367 = arith.addi %add3A_366, %and3A_364 : vector<16xi32>
        %select_n3A_368 = arith.select %and3A_361, %sub3A_354, %add3A_367 : vector<16xi1>, vector<16xi32>
        %swap3A_369 = arith.constant 0 : i32
        %swap3A_370 = arith.index_cast %swap3A_369 : i32 to index
        %swap3A_371 = arith.constant 16 : index
        %swap3A_372 = tpu.vector_load %arg9[%swap3A_370, %swap3A_371] {strides = array<i32>} : memref<2x128xi32, #tpu.memory_space<vmem>>, vector<16xi32>,
        tpu.vector_store %arg9[%swap3A_370, %swap3A_371], %select_n3A_368 {strides = array<i32>} : memref<2x128xi32, #tpu.memory_space<vmem>>, vector<16xi32>,
        %get3A_373 = arith.constant 0 : i32
        %get3A_374 = arith.index_cast %get3A_373 : i32 to index
        %get3A_375 = arith.constant 32 : index
        %get3A_376 = tpu.vector_load %arg7[%get3A_374, %get3A_375] {strides = array<i32>} : memref<2x128xi32, #tpu.memory_space<vmem>>, vector<16xi32>,
        %sub3A_377 = vector.broadcast %mul3A_41 : i32 to vector<16xi32>
        %sub3A_378 = arith.subi %get3A_376, %sub3A_377 : vector<16xi32>
        %ge3A_379 = arith.constant 0 : i32
        %ge3A_380 = vector.broadcast %ge3A_379 : i32 to vector<16xi32>
        %ge3A_381 = arith.cmpi sge, %sub3A_378, %ge3A_380 : vector<16xi32>
        %lt3A_382 = arith.constant 25088 : i32
        %lt3A_383 = vector.broadcast %lt3A_382 : i32 to vector<16xi32>
        %lt3A_384 = arith.cmpi slt, %sub3A_378, %lt3A_383 : vector<16xi32>
        %and3A_385 = arith.andi %ge3A_381, %lt3A_384 : vector<16xi1>
        %and3A_386 = arith.constant 63 : i32
        %and3A_387 = vector.broadcast %and3A_386 : i32 to vector<16xi32>
        %and3A_388 = arith.andi %get3A_376, %and3A_387 : vector<16xi32>
        %add3A_389 = arith.constant 25088 : i32
        %add3A_390 = vector.broadcast %add3A_389 : i32 to vector<16xi32>
        %add3A_391 = arith.addi %add3A_390, %and3A_388 : vector<16xi32>
        %select_n3A_392 = arith.select %and3A_385, %sub3A_378, %add3A_391 : vector<16xi1>, vector<16xi32>
        %swap3A_393 = arith.constant 0 : i32
        %swap3A_394 = arith.index_cast %swap3A_393 : i32 to index
        %swap3A_395 = arith.constant 32 : index
        %swap3A_396 = tpu.vector_load %arg9[%swap3A_394, %swap3A_395] {strides = array<i32>} : memref<2x128xi32, #tpu.memory_space<vmem>>, vector<16xi32>,
        tpu.vector_store %arg9[%swap3A_394, %swap3A_395], %select_n3A_392 {strides = array<i32>} : memref<2x128xi32, #tpu.memory_space<vmem>>, vector<16xi32>,
        %get3A_397 = arith.constant 0 : i32
        %get3A_398 = arith.index_cast %get3A_397 : i32 to index
        %get3A_399 = arith.constant 48 : index
        %get3A_400 = tpu.vector_load %arg7[%get3A_398, %get3A_399] {strides = array<i32>} : memref<2x128xi32, #tpu.memory_space<vmem>>, vector<16xi32>,
        %sub3A_401 = vector.broadcast %mul3A_41 : i32 to vector<16xi32>
        %sub3A_402 = arith.subi %get3A_400, %sub3A_401 : vector<16xi32>
        %ge3A_403 = arith.constant 0 : i32
        %ge3A_404 = vector.broadcast %ge3A_403 : i32 to vector<16xi32>
        %ge3A_405 = arith.cmpi sge, %sub3A_402, %ge3A_404 : vector<16xi32>
        %lt3A_406 = arith.constant 25088 : i32
        %lt3A_407 = vector.broadcast %lt3A_406 : i32 to vector<16xi32>
        %lt3A_408 = arith.cmpi slt, %sub3A_402, %lt3A_407 : vector<16xi32>
        %and3A_409 = arith.andi %ge3A_405, %lt3A_408 : vector<16xi1>
        %and3A_410 = arith.constant 63 : i32
        %and3A_411 = vector.broadcast %and3A_410 : i32 to vector<16xi32>
        %and3A_412 = arith.andi %get3A_400, %and3A_411 : vector<16xi32>
        %add3A_413 = arith.constant 25088 : i32
        %add3A_414 = vector.broadcast %add3A_413 : i32 to vector<16xi32>
        %add3A_415 = arith.addi %add3A_414, %and3A_412 : vector<16xi32>
        %select_n3A_416 = arith.select %and3A_409, %sub3A_402, %add3A_415 : vector<16xi1>, vector<16xi32>
        %swap3A_417 = arith.constant 0 : i32
        %swap3A_418 = arith.index_cast %swap3A_417 : i32 to index
        %swap3A_419 = arith.constant 48 : index
        %swap3A_420 = tpu.vector_load %arg9[%swap3A_418, %swap3A_419] {strides = array<i32>} : memref<2x128xi32, #tpu.memory_space<vmem>>, vector<16xi32>,
        tpu.vector_store %arg9[%swap3A_418, %swap3A_419], %select_n3A_416 {strides = array<i32>} : memref<2x128xi32, #tpu.memory_space<vmem>>, vector<16xi32>,
        %get3A_421 = arith.constant 0 : i32
        %get3A_422 = arith.index_cast %get3A_421 : i32 to index
        %get3A_423 = arith.constant 64 : index
        %get3A_424 = tpu.vector_load %arg7[%get3A_422, %get3A_423] {strides = array<i32>} : memref<2x128xi32, #tpu.memory_space<vmem>>, vector<16xi32>,
        %sub3A_425 = vector.broadcast %mul3A_41 : i32 to vector<16xi32>
        %sub3A_426 = arith.subi %get3A_424, %sub3A_425 : vector<16xi32>
        %ge3A_427 = arith.constant 0 : i32
        %ge3A_428 = vector.broadcast %ge3A_427 : i32 to vector<16xi32>
        %ge3A_429 = arith.cmpi sge, %sub3A_426, %ge3A_428 : vector<16xi32>
        %lt3A_430 = arith.constant 25088 : i32
        %lt3A_431 = vector.broadcast %lt3A_430 : i32 to vector<16xi32>
        %lt3A_432 = arith.cmpi slt, %sub3A_426, %lt3A_431 : vector<16xi32>
        %and3A_433 = arith.andi %ge3A_429, %lt3A_432 : vector<16xi1>
        %and3A_434 = arith.constant 63 : i32
        %and3A_435 = vector.broadcast %and3A_434 : i32 to vector<16xi32>
        %and3A_436 = arith.andi %get3A_424, %and3A_435 : vector<16xi32>
        %add3A_437 = arith.constant 25088 : i32
        %add3A_438 = vector.broadcast %add3A_437 : i32 to vector<16xi32>
        %add3A_439 = arith.addi %add3A_438, %and3A_436 : vector<16xi32>
        %select_n3A_440 = arith.select %and3A_433, %sub3A_426, %add3A_439 : vector<16xi1>, vector<16xi32>
        %swap3A_441 = arith.constant 0 : i32
        %swap3A_442 = arith.index_cast %swap3A_441 : i32 to index
        %swap3A_443 = arith.constant 64 : index
        %swap3A_444 = tpu.vector_load %arg9[%swap3A_442, %swap3A_443] {strides = array<i32>} : memref<2x128xi32, #tpu.memory_space<vmem>>, vector<16xi32>,
        tpu.vector_store %arg9[%swap3A_442, %swap3A_443], %select_n3A_440 {strides = array<i32>} : memref<2x128xi32, #tpu.memory_space<vmem>>, vector<16xi32>,
        %get3A_445 = arith.constant 0 : i32
        %get3A_446 = arith.index_cast %get3A_445 : i32 to index
        %get3A_447 = arith.constant 80 : index
        %get3A_448 = tpu.vector_load %arg7[%get3A_446, %get3A_447] {strides = array<i32>} : memref<2x128xi32, #tpu.memory_space<vmem>>, vector<16xi32>,
        %sub3A_449 = vector.broadcast %mul3A_41 : i32 to vector<16xi32>
        %sub3A_450 = arith.subi %get3A_448, %sub3A_449 : vector<16xi32>
        %ge3A_451 = arith.constant 0 : i32
        %ge3A_452 = vector.broadcast %ge3A_451 : i32 to vector<16xi32>
        %ge3A_453 = arith.cmpi sge, %sub3A_450, %ge3A_452 : vector<16xi32>
        %lt3A_454 = arith.constant 25088 : i32
        %lt3A_455 = vector.broadcast %lt3A_454 : i32 to vector<16xi32>
        %lt3A_456 = arith.cmpi slt, %sub3A_450, %lt3A_455 : vector<16xi32>
        %and3A_457 = arith.andi %ge3A_453, %lt3A_456 : vector<16xi1>
        %and3A_458 = arith.constant 63 : i32
        %and3A_459 = vector.broadcast %and3A_458 : i32 to vector<16xi32>
        %and3A_460 = arith.andi %get3A_448, %and3A_459 : vector<16xi32>
        %add3A_461 = arith.constant 25088 : i32
        %add3A_462 = vector.broadcast %add3A_461 : i32 to vector<16xi32>
        %add3A_463 = arith.addi %add3A_462, %and3A_460 : vector<16xi32>
        %select_n3A_464 = arith.select %and3A_457, %sub3A_450, %add3A_463 : vector<16xi1>, vector<16xi32>
        %swap3A_465 = arith.constant 0 : i32
        %swap3A_466 = arith.index_cast %swap3A_465 : i32 to index
        %swap3A_467 = arith.constant 80 : index
        %swap3A_468 = tpu.vector_load %arg9[%swap3A_466, %swap3A_467] {strides = array<i32>} : memref<2x128xi32, #tpu.memory_space<vmem>>, vector<16xi32>,
        tpu.vector_store %arg9[%swap3A_466, %swap3A_467], %select_n3A_464 {strides = array<i32>} : memref<2x128xi32, #tpu.memory_space<vmem>>, vector<16xi32>,
        %get3A_469 = arith.constant 0 : i32
        %get3A_470 = arith.index_cast %get3A_469 : i32 to index
        %get3A_471 = arith.constant 96 : index
        %get3A_472 = tpu.vector_load %arg7[%get3A_470, %get3A_471] {strides = array<i32>} : memref<2x128xi32, #tpu.memory_space<vmem>>, vector<16xi32>,
        %sub3A_473 = vector.broadcast %mul3A_41 : i32 to vector<16xi32>
        %sub3A_474 = arith.subi %get3A_472, %sub3A_473 : vector<16xi32>
        %ge3A_475 = arith.constant 0 : i32
        %ge3A_476 = vector.broadcast %ge3A_475 : i32 to vector<16xi32>
        %ge3A_477 = arith.cmpi sge, %sub3A_474, %ge3A_476 : vector<16xi32>
        %lt3A_478 = arith.constant 25088 : i32
        %lt3A_479 = vector.broadcast %lt3A_478 : i32 to vector<16xi32>
        %lt3A_480 = arith.cmpi slt, %sub3A_474, %lt3A_479 : vector<16xi32>
        %and3A_481 = arith.andi %ge3A_477, %lt3A_480 : vector<16xi1>
        %and3A_482 = arith.constant 63 : i32
        %and3A_483 = vector.broadcast %and3A_482 : i32 to vector<16xi32>
        %and3A_484 = arith.andi %get3A_472, %and3A_483 : vector<16xi32>
        %add3A_485 = arith.constant 25088 : i32
        %add3A_486 = vector.broadcast %add3A_485 : i32 to vector<16xi32>
        %add3A_487 = arith.addi %add3A_486, %and3A_484 : vector<16xi32>
        %select_n3A_488 = arith.select %and3A_481, %sub3A_474, %add3A_487 : vector<16xi1>, vector<16xi32>
        %swap3A_489 = arith.constant 0 : i32
        %swap3A_490 = arith.index_cast %swap3A_489 : i32 to index
        %swap3A_491 = arith.constant 96 : index
        %swap3A_492 = tpu.vector_load %arg9[%swap3A_490, %swap3A_491] {strides = array<i32>} : memref<2x128xi32, #tpu.memory_space<vmem>>, vector<16xi32>,
        tpu.vector_store %arg9[%swap3A_490, %swap3A_491], %select_n3A_488 {strides = array<i32>} : memref<2x128xi32, #tpu.memory_space<vmem>>, vector<16xi32>,
        %get3A_493 = arith.constant 0 : i32
        %get3A_494 = arith.index_cast %get3A_493 : i32 to index
        %get3A_495 = arith.constant 112 : index
        %get3A_496 = tpu.vector_load %arg7[%get3A_494, %get3A_495] {strides = array<i32>} : memref<2x128xi32, #tpu.memory_space<vmem>>, vector<16xi32>,
        %sub3A_497 = vector.broadcast %mul3A_41 : i32 to vector<16xi32>
        %sub3A_498 = arith.subi %get3A_496, %sub3A_497 : vector<16xi32>
        %ge3A_499 = arith.constant 0 : i32
        %ge3A_500 = vector.broadcast %ge3A_499 : i32 to vector<16xi32>
        %ge3A_501 = arith.cmpi sge, %sub3A_498, %ge3A_500 : vector<16xi32>
        %lt3A_502 = arith.constant 25088 : i32
        %lt3A_503 = vector.broadcast %lt3A_502 : i32 to vector<16xi32>
        %lt3A_504 = arith.cmpi slt, %sub3A_498, %lt3A_503 : vector<16xi32>
        %and3A_505 = arith.andi %ge3A_501, %lt3A_504 : vector<16xi1>
        %and3A_506 = arith.constant 63 : i32
        %and3A_507 = vector.broadcast %and3A_506 : i32 to vector<16xi32>
        %and3A_508 = arith.andi %get3A_496, %and3A_507 : vector<16xi32>
        %add3A_509 = arith.constant 25088 : i32
        %add3A_510 = vector.broadcast %add3A_509 : i32 to vector<16xi32>
        %add3A_511 = arith.addi %add3A_510, %and3A_508 : vector<16xi32>
        %select_n3A_512 = arith.select %and3A_505, %sub3A_498, %add3A_511 : vector<16xi1>, vector<16xi32>
        %swap3A_513 = arith.constant 0 : i32
        %swap3A_514 = arith.index_cast %swap3A_513 : i32 to index
        %swap3A_515 = arith.constant 112 : index
        %swap3A_516 = tpu.vector_load %arg9[%swap3A_514, %swap3A_515] {strides = array<i32>} : memref<2x128xi32, #tpu.memory_space<vmem>>, vector<16xi32>,
        tpu.vector_store %arg9[%swap3A_514, %swap3A_515], %select_n3A_512 {strides = array<i32>} : memref<2x128xi32, #tpu.memory_space<vmem>>, vector<16xi32>,
        %get3A_517 = arith.constant 1 : i32
        %get3A_518 = arith.index_cast %get3A_517 : i32 to index
        %get3A_519 = arith.constant 0 : index
        %get3A_520 = tpu.vector_load %arg7[%get3A_518, %get3A_519] {strides = array<i32>} : memref<2x128xi32, #tpu.memory_space<vmem>>, vector<16xi32>,
        %sub3A_521 = vector.broadcast %mul3A_41 : i32 to vector<16xi32>
        %sub3A_522 = arith.subi %get3A_520, %sub3A_521 : vector<16xi32>
        %ge3A_523 = arith.constant 0 : i32
        %ge3A_524 = vector.broadcast %ge3A_523 : i32 to vector<16xi32>
        %ge3A_525 = arith.cmpi sge, %sub3A_522, %ge3A_524 : vector<16xi32>
        %lt3A_526 = arith.constant 25088 : i32
        %lt3A_527 = vector.broadcast %lt3A_526 : i32 to vector<16xi32>
        %lt3A_528 = arith.cmpi slt, %sub3A_522, %lt3A_527 : vector<16xi32>
        %and3A_529 = arith.andi %ge3A_525, %lt3A_528 : vector<16xi1>
        %and3A_530 = arith.constant 63 : i32
        %and3A_531 = vector.broadcast %and3A_530 : i32 to vector<16xi32>
        %and3A_532 = arith.andi %get3A_520, %and3A_531 : vector<16xi32>
        %add3A_533 = arith.constant 25088 : i32
        %add3A_534 = vector.broadcast %add3A_533 : i32 to vector<16xi32>
        %add3A_535 = arith.addi %add3A_534, %and3A_532 : vector<16xi32>
        %select_n3A_536 = arith.select %and3A_529, %sub3A_522, %add3A_535 : vector<16xi1>, vector<16xi32>
        %swap3A_537 = arith.constant 1 : i32
        %swap3A_538 = arith.index_cast %swap3A_537 : i32 to index
        %swap3A_539 = arith.constant 0 : index
        %swap3A_540 = tpu.vector_load %arg9[%swap3A_538, %swap3A_539] {strides = array<i32>} : memref<2x128xi32, #tpu.memory_space<vmem>>, vector<16xi32>,
        tpu.vector_store %arg9[%swap3A_538, %swap3A_539], %select_n3A_536 {strides = array<i32>} : memref<2x128xi32, #tpu.memory_space<vmem>>, vector<16xi32>,
        %get3A_541 = arith.constant 1 : i32
        %get3A_542 = arith.index_cast %get3A_541 : i32 to index
        %get3A_543 = arith.constant 16 : index
        %get3A_544 = tpu.vector_load %arg7[%get3A_542, %get3A_543] {strides = array<i32>} : memref<2x128xi32, #tpu.memory_space<vmem>>, vector<16xi32>,
        %sub3A_545 = vector.broadcast %mul3A_41 : i32 to vector<16xi32>
        %sub3A_546 = arith.subi %get3A_544, %sub3A_545 : vector<16xi32>
        %ge3A_547 = arith.constant 0 : i32
        %ge3A_548 = vector.broadcast %ge3A_547 : i32 to vector<16xi32>
        %ge3A_549 = arith.cmpi sge, %sub3A_546, %ge3A_548 : vector<16xi32>
        %lt3A_550 = arith.constant 25088 : i32
        %lt3A_551 = vector.broadcast %lt3A_550 : i32 to vector<16xi32>
        %lt3A_552 = arith.cmpi slt, %sub3A_546, %lt3A_551 : vector<16xi32>
        %and3A_553 = arith.andi %ge3A_549, %lt3A_552 : vector<16xi1>
        %and3A_554 = arith.constant 63 : i32
        %and3A_555 = vector.broadcast %and3A_554 : i32 to vector<16xi32>
        %and3A_556 = arith.andi %get3A_544, %and3A_555 : vector<16xi32>
        %add3A_557 = arith.constant 25088 : i32
        %add3A_558 = vector.broadcast %add3A_557 : i32 to vector<16xi32>
        %add3A_559 = arith.addi %add3A_558, %and3A_556 : vector<16xi32>
        %select_n3A_560 = arith.select %and3A_553, %sub3A_546, %add3A_559 : vector<16xi1>, vector<16xi32>
        %swap3A_561 = arith.constant 1 : i32
        %swap3A_562 = arith.index_cast %swap3A_561 : i32 to index
        %swap3A_563 = arith.constant 16 : index
        %swap3A_564 = tpu.vector_load %arg9[%swap3A_562, %swap3A_563] {strides = array<i32>} : memref<2x128xi32, #tpu.memory_space<vmem>>, vector<16xi32>,
        tpu.vector_store %arg9[%swap3A_562, %swap3A_563], %select_n3A_560 {strides = array<i32>} : memref<2x128xi32, #tpu.memory_space<vmem>>, vector<16xi32>,
        %get3A_565 = arith.constant 1 : i32
        %get3A_566 = arith.index_cast %get3A_565 : i32 to index
        %get3A_567 = arith.constant 32 : index
        %get3A_568 = tpu.vector_load %arg7[%get3A_566, %get3A_567] {strides = array<i32>} : memref<2x128xi32, #tpu.memory_space<vmem>>, vector<16xi32>,
        %sub3A_569 = vector.broadcast %mul3A_41 : i32 to vector<16xi32>
        %sub3A_570 = arith.subi %get3A_568, %sub3A_569 : vector<16xi32>
        %ge3A_571 = arith.constant 0 : i32
        %ge3A_572 = vector.broadcast %ge3A_571 : i32 to vector<16xi32>
        %ge3A_573 = arith.cmpi sge, %sub3A_570, %ge3A_572 : vector<16xi32>
        %lt3A_574 = arith.constant 25088 : i32
        %lt3A_575 = vector.broadcast %lt3A_574 : i32 to vector<16xi32>
        %lt3A_576 = arith.cmpi slt, %sub3A_570, %lt3A_575 : vector<16xi32>
        %and3A_577 = arith.andi %ge3A_573, %lt3A_576 : vector<16xi1>
        %and3A_578 = arith.constant 63 : i32
        %and3A_579 = vector.broadcast %and3A_578 : i32 to vector<16xi32>
        %and3A_580 = arith.andi %get3A_568, %and3A_579 : vector<16xi32>
        %add3A_581 = arith.constant 25088 : i32
        %add3A_582 = vector.broadcast %add3A_581 : i32 to vector<16xi32>
        %add3A_583 = arith.addi %add3A_582, %and3A_580 : vector<16xi32>
        %select_n3A_584 = arith.select %and3A_577, %sub3A_570, %add3A_583 : vector<16xi1>, vector<16xi32>
        %swap3A_585 = arith.constant 1 : i32
        %swap3A_586 = arith.index_cast %swap3A_585 : i32 to index
        %swap3A_587 = arith.constant 32 : index
        %swap3A_588 = tpu.vector_load %arg9[%swap3A_586, %swap3A_587] {strides = array<i32>} : memref<2x128xi32, #tpu.memory_space<vmem>>, vector<16xi32>,
        tpu.vector_store %arg9[%swap3A_586, %swap3A_587], %select_n3A_584 {strides = array<i32>} : memref<2x128xi32, #tpu.memory_space<vmem>>, vector<16xi32>,
        %get3A_589 = arith.constant 1 : i32
        %get3A_590 = arith.index_cast %get3A_589 : i32 to index
        %get3A_591 = arith.constant 48 : index
        %get3A_592 = tpu.vector_load %arg7[%get3A_590, %get3A_591] {strides = array<i32>} : memref<2x128xi32, #tpu.memory_space<vmem>>, vector<16xi32>,
        %sub3A_593 = vector.broadcast %mul3A_41 : i32 to vector<16xi32>
        %sub3A_594 = arith.subi %get3A_592, %sub3A_593 : vector<16xi32>
        %ge3A_595 = arith.constant 0 : i32
        %ge3A_596 = vector.broadcast %ge3A_595 : i32 to vector<16xi32>
        %ge3A_597 = arith.cmpi sge, %sub3A_594, %ge3A_596 : vector<16xi32>
        %lt3A_598 = arith.constant 25088 : i32
        %lt3A_599 = vector.broadcast %lt3A_598 : i32 to vector<16xi32>
        %lt3A_600 = arith.cmpi slt, %sub3A_594, %lt3A_599 : vector<16xi32>
        %and3A_601 = arith.andi %ge3A_597, %lt3A_600 : vector<16xi1>
        %and3A_602 = arith.constant 63 : i32
        %and3A_603 = vector.broadcast %and3A_602 : i32 to vector<16xi32>
        %and3A_604 = arith.andi %get3A_592, %and3A_603 : vector<16xi32>
        %add3A_605 = arith.constant 25088 : i32
        %add3A_606 = vector.broadcast %add3A_605 : i32 to vector<16xi32>
        %add3A_607 = arith.addi %add3A_606, %and3A_604 : vector<16xi32>
        %select_n3A_608 = arith.select %and3A_601, %sub3A_594, %add3A_607 : vector<16xi1>, vector<16xi32>
        %swap3A_609 = arith.constant 1 : i32
        %swap3A_610 = arith.index_cast %swap3A_609 : i32 to index
        %swap3A_611 = arith.constant 48 : index
        %swap3A_612 = tpu.vector_load %arg9[%swap3A_610, %swap3A_611] {strides = array<i32>} : memref<2x128xi32, #tpu.memory_space<vmem>>, vector<16xi32>,
        tpu.vector_store %arg9[%swap3A_610, %swap3A_611], %select_n3A_608 {strides = array<i32>} : memref<2x128xi32, #tpu.memory_space<vmem>>, vector<16xi32>,
        %get3A_613 = arith.constant 1 : i32
        %get3A_614 = arith.index_cast %get3A_613 : i32 to index
        %get3A_615 = arith.constant 64 : index
        %get3A_616 = tpu.vector_load %arg7[%get3A_614, %get3A_615] {strides = array<i32>} : memref<2x128xi32, #tpu.memory_space<vmem>>, vector<16xi32>,
        %sub3A_617 = vector.broadcast %mul3A_41 : i32 to vector<16xi32>
        %sub3A_618 = arith.subi %get3A_616, %sub3A_617 : vector<16xi32>
        %ge3A_619 = arith.constant 0 : i32
        %ge3A_620 = vector.broadcast %ge3A_619 : i32 to vector<16xi32>
        %ge3A_621 = arith.cmpi sge, %sub3A_618, %ge3A_620 : vector<16xi32>
        %lt3A_622 = arith.constant 25088 : i32
        %lt3A_623 = vector.broadcast %lt3A_622 : i32 to vector<16xi32>
        %lt3A_624 = arith.cmpi slt, %sub3A_618, %lt3A_623 : vector<16xi32>
        %and3A_625 = arith.andi %ge3A_621, %lt3A_624 : vector<16xi1>
        %and3A_626 = arith.constant 63 : i32
        %and3A_627 = vector.broadcast %and3A_626 : i32 to vector<16xi32>
        %and3A_628 = arith.andi %get3A_616, %and3A_627 : vector<16xi32>
        %add3A_629 = arith.constant 25088 : i32
        %add3A_630 = vector.broadcast %add3A_629 : i32 to vector<16xi32>
        %add3A_631 = arith.addi %add3A_630, %and3A_628 : vector<16xi32>
        %select_n3A_632 = arith.select %and3A_625, %sub3A_618, %add3A_631 : vector<16xi1>, vector<16xi32>
        %swap3A_633 = arith.constant 1 : i32
        %swap3A_634 = arith.index_cast %swap3A_633 : i32 to index
        %swap3A_635 = arith.constant 64 : index
        %swap3A_636 = tpu.vector_load %arg9[%swap3A_634, %swap3A_635] {strides = array<i32>} : memref<2x128xi32, #tpu.memory_space<vmem>>, vector<16xi32>,
        tpu.vector_store %arg9[%swap3A_634, %swap3A_635], %select_n3A_632 {strides = array<i32>} : memref<2x128xi32, #tpu.memory_space<vmem>>, vector<16xi32>,
        %get3A_637 = arith.constant 1 : i32
        %get3A_638 = arith.index_cast %get3A_637 : i32 to index
        %get3A_639 = arith.constant 80 : index
        %get3A_640 = tpu.vector_load %arg7[%get3A_638, %get3A_639] {strides = array<i32>} : memref<2x128xi32, #tpu.memory_space<vmem>>, vector<16xi32>,
        %sub3A_641 = vector.broadcast %mul3A_41 : i32 to vector<16xi32>
        %sub3A_642 = arith.subi %get3A_640, %sub3A_641 : vector<16xi32>
        %ge3A_643 = arith.constant 0 : i32
        %ge3A_644 = vector.broadcast %ge3A_643 : i32 to vector<16xi32>
        %ge3A_645 = arith.cmpi sge, %sub3A_642, %ge3A_644 : vector<16xi32>
        %lt3A_646 = arith.constant 25088 : i32
        %lt3A_647 = vector.broadcast %lt3A_646 : i32 to vector<16xi32>
        %lt3A_648 = arith.cmpi slt, %sub3A_642, %lt3A_647 : vector<16xi32>
        %and3A_649 = arith.andi %ge3A_645, %lt3A_648 : vector<16xi1>
        %and3A_650 = arith.constant 63 : i32
        %and3A_651 = vector.broadcast %and3A_650 : i32 to vector<16xi32>
        %and3A_652 = arith.andi %get3A_640, %and3A_651 : vector<16xi32>
        %add3A_653 = arith.constant 25088 : i32
        %add3A_654 = vector.broadcast %add3A_653 : i32 to vector<16xi32>
        %add3A_655 = arith.addi %add3A_654, %and3A_652 : vector<16xi32>
        %select_n3A_656 = arith.select %and3A_649, %sub3A_642, %add3A_655 : vector<16xi1>, vector<16xi32>
        %swap3A_657 = arith.constant 1 : i32
        %swap3A_658 = arith.index_cast %swap3A_657 : i32 to index
        %swap3A_659 = arith.constant 80 : index
        %swap3A_660 = tpu.vector_load %arg9[%swap3A_658, %swap3A_659] {strides = array<i32>} : memref<2x128xi32, #tpu.memory_space<vmem>>, vector<16xi32>,
        tpu.vector_store %arg9[%swap3A_658, %swap3A_659], %select_n3A_656 {strides = array<i32>} : memref<2x128xi32, #tpu.memory_space<vmem>>, vector<16xi32>,
        %get3A_661 = arith.constant 1 : i32
        %get3A_662 = arith.index_cast %get3A_661 : i32 to index
        %get3A_663 = arith.constant 96 : index
        %get3A_664 = tpu.vector_load %arg7[%get3A_662, %get3A_663] {strides = array<i32>} : memref<2x128xi32, #tpu.memory_space<vmem>>, vector<16xi32>,
        %sub3A_665 = vector.broadcast %mul3A_41 : i32 to vector<16xi32>
        %sub3A_666 = arith.subi %get3A_664, %sub3A_665 : vector<16xi32>
        %ge3A_667 = arith.constant 0 : i32
        %ge3A_668 = vector.broadcast %ge3A_667 : i32 to vector<16xi32>
        %ge3A_669 = arith.cmpi sge, %sub3A_666, %ge3A_668 : vector<16xi32>
        %lt3A_670 = arith.constant 25088 : i32
        %lt3A_671 = vector.broadcast %lt3A_670 : i32 to vector<16xi32>
        %lt3A_672 = arith.cmpi slt, %sub3A_666, %lt3A_671 : vector<16xi32>
        %and3A_673 = arith.andi %ge3A_669, %lt3A_672 : vector<16xi1>
        %and3A_674 = arith.constant 63 : i32
        %and3A_675 = vector.broadcast %and3A_674 : i32 to vector<16xi32>
        %and3A_676 = arith.andi %get3A_664, %and3A_675 : vector<16xi32>
        %add3A_677 = arith.constant 25088 : i32
        %add3A_678 = vector.broadcast %add3A_677 : i32 to vector<16xi32>
        %add3A_679 = arith.addi %add3A_678, %and3A_676 : vector<16xi32>
        %select_n3A_680 = arith.select %and3A_673, %sub3A_666, %add3A_679 : vector<16xi1>, vector<16xi32>
        %swap3A_681 = arith.constant 1 : i32
        %swap3A_682 = arith.index_cast %swap3A_681 : i32 to index
        %swap3A_683 = arith.constant 96 : index
        %swap3A_684 = tpu.vector_load %arg9[%swap3A_682, %swap3A_683] {strides = array<i32>} : memref<2x128xi32, #tpu.memory_space<vmem>>, vector<16xi32>,
        tpu.vector_store %arg9[%swap3A_682, %swap3A_683], %select_n3A_680 {strides = array<i32>} : memref<2x128xi32, #tpu.memory_space<vmem>>, vector<16xi32>,
        %get3A_685 = arith.constant 1 : i32
        %get3A_686 = arith.index_cast %get3A_685 : i32 to index
        %get3A_687 = arith.constant 112 : index
        %get3A_688 = tpu.vector_load %arg7[%get3A_686, %get3A_687] {strides = array<i32>} : memref<2x128xi32, #tpu.memory_space<vmem>>, vector<16xi32>,
        %sub3A_689 = vector.broadcast %mul3A_41 : i32 to vector<16xi32>
        %sub3A_690 = arith.subi %get3A_688, %sub3A_689 : vector<16xi32>
        %ge3A_691 = arith.constant 0 : i32
        %ge3A_692 = vector.broadcast %ge3A_691 : i32 to vector<16xi32>
        %ge3A_693 = arith.cmpi sge, %sub3A_690, %ge3A_692 : vector<16xi32>
        %lt3A_694 = arith.constant 25088 : i32
        %lt3A_695 = vector.broadcast %lt3A_694 : i32 to vector<16xi32>
        %lt3A_696 = arith.cmpi slt, %sub3A_690, %lt3A_695 : vector<16xi32>
        %and3A_697 = arith.andi %ge3A_693, %lt3A_696 : vector<16xi1>
        %and3A_698 = arith.constant 63 : i32
        %and3A_699 = vector.broadcast %and3A_698 : i32 to vector<16xi32>
        %and3A_700 = arith.andi %get3A_688, %and3A_699 : vector<16xi32>
        %add3A_701 = arith.constant 25088 : i32
        %add3A_702 = vector.broadcast %add3A_701 : i32 to vector<16xi32>
        %add3A_703 = arith.addi %add3A_702, %and3A_700 : vector<16xi32>
        %select_n3A_704 = arith.select %and3A_697, %sub3A_690, %add3A_703 : vector<16xi1>, vector<16xi32>
        %swap3A_705 = arith.constant 1 : i32
        %swap3A_706 = arith.index_cast %swap3A_705 : i32 to index
        %swap3A_707 = arith.constant 112 : index
        %swap3A_708 = tpu.vector_load %arg9[%swap3A_706, %swap3A_707] {strides = array<i32>} : memref<2x128xi32, #tpu.memory_space<vmem>>, vector<16xi32>,
        tpu.vector_store %arg9[%swap3A_706, %swap3A_707], %select_n3A_704 {strides = array<i32>} : memref<2x128xi32, #tpu.memory_space<vmem>>, vector<16xi32>,
        %dma_wait3A_709 = arith.constant 0 : i32
        %dma_wait3A_710 = arith.constant 0 : i32
        %dma_wait3A_711 = arith.constant 0 : i32
        %dma_wait3A_712 = arith.constant 0 : i32
        %dma_wait3A_713 = tpu.memref_slice %arg10[%dma_wait3A_710, %dma_wait3A_711, %dma_wait3A_712] : memref<2x128x128xf32, #tpu.memory_space<vmem>> -> memref<1x128x128xf32, #tpu.memory_space<vmem>>
        %dma_wait3A_714 = tpu.memref_squeeze %dma_wait3A_713 : memref<1x128x128xf32, #tpu.memory_space<vmem>> -> memref<128x128xf32, #tpu.memory_space<vmem>>
        %dma_wait3A_715 = arith.constant 0 : i32
        %dma_wait3A_716 = tpu.memref_slice %arg8[%dma_wait3A_709, %dma_wait3A_715] : memref<2x128xi32, #tpu.memory_space<vmem>> -> memref<1x128xi32, #tpu.memory_space<vmem>>
        %dma_wait3A_717 = tpu.memref_squeeze %dma_wait3A_716 : memref<1x128xi32, #tpu.memory_space<vmem>> -> memref<128xi32, #tpu.memory_space<vmem>>
        %dma_wait3A_718 = arith.constant 0 : i32
        %dma_wait3A_719 = arith.constant 0 : i32
        %dma_wait3A_720 = tpu.memref_slice %arg4[%dma_wait3A_718, %dma_wait3A_719] : memref<100352x128xf32, #tpu.memory_space<hbm>> -> memref<100352x128xf32, #tpu.memory_space<hbm>>
        tpu.wait_indirect_dma semaphore(%arg15 : memref<!tpu.dma_semaphore, #tpu.memory_space<semaphore_mem>>) src(%dma_wait3A_720 : memref<100352x128xf32, #tpu.memory_space<hbm>>) dst(%dma_wait3A_714 : memref<128x128xf32, #tpu.memory_space<vmem>>)
        %scan3A_721 = arith.constant 0 : i32
        %scan3A_722 = arith.constant 0 : i32
        %scan3A_723 = arith.constant 128 : i32
        %scan3A_724 = arith.addi %scan3A_722, %scan3A_723 : i32
        %scan3A_725 = arith.constant 1 : i32
        scf.for %scan3A_751 = %scan3A_722 to %scan3A_724 step %scan3A_725  : i32 {
          %get3A_752 = arith.constant 0 : i32
          %get3A_753 = arith.index_cast %get3A_752 : i32 to index
          %get3A_754 = arith.index_cast %scan3A_751 : i32 to index
          %get3A_755 = arith.constant 0 : index
          %get3A_756 = tpu.vector_load %arg10[%get3A_753, %get3A_754, %get3A_755] {strides = array<i32>} : memref<2x128x128xf32, #tpu.memory_space<vmem>>, vector<16xf32>,
          %get3A_757 = arith.constant 0 : i32
          %get3A_758 = arith.index_cast %get3A_757 : i32 to index
          %get3A_759 = arith.index_cast %scan3A_751 : i32 to index
          %get3A_760 = arith.constant 16 : index
          %get3A_761 = tpu.vector_load %arg10[%get3A_758, %get3A_759, %get3A_760] {strides = array<i32>} : memref<2x128x128xf32, #tpu.memory_space<vmem>>, vector<16xf32>,
          %pack3A = tpu.pack_subelements %get3A_756, %get3A_761 {pack_format = #tpu.pack_format<interleaved>, positions = array<i32: 0, 1>} : vector<16xf32>, vector<16xf32> -> vector<32xbf16>
          %swap3A_762 = arith.constant 0 : i32
          %swap3A_763 = arith.index_cast %swap3A_762 : i32 to index
          %swap3A_764 = arith.index_cast %scan3A_751 : i32 to index
          %swap3A_765 = arith.constant 0 : index
          %swap3A_766 = tpu.vector_load %arg11[%swap3A_763, %swap3A_764, %swap3A_765] {strides = array<i32>} : memref<2x128x32xbf16, #tpu.memory_space<vmem>>, vector<32xbf16>,
          tpu.vector_store %arg11[%swap3A_763, %swap3A_764, %swap3A_765], %pack3A {strides = array<i32>} : memref<2x128x32xbf16, #tpu.memory_space<vmem>>, vector<32xbf16>,
        }
        %scan3A_726 = arith.constant 128 : i32
        %dma_wait3A_727 = arith.constant 1 : i32
        %dma_wait3A_728 = arith.constant 1 : i32
        %dma_wait3A_729 = arith.constant 0 : i32
        %dma_wait3A_730 = arith.constant 0 : i32
        %dma_wait3A_731 = tpu.memref_slice %arg10[%dma_wait3A_728, %dma_wait3A_729, %dma_wait3A_730] : memref<2x128x128xf32, #tpu.memory_space<vmem>> -> memref<1x128x128xf32, #tpu.memory_space<vmem>>
        %dma_wait3A_732 = tpu.memref_squeeze %dma_wait3A_731 : memref<1x128x128xf32, #tpu.memory_space<vmem>> -> memref<128x128xf32, #tpu.memory_space<vmem>>
        %dma_wait3A_733 = arith.constant 0 : i32
        %dma_wait3A_734 = tpu.memref_slice %arg8[%dma_wait3A_727, %dma_wait3A_733] : memref<2x128xi32, #tpu.memory_space<vmem>> -> memref<1x128xi32, #tpu.memory_space<vmem>>
        %dma_wait3A_735 = tpu.memref_squeeze %dma_wait3A_734 : memref<1x128xi32, #tpu.memory_space<vmem>> -> memref<128xi32, #tpu.memory_space<vmem>>
        %dma_wait3A_736 = arith.constant 0 : i32
        %dma_wait3A_737 = arith.constant 0 : i32
        %dma_wait3A_738 = tpu.memref_slice %arg4[%dma_wait3A_736, %dma_wait3A_737] : memref<100352x128xf32, #tpu.memory_space<hbm>> -> memref<100352x128xf32, #tpu.memory_space<hbm>>
        tpu.wait_indirect_dma semaphore(%arg15 : memref<!tpu.dma_semaphore, #tpu.memory_space<semaphore_mem>>) src(%dma_wait3A_738 : memref<100352x128xf32, #tpu.memory_space<hbm>>) dst(%dma_wait3A_732 : memref<128x128xf32, #tpu.memory_space<vmem>>)
        %scan3A_739 = arith.constant 0 : i32
        %scan3A_740 = arith.constant 0 : i32
        %scan3A_741 = arith.constant 128 : i32
        %scan3A_742 = arith.addi %scan3A_740, %scan3A_741 : i32
        %scan3A_743 = arith.constant 1 : i32
        scf.for %scan3A_751 = %scan3A_740 to %scan3A_742 step %scan3A_743  : i32 {
          %get3A_752 = arith.constant 1 : i32
          %get3A_753 = arith.index_cast %get3A_752 : i32 to index
          %get3A_754 = arith.index_cast %scan3A_751 : i32 to index
          %get3A_755 = arith.constant 0 : index
          %get3A_756 = tpu.vector_load %arg10[%get3A_753, %get3A_754, %get3A_755] {strides = array<i32>} : memref<2x128x128xf32, #tpu.memory_space<vmem>>, vector<16xf32>,
          %get3A_757 = arith.constant 1 : i32
          %get3A_758 = arith.index_cast %get3A_757 : i32 to index
          %get3A_759 = arith.index_cast %scan3A_751 : i32 to index
          %get3A_760 = arith.constant 16 : index
          %get3A_761 = tpu.vector_load %arg10[%get3A_758, %get3A_759, %get3A_760] {strides = array<i32>} : memref<2x128x128xf32, #tpu.memory_space<vmem>>, vector<16xf32>,
          %pack3A = tpu.pack_subelements %get3A_756, %get3A_761 {pack_format = #tpu.pack_format<interleaved>, positions = array<i32: 0, 1>} : vector<16xf32>, vector<16xf32> -> vector<32xbf16>
          %swap3A_762 = arith.constant 1 : i32
          %swap3A_763 = arith.index_cast %swap3A_762 : i32 to index
          %swap3A_764 = arith.index_cast %scan3A_751 : i32 to index
          %swap3A_765 = arith.constant 0 : index
          %swap3A_766 = tpu.vector_load %arg11[%swap3A_763, %swap3A_764, %swap3A_765] {strides = array<i32>} : memref<2x128x32xbf16, #tpu.memory_space<vmem>>, vector<32xbf16>,
          tpu.vector_store %arg11[%swap3A_763, %swap3A_764, %swap3A_765], %pack3A {strides = array<i32>} : memref<2x128x32xbf16, #tpu.memory_space<vmem>>, vector<32xbf16>,
        }
        %scan3A_744 = arith.constant 128 : i32
        %scan3A_745 = arith.constant 0 : i32
        %scan3A_746 = arith.constant 0 : i32
        %scan3A_747 = arith.constant 2 : i32
        %scan3A_748 = arith.addi %scan3A_746, %scan3A_747 : i32
        %scan3A_749 = arith.constant 1 : i32
        scf.for %scan3A_751 = %scan3A_746 to %scan3A_748 step %scan3A_749  : i32 {
          "tpu.region"() ({
            %run_scoped3A = tpu.sem_alloc : memref<!tpu.dma_semaphore, #tpu.memory_space<semaphore_mem>>
            %dma_start3A_752 = arith.constant 0 : i32
            %dma_start3A_753 = arith.constant 0 : i32
            %dma_start3A_754 = tpu.memref_slice %arg11[%scan3A_751, %dma_start3A_752, %dma_start3A_753] : memref<2x128x32xbf16, #tpu.memory_space<vmem>> -> memref<1x128x32xbf16, #tpu.memory_space<vmem>>
            %dma_start3A_755 = tpu.memref_squeeze %dma_start3A_754 : memref<1x128x32xbf16, #tpu.memory_space<vmem>> -> memref<128x32xbf16, #tpu.memory_space<vmem>>
            %dma_start3A_756 = arith.constant 0 : i32
            %dma_start3A_757 = tpu.memref_slice %arg9[%scan3A_751, %dma_start3A_756] : memref<2x128xi32, #tpu.memory_space<vmem>> -> memref<1x128xi32, #tpu.memory_space<vmem>>
            %dma_start3A_758 = tpu.memref_squeeze %dma_start3A_757 : memref<1x128xi32, #tpu.memory_space<vmem>> -> memref<128xi32, #tpu.memory_space<vmem>>
            %dma_start3A_759 = arith.constant 0 : i32
            %dma_start3A_760 = arith.constant 0 : i32
            %dma_start3A_761 = tpu.memref_slice %arg14[%dma_start3A_759, %dma_start3A_760] : memref<25152x32xbf16, #tpu.memory_space<vmem_shared>> -> memref<25152x32xbf16, #tpu.memory_space<vmem_shared>>
            tpu.enqueue_indirect_dma source(%dma_start3A_755 : memref<128x32xbf16, #tpu.memory_space<vmem>>) target(%dma_start3A_761 : memref<25152x32xbf16, #tpu.memory_space<vmem_shared>>) offsets(%dma_start3A_758 : memref<128xi32, #tpu.memory_space<vmem>>) semaphore(%run_scoped3A : memref<!tpu.dma_semaphore, #tpu.memory_space<semaphore_mem>>) {add = true}
            %dma_wait3A_762 = arith.constant 0 : i32
            %dma_wait3A_763 = arith.constant 0 : i32
            %dma_wait3A_764 = tpu.memref_slice %arg11[%scan3A_751, %dma_wait3A_762, %dma_wait3A_763] : memref<2x128x32xbf16, #tpu.memory_space<vmem>> -> memref<1x128x32xbf16, #tpu.memory_space<vmem>>
            %dma_wait3A_765 = tpu.memref_squeeze %dma_wait3A_764 : memref<1x128x32xbf16, #tpu.memory_space<vmem>> -> memref<128x32xbf16, #tpu.memory_space<vmem>>
            %dma_wait3A_766 = arith.constant 0 : i32
            %dma_wait3A_767 = tpu.memref_slice %arg9[%scan3A_751, %dma_wait3A_766] : memref<2x128xi32, #tpu.memory_space<vmem>> -> memref<1x128xi32, #tpu.memory_space<vmem>>
            %dma_wait3A_768 = tpu.memref_squeeze %dma_wait3A_767 : memref<1x128xi32, #tpu.memory_space<vmem>> -> memref<128xi32, #tpu.memory_space<vmem>>
            %dma_wait3A_769 = arith.constant 0 : i32
            %dma_wait3A_770 = arith.constant 0 : i32
            %dma_wait3A_771 = tpu.memref_slice %arg14[%dma_wait3A_769, %dma_wait3A_770] : memref<25152x32xbf16, #tpu.memory_space<vmem_shared>> -> memref<25152x32xbf16, #tpu.memory_space<vmem_shared>>
            tpu.wait_indirect_dma semaphore(%run_scoped3A : memref<!tpu.dma_semaphore, #tpu.memory_space<semaphore_mem>>) src(%dma_wait3A_765 : memref<128x32xbf16, #tpu.memory_space<vmem>>) dst(%dma_wait3A_771 : memref<25152x32xbf16, #tpu.memory_space<vmem_shared>>)
            tpu.yield
          }) : () -> ()
        }
        %scan3A_750 = arith.constant 2 : i32
      }
      %scan3A_55 = arith.constant 50 : i32
      %barrier3A_56 = arith.constant 0 : index
      tpu.barrier barrier_id(%barrier3A_56)
      %scan3A_57 = arith.constant 0 : i32
      %scan3A_58 = arith.constant 0 : i32
      %scan3A_59 = arith.constant 16 : i32
      %scan3A_60 = arith.addi %scan3A_58, %scan3A_59 : i32
      %scan3A_61 = arith.constant 1 : i32
      scf.for %scan3A_69 = %scan3A_58 to %scan3A_60 step %scan3A_61  : i32 {
        %mul3A_70 = arith.constant 1568 : i32
        %mul3A_71 = arith.muli %arg1, %mul3A_70 : i32
        %mul3A_72 = arith.constant 98 : i32
        %mul3A_73 = arith.muli %scan3A_69, %mul3A_72 : i32
        %add3A = arith.addi %mul3A_71, %mul3A_73 : i32
        "tpu.region"() ({
          %run_scoped3A = tpu.sem_alloc : memref<!tpu.dma_semaphore, #tpu.memory_space<semaphore_mem>>
          %dma_start3A = arith.constant 0 : i32
          %dma_start3A_92 = tpu.memref_slice %arg14[%add3A, %dma_start3A] : memref<25152x32xbf16, #tpu.memory_space<vmem_shared>> -> memref<98x32xbf16, #tpu.memory_space<vmem_shared>>
          %dma_start3A_93 = arith.constant 0 : i32
          %dma_start3A_94 = tpu.memref_slice %arg14[%add3A, %dma_start3A_93] : memref<25152x32xbf16, #tpu.memory_space<vmem_shared>> -> memref<98x32xbf16, #tpu.memory_space<vmem_shared>>
          tpu.enqueue_dma source(%dma_start3A_94 : memref<98x32xbf16, #tpu.memory_space<vmem_shared>>) target(%arg13 : memref<98x32xbf16, #tpu.memory_space<vmem>>) target_semaphore(%run_scoped3A : memref<!tpu.dma_semaphore, #tpu.memory_space<semaphore_mem>>)
          %dma_wait3A = arith.constant 0 : i32
          %dma_wait3A_95 = tpu.memref_slice %arg14[%add3A, %dma_wait3A] : memref<25152x32xbf16, #tpu.memory_space<vmem_shared>> -> memref<98x32xbf16, #tpu.memory_space<vmem_shared>>
          %dma_wait3A_96 = arith.constant 0 : i32
          %dma_wait3A_97 = tpu.memref_slice %arg14[%add3A, %dma_wait3A_96] : memref<25152x32xbf16, #tpu.memory_space<vmem_shared>> -> memref<98x32xbf16, #tpu.memory_space<vmem_shared>>
          tpu.wait_dma2 semaphore(%run_scoped3A : memref<!tpu.dma_semaphore, #tpu.memory_space<semaphore_mem>>) src(%dma_wait3A_97 : memref<98x32xbf16, #tpu.memory_space<vmem_shared>>) dst(%arg13 : memref<98x32xbf16, #tpu.memory_space<vmem>>)
          tpu.yield
        }) : () -> ()
        %scan3A_74 = arith.constant 0 : i32
        %scan3A_75 = arith.constant 0 : i32
        %scan3A_76 = arith.constant 98 : i32
        %scan3A_77 = arith.addi %scan3A_75, %scan3A_76 : i32
        %scan3A_78 = arith.constant 1 : i32
        scf.for %scan3A_92 = %scan3A_75 to %scan3A_77 step %scan3A_78  : i32 {
          %get3A = arith.index_cast %scan3A_92 : i32 to index
          %get3A_93 = arith.constant 0 : index
          %get3A_94 = tpu.vector_load %arg13[%get3A, %get3A_93] {strides = array<i32>} : memref<98x32xbf16, #tpu.memory_space<vmem>>, vector<32xbf16>,
          %unpack3A = tpu.unpack_subelements %get3A_94, 0 {pack_format = #tpu.pack_format<interleaved>} : vector<32xbf16> -> vector<16xf32>
          %unpack3A_95 = tpu.unpack_subelements %get3A_94, 1 {pack_format = #tpu.pack_format<interleaved>} : vector<32xbf16> -> vector<16xf32>
          %swap3A = arith.index_cast %scan3A_92 : i32 to index
          %swap3A_96 = arith.constant 0 : index
          %swap3A_97 = tpu.vector_load %arg12[%swap3A, %swap3A_96] {strides = array<i32>} : memref<98x128xf32, #tpu.memory_space<vmem>>, vector<16xf32>,
          tpu.vector_store %arg12[%swap3A, %swap3A_96], %unpack3A {strides = array<i32>} : memref<98x128xf32, #tpu.memory_space<vmem>>, vector<16xf32>,
          %swap3A_98 = arith.index_cast %scan3A_92 : i32 to index
          %swap3A_99 = arith.constant 16 : index
          %swap3A_100 = tpu.vector_load %arg12[%swap3A_98, %swap3A_99] {strides = array<i32>} : memref<98x128xf32, #tpu.memory_space<vmem>>, vector<16xf32>,
          tpu.vector_store %arg12[%swap3A_98, %swap3A_99], %unpack3A_95 {strides = array<i32>} : memref<98x128xf32, #tpu.memory_space<vmem>>, vector<16xf32>,
        }
        %scan3A_79 = arith.constant 98 : i32
        %mul3A_80 = arith.constant 2 : i32
        %mul3A_81 = arith.muli %sub3A_39, %mul3A_80 : i32
        %add3A_82 = arith.addi %mul3A_81, %arg0 : i32
        %mul3A_83 = arith.constant 50176 : i32
        %mul3A_84 = arith.muli %add3A_82, %mul3A_83 : i32
        %add3A_85 = arith.addi %mul3A_84, %mul3A_41 : i32
        %mul3A_86 = arith.constant 1568 : i32
        %mul3A_87 = arith.muli %arg1, %mul3A_86 : i32
        %add3A_88 = arith.addi %add3A_85, %mul3A_87 : i32
        %mul3A_89 = arith.constant 98 : i32
        %mul3A_90 = arith.muli %scan3A_69, %mul3A_89 : i32
        %add3A_91 = arith.addi %add3A_88, %mul3A_90 : i32
        "tpu.region"() ({
          %run_scoped3A = tpu.sem_alloc : memref<!tpu.dma_semaphore, #tpu.memory_space<semaphore_mem>>
          %dma_start3A = arith.constant 0 : i32
          %dma_start3A_92 = tpu.memref_slice %arg5[%add3A_91, %dma_start3A] : memref<401408x128xf32, #tpu.memory_space<hbm>> -> memref<98x128xf32, #tpu.memory_space<hbm>>
          %dma_start3A_93 = arith.constant 0 : i32
          %dma_start3A_94 = tpu.memref_slice %arg5[%add3A_91, %dma_start3A_93] : memref<401408x128xf32, #tpu.memory_space<hbm>> -> memref<98x128xf32, #tpu.memory_space<hbm>>
          tpu.enqueue_dma source(%arg12 : memref<98x128xf32, #tpu.memory_space<vmem>>) target(%dma_start3A_94 : memref<98x128xf32, #tpu.memory_space<hbm>>) target_semaphore(%run_scoped3A : memref<!tpu.dma_semaphore, #tpu.memory_space<semaphore_mem>>)
          %dma_wait3A = arith.constant 0 : i32
          %dma_wait3A_95 = tpu.memref_slice %arg5[%add3A_91, %dma_wait3A] : memref<401408x128xf32, #tpu.memory_space<hbm>> -> memref<98x128xf32, #tpu.memory_space<hbm>>
          %dma_wait3A_96 = arith.constant 0 : i32
          %dma_wait3A_97 = tpu.memref_slice %arg5[%add3A_91, %dma_wait3A_96] : memref<401408x128xf32, #tpu.memory_space<hbm>> -> memref<98x128xf32, #tpu.memory_space<hbm>>
          tpu.wait_dma2 semaphore(%run_scoped3A : memref<!tpu.dma_semaphore, #tpu.memory_space<semaphore_mem>>) src(%arg12 : memref<98x128xf32, #tpu.memory_space<vmem>>) dst(%dma_wait3A_97 : memref<98x128xf32, #tpu.memory_space<hbm>>)
          tpu.yield
        }) : () -> ()
      }
      %scan3A_62 = arith.constant 16 : i32
      %scan3A_63 = arith.constant 0 : i32
      %scan3A_64 = arith.constant 0 : i32
      %scan3A_65 = arith.constant 98 : i32
      %scan3A_66 = arith.addi %scan3A_64, %scan3A_65 : i32
      %scan3A_67 = arith.constant 1 : i32
      scf.for %scan3A_69 = %scan3A_64 to %scan3A_66 step %scan3A_67  : i32 {
        %broadcast_in_dim3A = arith.constant 0.000000e+00 : bf16
        %broadcast_in_dim3A_70 = vector.broadcast %broadcast_in_dim3A : bf16 to vector<32xbf16>
        %swap3A = arith.index_cast %scan3A_69 : i32 to index
        %swap3A_71 = arith.constant 0 : index
        %swap3A_72 = tpu.vector_load %arg13[%swap3A, %swap3A_71] {strides = array<i32>} : memref<98x32xbf16, #tpu.memory_space<vmem>>, vector<32xbf16>,
        tpu.vector_store %arg13[%swap3A, %swap3A_71], %broadcast_in_dim3A_70 {strides = array<i32>} : memref<98x32xbf16, #tpu.memory_space<vmem>>, vector<32xbf16>,
      }
      %scan3A_68 = arith.constant 98 : i32
    }
    %scan3A_19 = arith.constant 8 : i32
    return
  }
}

module attributes {stable_mosaic.version = 14 : i64} {
  func.func @_mm0_body(%arg0: i32, %arg1: memref<512x64xf32, #tpu.memory_space<vmem>>, %arg2: memref<64x64xf32, #tpu.memory_space<vmem>>, %arg3: memref<512x64xf32, #tpu.memory_space<vmem>>) attributes {dimension_semantics = [#tpu.dimension_semantics<arbitrary>], iteration_bounds = array<i64: 98>, scalar_prefetch = 0 : i64, scratch_operands = 0 : i64, tpu.core_type = #tpu.core_type<tc>, window_params = [{transform_indices = @transform_0, window_bounds = array<i64: 512, 64>}, {pipeline_mode = #tpu.pipeline_mode<synchronous>, transform_indices = @transform_1, window_bounds = array<i64: 64, 64>}, {transform_indices = @transform_2, window_bounds = array<i64: 512, 64>}]} {
    %mul3A = arith.constant 512 : i32
    %mul3A_0 = arith.muli %arg0, %mul3A : i32
    %iota3A = tpu.iota {dimensions = array<i32: 0>} : vector<512x1xi32>
    %add3A = vector.broadcast %mul3A_0 : i32 to vector<512x1xi32>
    %add3A_1 = arith.addi %add3A, %iota3A : vector<512x1xi32>
    %lt3A = arith.constant 50000 : i32
    %lt3A_2 = vector.broadcast %lt3A : i32 to vector<512x1xi32>
    %lt3A_3 = arith.cmpi slt, %add3A_1, %lt3A_2 : vector<512x1xi32>
    %get3A = arith.constant 0 : index
    %get3A_4 = arith.constant 0 : index
    %get3A_5 = vector.load %arg1[%get3A, %get3A_4] : memref<512x64xf32, #tpu.memory_space<vmem>>, vector<512x64xf32>
    %jit3A = arith.constant 0.000000e+00 : f32
    %broadcast_in_dim3A = vector.shape_cast %lt3A_3 : vector<512x1xi1> to vector<512x1xi1>
    %broadcast_in_dim3A_6 = vector.broadcast %broadcast_in_dim3A : vector<512x1xi1> to vector<512x64xi1>
    %broadcast_in_dim3A_7 = vector.broadcast %jit3A : f32 to vector<512x64xf32>
    %select_n3A = arith.select %broadcast_in_dim3A_6, %get3A_5, %broadcast_in_dim3A_7 : vector<512x64xi1>, vector<512x64xf32>
    %get3A_8 = arith.constant 0 : index
    %get3A_9 = arith.constant 0 : index
    %get3A_10 = vector.load %arg2[%get3A_8, %get3A_9] : memref<64x64xf32, #tpu.memory_space<vmem>>, vector<64x64xf32>
    %dot_general3A = arith.constant dense<0.000000e+00> : vector<512x64xf32>
    %dot_general3A_11 = tpu.matmul %select_n3A, %get3A_10, %dot_general3A {dimension_numbers = #tpu.dot_dimension_numbers<[1], [0], [0], [1], [0, 0, 1, 1], [], []>, transpose_lhs_hint = false} : vector<512x64xf32>, vector<64x64xf32>, vector<512x64xf32> -> vector<512x64xf32>
    %swap3A = arith.constant 0 : index
    %swap3A_12 = arith.constant 0 : index
    %swap3A_13 = vector.load %arg3[%swap3A, %swap3A_12] : memref<512x64xf32, #tpu.memory_space<vmem>>, vector<512x64xf32>
    tpu.vector_store %arg3[%swap3A, %swap3A_12], %dot_general3A_11 {strides = array<i32>} : memref<512x64xf32, #tpu.memory_space<vmem>>, vector<512x64xf32>,
    return
  }
  func.func @transform_0(%arg0: i32) -> (i32, i32) {
    %c0_i32 = arith.constant 0 : i32
    %c0_i32_0 = arith.constant 0 : i32
    return %arg0, %c0_i32 : i32, i32
  }
  func.func @transform_1(%arg0: i32) -> (i32, i32) {
    %c0_i32 = arith.constant 0 : i32
    %c0_i32_0 = arith.constant 0 : i32
    %c0_i32_1 = arith.constant 0 : i32
    return %c0_i32, %c0_i32_0 : i32, i32
  }
  func.func @transform_2(%arg0: i32) -> (i32, i32) {
    %c0_i32 = arith.constant 0 : i32
    %c0_i32_0 = arith.constant 0 : i32
    return %arg0, %c0_i32 : i32, i32
  }
}

module attributes {stable_mosaic.version = 14 : i64} {
  func.func @_scale_body(%arg0: i32, %arg1: memref<32x512xf32, #tpu.memory_space<vmem>>, %arg2: memref<512x64xf32, #tpu.memory_space<vmem>>, %arg3: memref<512xf32, #tpu.memory_space<vmem>>, %arg4: memref<2x512x128xf32, #tpu.memory_space<vmem>>) attributes {dimension_semantics = [#tpu.dimension_semantics<arbitrary>], iteration_bounds = array<i64: 98>, scalar_prefetch = 0 : i64, scratch_operands = 0 : i64, tpu.core_type = #tpu.core_type<tc>, window_params = [{transform_indices = @transform_0, window_bounds = array<i64: 32, 512>}, {transform_indices = @transform_1, window_bounds = array<i64: 512, 64>}, {transform_indices = @transform_2, window_bounds = array<i64: 512>}, {transform_indices = @transform_3, window_bounds = array<i64: 2, 512, 128>}]} {
    %get3A = arith.constant 0 : index
    %get3A_0 = arith.constant 0 : index
    %get3A_1 = vector.load %arg1[%get3A, %get3A_0] : memref<32x512xf32, #tpu.memory_space<vmem>>, vector<32x512xf32>
    %reduce_sum3A = arith.constant dense<0.000000e+00> : vector<512xf32>
    %reduce_sum3A_2 = vector.multi_reduction <add>, %get3A_1, %reduce_sum3A [0] : vector<32x512xf32> to vector<512xf32>
    %add3A = arith.constant 1.000000e+00 : f32
    %add3A_3 = vector.broadcast %add3A : f32 to vector<512xf32>
    %add3A_4 = arith.addf %reduce_sum3A_2, %add3A_3 : vector<512xf32>
    %rsqrt3A = math.rsqrt %add3A_4 : vector<512xf32>
    %swap3A = arith.constant 0 : index
    %swap3A_5 = vector.load %arg3[%swap3A] : memref<512xf32, #tpu.memory_space<vmem>>, vector<512xf32>
    tpu.vector_store %arg3[%swap3A], %rsqrt3A {strides = array<i32>} : memref<512xf32, #tpu.memory_space<vmem>>, vector<512xf32>,
    %get3A_6 = arith.constant 0 : index
    %get3A_7 = arith.constant 0 : index
    %get3A_8 = vector.load %arg2[%get3A_6, %get3A_7] : memref<512x64xf32, #tpu.memory_space<vmem>>, vector<512x64xf32>
    %broadcast_in_dim3A = vector.shape_cast %rsqrt3A : vector<512xf32> to vector<512x1xf32>
    %mul3A = vector.broadcast %broadcast_in_dim3A : vector<512x1xf32> to vector<512x64xf32>
    %mul3A_9 = arith.mulf %get3A_8, %mul3A : vector<512x64xf32>
    %broadcast_in_dim3A_10 = arith.constant 0.000000e+00 : f32
    %broadcast_in_dim3A_11 = vector.broadcast %broadcast_in_dim3A_10 : f32 to vector<512x96xf32>
    %slice3A = vector.extract_strided_slice %mul3A_9 {offsets = [0, 0], sizes = [512, 32], strides = [1, 1]} : vector<512x64xf32> to vector<512x32xf32>
    %concatenate3A = tpu.concatenate %slice3A, %broadcast_in_dim3A_11 in 1 : vector<512x32xf32>, vector<512x96xf32> -> vector<512x128xf32>
    %swap3A_12 = arith.constant 0 : index
    %swap3A_13 = arith.constant 0 : index
    %swap3A_14 = arith.constant 0 : index
    %swap3A_15 = vector.load %arg4[%swap3A_12, %swap3A_13, %swap3A_14] : memref<2x512x128xf32, #tpu.memory_space<vmem>>, vector<1x512x128xf32>
    %swap3A_16 = vector.shape_cast %swap3A_15 : vector<1x512x128xf32> to vector<512x128xf32>
    %swap3A_17 = vector.shape_cast %concatenate3A : vector<512x128xf32> to vector<1x512x128xf32>
    tpu.vector_store %arg4[%swap3A_12, %swap3A_13, %swap3A_14], %swap3A_17 {strides = array<i32>} : memref<2x512x128xf32, #tpu.memory_space<vmem>>, vector<1x512x128xf32>,
    %slice3A_18 = vector.extract_strided_slice %mul3A_9 {offsets = [0, 32], sizes = [512, 32], strides = [1, 1]} : vector<512x64xf32> to vector<512x32xf32>
    %concatenate3A_19 = tpu.concatenate %slice3A_18, %broadcast_in_dim3A_11 in 1 : vector<512x32xf32>, vector<512x96xf32> -> vector<512x128xf32>
    %swap3A_20 = arith.constant 1 : index
    %swap3A_21 = arith.constant 0 : index
    %swap3A_22 = arith.constant 0 : index
    %swap3A_23 = vector.load %arg4[%swap3A_20, %swap3A_21, %swap3A_22] : memref<2x512x128xf32, #tpu.memory_space<vmem>>, vector<1x512x128xf32>
    %swap3A_24 = vector.shape_cast %swap3A_23 : vector<1x512x128xf32> to vector<512x128xf32>
    %swap3A_25 = vector.shape_cast %concatenate3A_19 : vector<512x128xf32> to vector<1x512x128xf32>
    tpu.vector_store %arg4[%swap3A_20, %swap3A_21, %swap3A_22], %swap3A_25 {strides = array<i32>} : memref<2x512x128xf32, #tpu.memory_space<vmem>>, vector<1x512x128xf32>,
    return
  }
  func.func @transform_0(%arg0: i32) -> (i32, i32) {
    %c0_i32 = arith.constant 0 : i32
    %c0_i32_0 = arith.constant 0 : i32
    return %c0_i32, %arg0 : i32, i32
  }
  func.func @transform_1(%arg0: i32) -> (i32, i32) {
    %c0_i32 = arith.constant 0 : i32
    %c0_i32_0 = arith.constant 0 : i32
    return %arg0, %c0_i32 : i32, i32
  }
  func.func @transform_2(%arg0: i32) -> i32 {
    %c0_i32 = arith.constant 0 : i32
    return %arg0 : i32
  }
  func.func @transform_3(%arg0: i32) -> (i32, i32, i32) {
    %c0_i32 = arith.constant 0 : i32
    %c0_i32_0 = arith.constant 0 : i32
    %c0_i32_1 = arith.constant 0 : i32
    return %c0_i32, %arg0, %c0_i32_0 : i32, i32, i32
  }
}

module attributes {stable_mosaic.version = 14 : i64} {
  func.func @_epiA_body(%arg0: i32, %arg1: memref<8x512x128xf32, #tpu.memory_space<vmem>>, %arg2: memref<512x64xf32, #tpu.memory_space<vmem>>, %arg3: memref<512xf32, #tpu.memory_space<vmem>>, %arg4: memref<64xf32, #tpu.memory_space<vmem>>, %arg5: memref<512x64xf32, #tpu.memory_space<vmem>>, %arg6: memref<8x64xf32, #tpu.memory_space<vmem>>, %arg7: memref<8x64xf32, #tpu.memory_space<vmem>>) attributes {dimension_semantics = [#tpu.dimension_semantics<arbitrary>], iteration_bounds = array<i64: 98>, scalar_prefetch = 0 : i64, scratch_operands = 0 : i64, tpu.core_type = #tpu.core_type<tc>, window_params = [{transform_indices = @transform_0, window_bounds = array<i64: 8, 512, 128>}, {transform_indices = @transform_1, window_bounds = array<i64: 512, 64>}, {transform_indices = @transform_2, window_bounds = array<i64: 512>}, {pipeline_mode = #tpu.pipeline_mode<synchronous>, transform_indices = @transform_3, window_bounds = array<i64: 64>}, {transform_indices = @transform_4, window_bounds = array<i64: 512, 64>}, {pipeline_mode = #tpu.pipeline_mode<synchronous>, transform_indices = @transform_5, window_bounds = array<i64: 8, 64>}, {pipeline_mode = #tpu.pipeline_mode<synchronous>, transform_indices = @transform_6, window_bounds = array<i64: 8, 64>}]} {
    %get3A = arith.constant 0 : index
    %get3A_0 = arith.constant 0 : index
    %get3A_1 = arith.constant 0 : index
    %get3A_2 = vector.load %arg1[%get3A, %get3A_0, %get3A_1] : memref<8x512x128xf32, #tpu.memory_space<vmem>>, vector<1x512x32xf32>
    %get3A_3 = vector.shape_cast %get3A_2 : vector<1x512x32xf32> to vector<512x32xf32>
    %get3A_4 = arith.constant 2 : index
    %get3A_5 = arith.constant 0 : index
    %get3A_6 = arith.constant 0 : index
    %get3A_7 = vector.load %arg1[%get3A_4, %get3A_5, %get3A_6] : memref<8x512x128xf32, #tpu.memory_space<vmem>>, vector<1x512x32xf32>
    %get3A_8 = vector.shape_cast %get3A_7 : vector<1x512x32xf32> to vector<512x32xf32>
    %add3A = arith.addf %get3A_3, %get3A_8 : vector<512x32xf32>
    %get3A_9 = arith.constant 4 : index
    %get3A_10 = arith.constant 0 : index
    %get3A_11 = arith.constant 0 : index
    %get3A_12 = vector.load %arg1[%get3A_9, %get3A_10, %get3A_11] : memref<8x512x128xf32, #tpu.memory_space<vmem>>, vector<1x512x32xf32>
    %get3A_13 = vector.shape_cast %get3A_12 : vector<1x512x32xf32> to vector<512x32xf32>
    %get3A_14 = arith.constant 6 : index
    %get3A_15 = arith.constant 0 : index
    %get3A_16 = arith.constant 0 : index
    %get3A_17 = vector.load %arg1[%get3A_14, %get3A_15, %get3A_16] : memref<8x512x128xf32, #tpu.memory_space<vmem>>, vector<1x512x32xf32>
    %get3A_18 = vector.shape_cast %get3A_17 : vector<1x512x32xf32> to vector<512x32xf32>
    %add3A_19 = arith.addf %get3A_13, %get3A_18 : vector<512x32xf32>
    %add3A_20 = arith.addf %add3A, %add3A_19 : vector<512x32xf32>
    %get3A_21 = arith.constant 1 : index
    %get3A_22 = arith.constant 0 : index
    %get3A_23 = arith.constant 0 : index
    %get3A_24 = vector.load %arg1[%get3A_21, %get3A_22, %get3A_23] : memref<8x512x128xf32, #tpu.memory_space<vmem>>, vector<1x512x32xf32>
    %get3A_25 = vector.shape_cast %get3A_24 : vector<1x512x32xf32> to vector<512x32xf32>
    %get3A_26 = arith.constant 3 : index
    %get3A_27 = arith.constant 0 : index
    %get3A_28 = arith.constant 0 : index
    %get3A_29 = vector.load %arg1[%get3A_26, %get3A_27, %get3A_28] : memref<8x512x128xf32, #tpu.memory_space<vmem>>, vector<1x512x32xf32>
    %get3A_30 = vector.shape_cast %get3A_29 : vector<1x512x32xf32> to vector<512x32xf32>
    %add3A_31 = arith.addf %get3A_25, %get3A_30 : vector<512x32xf32>
    %get3A_32 = arith.constant 5 : index
    %get3A_33 = arith.constant 0 : index
    %get3A_34 = arith.constant 0 : index
    %get3A_35 = vector.load %arg1[%get3A_32, %get3A_33, %get3A_34] : memref<8x512x128xf32, #tpu.memory_space<vmem>>, vector<1x512x32xf32>
    %get3A_36 = vector.shape_cast %get3A_35 : vector<1x512x32xf32> to vector<512x32xf32>
    %get3A_37 = arith.constant 7 : index
    %get3A_38 = arith.constant 0 : index
    %get3A_39 = arith.constant 0 : index
    %get3A_40 = vector.load %arg1[%get3A_37, %get3A_38, %get3A_39] : memref<8x512x128xf32, #tpu.memory_space<vmem>>, vector<1x512x32xf32>
    %get3A_41 = vector.shape_cast %get3A_40 : vector<1x512x32xf32> to vector<512x32xf32>
    %add3A_42 = arith.addf %get3A_36, %get3A_41 : vector<512x32xf32>
    %add3A_43 = arith.addf %add3A_31, %add3A_42 : vector<512x32xf32>
    %concatenate3A = tpu.concatenate %add3A_20, %add3A_43 in 1 : vector<512x32xf32>, vector<512x32xf32> -> vector<512x64xf32>
    %get3A_44 = arith.constant 0 : index
    %get3A_45 = vector.load %arg3[%get3A_44] : memref<512xf32, #tpu.memory_space<vmem>>, vector<512xf32>
    %get3A_46 = arith.constant 0 : index
    %get3A_47 = arith.constant 0 : index
    %get3A_48 = vector.load %arg2[%get3A_46, %get3A_47] : memref<512x64xf32, #tpu.memory_space<vmem>>, vector<512x64xf32>
    %broadcast_in_dim3A = vector.shape_cast %get3A_45 : vector<512xf32> to vector<512x1xf32>
    %mul3A = vector.broadcast %broadcast_in_dim3A : vector<512x1xf32> to vector<512x64xf32>
    %mul3A_49 = arith.mulf %get3A_48, %mul3A : vector<512x64xf32>
    %add3A_50 = arith.addf %concatenate3A, %mul3A_49 : vector<512x64xf32>
    %broadcast_in_dim3A_51 = vector.shape_cast %get3A_45 : vector<512xf32> to vector<512x1xf32>
    %mul3A_52 = vector.broadcast %broadcast_in_dim3A_51 : vector<512x1xf32> to vector<512x64xf32>
    %mul3A_53 = arith.mulf %add3A_50, %mul3A_52 : vector<512x64xf32>
    %get3A_54 = arith.constant 0 : index
    %get3A_55 = vector.load %arg4[%get3A_54] : memref<64xf32, #tpu.memory_space<vmem>>, vector<64xf32>
    %broadcast_in_dim3A_56 = vector.shape_cast %get3A_55 : vector<64xf32> to vector<1x64xf32>
    %add3A_57 = vector.broadcast %broadcast_in_dim3A_56 : vector<1x64xf32> to vector<512x64xf32>
    %add3A_58 = arith.addf %mul3A_53, %add3A_57 : vector<512x64xf32>
    %swap3A = arith.constant 0 : index
    %swap3A_59 = arith.constant 0 : index
    %swap3A_60 = vector.load %arg5[%swap3A, %swap3A_59] : memref<512x64xf32, #tpu.memory_space<vmem>>, vector<512x64xf32>
    tpu.vector_store %arg5[%swap3A, %swap3A_59], %add3A_58 {strides = array<i32>} : memref<512x64xf32, #tpu.memory_space<vmem>>, vector<512x64xf32>,
    %mul3A_61 = arith.constant 512 : i32
    %mul3A_62 = arith.muli %arg0, %mul3A_61 : i32
    %iota3A = tpu.iota {dimensions = array<i32: 0>} : vector<512x1xi32>
    %add3A_63 = vector.broadcast %mul3A_62 : i32 to vector<512x1xi32>
    %add3A_64 = arith.addi %add3A_63, %iota3A : vector<512x1xi32>
    %lt3A = arith.constant 50000 : i32
    %lt3A_65 = vector.broadcast %lt3A : i32 to vector<512x1xi32>
    %lt3A_66 = arith.cmpi slt, %add3A_64, %lt3A_65 : vector<512x1xi32>
    %jit3A = arith.constant 0.000000e+00 : f32
    %broadcast_in_dim3A_67 = vector.shape_cast %lt3A_66 : vector<512x1xi1> to vector<512x1xi1>
    %broadcast_in_dim3A_68 = vector.broadcast %broadcast_in_dim3A_67 : vector<512x1xi1> to vector<512x64xi1>
    %broadcast_in_dim3A_69 = vector.broadcast %jit3A : f32 to vector<512x64xf32>
    %select_n3A = arith.select %broadcast_in_dim3A_68, %add3A_58, %broadcast_in_dim3A_69 : vector<512x64xi1>, vector<512x64xf32>
    %reshape3A = vector.shape_cast %select_n3A : vector<512x64xf32> to vector<8x64x64xf32>
    %reduce_sum3A = arith.constant dense<0.000000e+00> : vector<8x64xf32>
    %reduce_sum3A_70 = vector.multi_reduction <add>, %reshape3A, %reduce_sum3A [1] : vector<8x64x64xf32> to vector<8x64xf32>
    %mul3A_71 = arith.mulf %select_n3A, %select_n3A : vector<512x64xf32>
    %reshape3A_72 = vector.shape_cast %mul3A_71 : vector<512x64xf32> to vector<8x64x64xf32>
    %reduce_sum3A_73 = arith.constant dense<0.000000e+00> : vector<8x64xf32>
    %reduce_sum3A_74 = vector.multi_reduction <add>, %reshape3A_72, %reduce_sum3A_73 [1] : vector<8x64x64xf32> to vector<8x64xf32>
    %eq3A = arith.constant 0 : i32
    %eq3A_75 = arith.cmpi eq, %arg0, %eq3A : i32
    %convert_element_type3A = arith.extui %eq3A_75 : i1 to i32
    %cond3A = arith.constant 0 : i32
    %cond3A_76 = arith.cmpi ne, %convert_element_type3A, %cond3A : i32
    scf.if %cond3A_76 {
      %swap3A_81 = arith.constant 0 : index
      %swap3A_82 = arith.constant 0 : index
      %swap3A_83 = vector.load %arg6[%swap3A_81, %swap3A_82] : memref<8x64xf32, #tpu.memory_space<vmem>>, vector<8x64xf32>
      tpu.vector_store %arg6[%swap3A_81, %swap3A_82], %reduce_sum3A_70 {strides = array<i32>} : memref<8x64xf32, #tpu.memory_space<vmem>>, vector<8x64xf32>,
      %swap3A_84 = arith.constant 0 : index
      %swap3A_85 = arith.constant 0 : index
      %swap3A_86 = vector.load %arg7[%swap3A_84, %swap3A_85] : memref<8x64xf32, #tpu.memory_space<vmem>>, vector<8x64xf32>
      tpu.vector_store %arg7[%swap3A_84, %swap3A_85], %reduce_sum3A_74 {strides = array<i32>} : memref<8x64xf32, #tpu.memory_space<vmem>>, vector<8x64xf32>,
    } else {
    }
    %gt3A = arith.constant 0 : i32
    %gt3A_77 = arith.cmpi sgt, %arg0, %gt3A : i32
    %convert_element_type3A_78 = arith.extui %gt3A_77 : i1 to i32
    %cond3A_79 = arith.constant 0 : i32
    %cond3A_80 = arith.cmpi ne, %convert_element_type3A_78, %cond3A_79 : i32
    scf.if %cond3A_80 {
      %get3A_81 = arith.constant 0 : index
      %get3A_82 = arith.constant 0 : index
      %get3A_83 = vector.load %arg6[%get3A_81, %get3A_82] : memref<8x64xf32, #tpu.memory_space<vmem>>, vector<8x64xf32>
      %add3A_84 = arith.addf %get3A_83, %reduce_sum3A_70 : vector<8x64xf32>
      %swap3A_85 = arith.constant 0 : index
      %swap3A_86 = arith.constant 0 : index
      %swap3A_87 = vector.load %arg6[%swap3A_85, %swap3A_86] : memref<8x64xf32, #tpu.memory_space<vmem>>, vector<8x64xf32>
      tpu.vector_store %arg6[%swap3A_85, %swap3A_86], %add3A_84 {strides = array<i32>} : memref<8x64xf32, #tpu.memory_space<vmem>>, vector<8x64xf32>,
      %get3A_88 = arith.constant 0 : index
      %get3A_89 = arith.constant 0 : index
      %get3A_90 = vector.load %arg7[%get3A_88, %get3A_89] : memref<8x64xf32, #tpu.memory_space<vmem>>, vector<8x64xf32>
      %add3A_91 = arith.addf %get3A_90, %reduce_sum3A_74 : vector<8x64xf32>
      %swap3A_92 = arith.constant 0 : index
      %swap3A_93 = arith.constant 0 : index
      %swap3A_94 = vector.load %arg7[%swap3A_92, %swap3A_93] : memref<8x64xf32, #tpu.memory_space<vmem>>, vector<8x64xf32>
      tpu.vector_store %arg7[%swap3A_92, %swap3A_93], %add3A_91 {strides = array<i32>} : memref<8x64xf32, #tpu.memory_space<vmem>>, vector<8x64xf32>,
    } else {
    }
    return
  }
  func.func @transform_0(%arg0: i32) -> (i32, i32, i32) {
    %c0_i32 = arith.constant 0 : i32
    %c0_i32_0 = arith.constant 0 : i32
    %c0_i32_1 = arith.constant 0 : i32
    return %c0_i32, %arg0, %c0_i32_0 : i32, i32, i32
  }
  func.func @transform_1(%arg0: i32) -> (i32, i32) {
    %c0_i32 = arith.constant 0 : i32
    %c0_i32_0 = arith.constant 0 : i32
    return %arg0, %c0_i32 : i32, i32
  }
  func.func @transform_2(%arg0: i32) -> i32 {
    %c0_i32 = arith.constant 0 : i32
    return %arg0 : i32
  }
  func.func @transform_3(%arg0: i32) -> i32 {
    %c0_i32 = arith.constant 0 : i32
    %c0_i32_0 = arith.constant 0 : i32
    return %c0_i32 : i32
  }
  func.func @transform_4(%arg0: i32) -> (i32, i32) {
    %c0_i32 = arith.constant 0 : i32
    %c0_i32_0 = arith.constant 0 : i32
    return %arg0, %c0_i32 : i32, i32
  }
  func.func @transform_5(%arg0: i32) -> (i32, i32) {
    %c0_i32 = arith.constant 0 : i32
    %c0_i32_0 = arith.constant 0 : i32
    %c0_i32_1 = arith.constant 0 : i32
    return %c0_i32, %c0_i32_0 : i32, i32
  }
  func.func @transform_6(%arg0: i32) -> (i32, i32) {
    %c0_i32 = arith.constant 0 : i32
    %c0_i32_0 = arith.constant 0 : i32
    %c0_i32_1 = arith.constant 0 : i32
    return %c0_i32, %c0_i32_0 : i32, i32
  }
}

module attributes {stable_mosaic.version = 14 : i64} {
  func.func @_epiB_body(%arg0: i32, %arg1: memref<512x64xf32, #tpu.memory_space<vmem>>, %arg2: memref<8x64xf32, #tpu.memory_space<vmem>>, %arg3: memref<8x64xf32, #tpu.memory_space<vmem>>, %arg4: memref<64xf32, #tpu.memory_space<vmem>>, %arg5: memref<64xf32, #tpu.memory_space<vmem>>, %arg6: memref<512x64xf32, #tpu.memory_space<vmem>>) attributes {dimension_semantics = [#tpu.dimension_semantics<arbitrary>], iteration_bounds = array<i64: 98>, scalar_prefetch = 0 : i64, scratch_operands = 0 : i64, tpu.core_type = #tpu.core_type<tc>, window_params = [{transform_indices = @transform_0, window_bounds = array<i64: 512, 64>}, {pipeline_mode = #tpu.pipeline_mode<synchronous>, transform_indices = @transform_1, window_bounds = array<i64: 8, 64>}, {pipeline_mode = #tpu.pipeline_mode<synchronous>, transform_indices = @transform_2, window_bounds = array<i64: 8, 64>}, {pipeline_mode = #tpu.pipeline_mode<synchronous>, transform_indices = @transform_3, window_bounds = array<i64: 64>}, {pipeline_mode = #tpu.pipeline_mode<synchronous>, transform_indices = @transform_4, window_bounds = array<i64: 64>}, {transform_indices = @transform_5, window_bounds = array<i64: 512, 64>}]} {
    %get3A = arith.constant 0 : index
    %get3A_0 = arith.constant 0 : index
    %get3A_1 = vector.load %arg2[%get3A, %get3A_0] : memref<8x64xf32, #tpu.memory_space<vmem>>, vector<8x64xf32>
    %reduce_sum3A = arith.constant dense<0.000000e+00> : vector<64xf32>
    %reduce_sum3A_2 = vector.multi_reduction <add>, %get3A_1, %reduce_sum3A [0] : vector<8x64xf32> to vector<64xf32>
    %get3A_3 = arith.constant 0 : index
    %get3A_4 = arith.constant 0 : index
    %get3A_5 = vector.load %arg3[%get3A_3, %get3A_4] : memref<8x64xf32, #tpu.memory_space<vmem>>, vector<8x64xf32>
    %reduce_sum3A_6 = arith.constant dense<0.000000e+00> : vector<64xf32>
    %reduce_sum3A_7 = vector.multi_reduction <add>, %get3A_5, %reduce_sum3A_6 [0] : vector<8x64xf32> to vector<64xf32>
    %mul3A = arith.constant 2.000000e-05 : f32
    %mul3A_8 = vector.broadcast %mul3A : f32 to vector<64xf32>
    %mul3A_9 = arith.mulf %reduce_sum3A_2, %mul3A_8 : vector<64xf32>
    %mul3A_10 = arith.constant 2.000000e-05 : f32
    %mul3A_11 = vector.broadcast %mul3A_10 : f32 to vector<64xf32>
    %mul3A_12 = arith.mulf %reduce_sum3A_7, %mul3A_11 : vector<64xf32>
    %mul3A_13 = arith.mulf %mul3A_9, %mul3A_9 : vector<64xf32>
    %sub3A = arith.subf %mul3A_12, %mul3A_13 : vector<64xf32>
    %add3A = arith.constant 9.99999974E-6 : f32
    %add3A_14 = vector.broadcast %add3A : f32 to vector<64xf32>
    %add3A_15 = arith.addf %sub3A, %add3A_14 : vector<64xf32>
    %rsqrt3A = math.rsqrt %add3A_15 : vector<64xf32>
    %get3A_16 = arith.constant 0 : index
    %get3A_17 = vector.load %arg4[%get3A_16] : memref<64xf32, #tpu.memory_space<vmem>>, vector<64xf32>
    %mul3A_18 = arith.mulf %rsqrt3A, %get3A_17 : vector<64xf32>
    %get3A_19 = arith.constant 0 : index
    %get3A_20 = arith.constant 0 : index
    %get3A_21 = vector.load %arg1[%get3A_19, %get3A_20] : memref<512x64xf32, #tpu.memory_space<vmem>>, vector<512x64xf32>
    %broadcast_in_dim3A = vector.shape_cast %mul3A_9 : vector<64xf32> to vector<1x64xf32>
    %sub3A_22 = vector.broadcast %broadcast_in_dim3A : vector<1x64xf32> to vector<512x64xf32>
    %sub3A_23 = arith.subf %get3A_21, %sub3A_22 : vector<512x64xf32>
    %broadcast_in_dim3A_24 = vector.shape_cast %mul3A_18 : vector<64xf32> to vector<1x64xf32>
    %mul3A_25 = vector.broadcast %broadcast_in_dim3A_24 : vector<1x64xf32> to vector<512x64xf32>
    %mul3A_26 = arith.mulf %sub3A_23, %mul3A_25 : vector<512x64xf32>
    %get3A_27 = arith.constant 0 : index
    %get3A_28 = vector.load %arg5[%get3A_27] : memref<64xf32, #tpu.memory_space<vmem>>, vector<64xf32>
    %broadcast_in_dim3A_29 = vector.shape_cast %get3A_28 : vector<64xf32> to vector<1x64xf32>
    %add3A_30 = vector.broadcast %broadcast_in_dim3A_29 : vector<1x64xf32> to vector<512x64xf32>
    %add3A_31 = arith.addf %mul3A_26, %add3A_30 : vector<512x64xf32>
    %ge3A = arith.constant 0.000000e+00 : f32
    %ge3A_32 = vector.broadcast %ge3A : f32 to vector<512x64xf32>
    %ge3A_33 = arith.cmpf oge, %add3A_31, %ge3A_32 : vector<512x64xf32>
    %mul3A_34 = arith.constant 0.00999999977 : f32
    %mul3A_35 = vector.broadcast %mul3A_34 : f32 to vector<512x64xf32>
    %mul3A_36 = arith.mulf %mul3A_35, %add3A_31 : vector<512x64xf32>
    %select_n3A = arith.select %ge3A_33, %add3A_31, %mul3A_36 : vector<512x64xi1>, vector<512x64xf32>
    %swap3A = arith.constant 0 : index
    %swap3A_37 = arith.constant 0 : index
    %swap3A_38 = vector.load %arg6[%swap3A, %swap3A_37] : memref<512x64xf32, #tpu.memory_space<vmem>>, vector<512x64xf32>
    tpu.vector_store %arg6[%swap3A, %swap3A_37], %select_n3A {strides = array<i32>} : memref<512x64xf32, #tpu.memory_space<vmem>>, vector<512x64xf32>,
    return
  }
  func.func @transform_0(%arg0: i32) -> (i32, i32) {
    %c0_i32 = arith.constant 0 : i32
    %c0_i32_0 = arith.constant 0 : i32
    return %arg0, %c0_i32 : i32, i32
  }
  func.func @transform_1(%arg0: i32) -> (i32, i32) {
    %c0_i32 = arith.constant 0 : i32
    %c0_i32_0 = arith.constant 0 : i32
    %c0_i32_1 = arith.constant 0 : i32
    return %c0_i32, %c0_i32_0 : i32, i32
  }
  func.func @transform_2(%arg0: i32) -> (i32, i32) {
    %c0_i32 = arith.constant 0 : i32
    %c0_i32_0 = arith.constant 0 : i32
    %c0_i32_1 = arith.constant 0 : i32
    return %c0_i32, %c0_i32_0 : i32, i32
  }
  func.func @transform_3(%arg0: i32) -> i32 {
    %c0_i32 = arith.constant 0 : i32
    %c0_i32_0 = arith.constant 0 : i32
    return %c0_i32 : i32
  }
  func.func @transform_4(%arg0: i32) -> i32 {
    %c0_i32 = arith.constant 0 : i32
    %c0_i32_0 = arith.constant 0 : i32
    return %c0_i32 : i32
  }
  func.func @transform_5(%arg0: i32) -> (i32, i32) {
    %c0_i32 = arith.constant 0 : i32
    %c0_i32_0 = arith.constant 0 : i32
    return %arg0, %c0_i32 : i32, i32
  }
}

module attributes {stable_mosaic.version = 14 : i64} {
  func.func @_mm_body(%arg0: i32, %arg1: memref<512x64xf32, #tpu.memory_space<vmem>>, %arg2: memref<64x64xf32, #tpu.memory_space<vmem>>, %arg3: memref<512x64xf32, #tpu.memory_space<vmem>>) attributes {dimension_semantics = [#tpu.dimension_semantics<arbitrary>], iteration_bounds = array<i64: 98>, scalar_prefetch = 0 : i64, scratch_operands = 0 : i64, tpu.core_type = #tpu.core_type<tc>, window_params = [{transform_indices = @transform_0, window_bounds = array<i64: 512, 64>}, {pipeline_mode = #tpu.pipeline_mode<synchronous>, transform_indices = @transform_1, window_bounds = array<i64: 64, 64>}, {transform_indices = @transform_2, window_bounds = array<i64: 512, 64>}]} {
    %get3A = arith.constant 0 : index
    %get3A_0 = arith.constant 0 : index
    %get3A_1 = vector.load %arg1[%get3A, %get3A_0] : memref<512x64xf32, #tpu.memory_space<vmem>>, vector<512x64xf32>
    %get3A_2 = arith.constant 0 : index
    %get3A_3 = arith.constant 0 : index
    %get3A_4 = vector.load %arg2[%get3A_2, %get3A_3] : memref<64x64xf32, #tpu.memory_space<vmem>>, vector<64x64xf32>
    %dot_general3A = arith.constant dense<0.000000e+00> : vector<512x64xf32>
    %dot_general3A_5 = tpu.matmul %get3A_1, %get3A_4, %dot_general3A {dimension_numbers = #tpu.dot_dimension_numbers<[1], [0], [0], [1], [0, 0, 1, 1], [], []>, transpose_lhs_hint = false} : vector<512x64xf32>, vector<64x64xf32>, vector<512x64xf32> -> vector<512x64xf32>
    %swap3A = arith.constant 0 : index
    %swap3A_6 = arith.constant 0 : index
    %swap3A_7 = vector.load %arg3[%swap3A, %swap3A_6] : memref<512x64xf32, #tpu.memory_space<vmem>>, vector<512x64xf32>
    tpu.vector_store %arg3[%swap3A, %swap3A_6], %dot_general3A_5 {strides = array<i32>} : memref<512x64xf32, #tpu.memory_space<vmem>>, vector<512x64xf32>,
    return
  }
  func.func @transform_0(%arg0: i32) -> (i32, i32) {
    %c0_i32 = arith.constant 0 : i32
    %c0_i32_0 = arith.constant 0 : i32
    return %arg0, %c0_i32 : i32, i32
  }
  func.func @transform_1(%arg0: i32) -> (i32, i32) {
    %c0_i32 = arith.constant 0 : i32
    %c0_i32_0 = arith.constant 0 : i32
    %c0_i32_1 = arith.constant 0 : i32
    return %c0_i32, %c0_i32_0 : i32, i32
  }
  func.func @transform_2(%arg0: i32) -> (i32, i32) {
    %c0_i32 = arith.constant 0 : i32
    %c0_i32_0 = arith.constant 0 : i32
    return %arg0, %c0_i32 : i32, i32
  }
}

module attributes {stable_mosaic.version = 14 : i64} {
  func.func @_scale_body(%arg0: i32, %arg1: memref<32x512xf32, #tpu.memory_space<vmem>>, %arg2: memref<512x64xf32, #tpu.memory_space<vmem>>, %arg3: memref<512xf32, #tpu.memory_space<vmem>>, %arg4: memref<2x512x128xf32, #tpu.memory_space<vmem>>) attributes {dimension_semantics = [#tpu.dimension_semantics<arbitrary>], iteration_bounds = array<i64: 98>, scalar_prefetch = 0 : i64, scratch_operands = 0 : i64, tpu.core_type = #tpu.core_type<tc>, window_params = [{transform_indices = @transform_0, window_bounds = array<i64: 32, 512>}, {transform_indices = @transform_1, window_bounds = array<i64: 512, 64>}, {transform_indices = @transform_2, window_bounds = array<i64: 512>}, {transform_indices = @transform_3, window_bounds = array<i64: 2, 512, 128>}]} {
    %get3A = arith.constant 0 : index
    %get3A_0 = arith.constant 0 : index
    %get3A_1 = vector.load %arg1[%get3A, %get3A_0] : memref<32x512xf32, #tpu.memory_space<vmem>>, vector<32x512xf32>
    %reduce_sum3A = arith.constant dense<0.000000e+00> : vector<512xf32>
    %reduce_sum3A_2 = vector.multi_reduction <add>, %get3A_1, %reduce_sum3A [0] : vector<32x512xf32> to vector<512xf32>
    %add3A = arith.constant 1.000000e+00 : f32
    %add3A_3 = vector.broadcast %add3A : f32 to vector<512xf32>
    %add3A_4 = arith.addf %reduce_sum3A_2, %add3A_3 : vector<512xf32>
    %rsqrt3A = math.rsqrt %add3A_4 : vector<512xf32>
    %swap3A = arith.constant 0 : index
    %swap3A_5 = vector.load %arg3[%swap3A] : memref<512xf32, #tpu.memory_space<vmem>>, vector<512xf32>
    tpu.vector_store %arg3[%swap3A], %rsqrt3A {strides = array<i32>} : memref<512xf32, #tpu.memory_space<vmem>>, vector<512xf32>,
    %get3A_6 = arith.constant 0 : index
    %get3A_7 = arith.constant 0 : index
    %get3A_8 = vector.load %arg2[%get3A_6, %get3A_7] : memref<512x64xf32, #tpu.memory_space<vmem>>, vector<512x64xf32>
    %broadcast_in_dim3A = vector.shape_cast %rsqrt3A : vector<512xf32> to vector<512x1xf32>
    %mul3A = vector.broadcast %broadcast_in_dim3A : vector<512x1xf32> to vector<512x64xf32>
    %mul3A_9 = arith.mulf %get3A_8, %mul3A : vector<512x64xf32>
    %broadcast_in_dim3A_10 = arith.constant 0.000000e+00 : f32
    %broadcast_in_dim3A_11 = vector.broadcast %broadcast_in_dim3A_10 : f32 to vector<512x96xf32>
    %slice3A = vector.extract_strided_slice %mul3A_9 {offsets = [0, 0], sizes = [512, 32], strides = [1, 1]} : vector<512x64xf32> to vector<512x32xf32>
    %concatenate3A = tpu.concatenate %slice3A, %broadcast_in_dim3A_11 in 1 : vector<512x32xf32>, vector<512x96xf32> -> vector<512x128xf32>
    %swap3A_12 = arith.constant 0 : index
    %swap3A_13 = arith.constant 0 : index
    %swap3A_14 = arith.constant 0 : index
    %swap3A_15 = vector.load %arg4[%swap3A_12, %swap3A_13, %swap3A_14] : memref<2x512x128xf32, #tpu.memory_space<vmem>>, vector<1x512x128xf32>
    %swap3A_16 = vector.shape_cast %swap3A_15 : vector<1x512x128xf32> to vector<512x128xf32>
    %swap3A_17 = vector.shape_cast %concatenate3A : vector<512x128xf32> to vector<1x512x128xf32>
    tpu.vector_store %arg4[%swap3A_12, %swap3A_13, %swap3A_14], %swap3A_17 {strides = array<i32>} : memref<2x512x128xf32, #tpu.memory_space<vmem>>, vector<1x512x128xf32>,
    %slice3A_18 = vector.extract_strided_slice %mul3A_9 {offsets = [0, 32], sizes = [512, 32], strides = [1, 1]} : vector<512x64xf32> to vector<512x32xf32>
    %concatenate3A_19 = tpu.concatenate %slice3A_18, %broadcast_in_dim3A_11 in 1 : vector<512x32xf32>, vector<512x96xf32> -> vector<512x128xf32>
    %swap3A_20 = arith.constant 1 : index
    %swap3A_21 = arith.constant 0 : index
    %swap3A_22 = arith.constant 0 : index
    %swap3A_23 = vector.load %arg4[%swap3A_20, %swap3A_21, %swap3A_22] : memref<2x512x128xf32, #tpu.memory_space<vmem>>, vector<1x512x128xf32>
    %swap3A_24 = vector.shape_cast %swap3A_23 : vector<1x512x128xf32> to vector<512x128xf32>
    %swap3A_25 = vector.shape_cast %concatenate3A_19 : vector<512x128xf32> to vector<1x512x128xf32>
    tpu.vector_store %arg4[%swap3A_20, %swap3A_21, %swap3A_22], %swap3A_25 {strides = array<i32>} : memref<2x512x128xf32, #tpu.memory_space<vmem>>, vector<1x512x128xf32>,
    return
  }
  func.func @transform_0(%arg0: i32) -> (i32, i32) {
    %c0_i32 = arith.constant 0 : i32
    %c0_i32_0 = arith.constant 0 : i32
    return %c0_i32, %arg0 : i32, i32
  }
  func.func @transform_1(%arg0: i32) -> (i32, i32) {
    %c0_i32 = arith.constant 0 : i32
    %c0_i32_0 = arith.constant 0 : i32
    return %arg0, %c0_i32 : i32, i32
  }
  func.func @transform_2(%arg0: i32) -> i32 {
    %c0_i32 = arith.constant 0 : i32
    return %arg0 : i32
  }
  func.func @transform_3(%arg0: i32) -> (i32, i32, i32) {
    %c0_i32 = arith.constant 0 : i32
    %c0_i32_0 = arith.constant 0 : i32
    %c0_i32_1 = arith.constant 0 : i32
    return %c0_i32, %arg0, %c0_i32_0 : i32, i32, i32
  }
}

module attributes {stable_mosaic.version = 14 : i64} {
  func.func @_epiB_body(%arg0: i32, %arg1: memref<512x64xf32, #tpu.memory_space<vmem>>, %arg2: memref<8x64xf32, #tpu.memory_space<vmem>>, %arg3: memref<8x64xf32, #tpu.memory_space<vmem>>, %arg4: memref<64xf32, #tpu.memory_space<vmem>>, %arg5: memref<64xf32, #tpu.memory_space<vmem>>, %arg6: memref<512x64xf32, #tpu.memory_space<vmem>>) attributes {dimension_semantics = [#tpu.dimension_semantics<arbitrary>], iteration_bounds = array<i64: 98>, scalar_prefetch = 0 : i64, scratch_operands = 0 : i64, tpu.core_type = #tpu.core_type<tc>, window_params = [{transform_indices = @transform_0, window_bounds = array<i64: 512, 64>}, {pipeline_mode = #tpu.pipeline_mode<synchronous>, transform_indices = @transform_1, window_bounds = array<i64: 8, 64>}, {pipeline_mode = #tpu.pipeline_mode<synchronous>, transform_indices = @transform_2, window_bounds = array<i64: 8, 64>}, {pipeline_mode = #tpu.pipeline_mode<synchronous>, transform_indices = @transform_3, window_bounds = array<i64: 64>}, {pipeline_mode = #tpu.pipeline_mode<synchronous>, transform_indices = @transform_4, window_bounds = array<i64: 64>}, {transform_indices = @transform_5, window_bounds = array<i64: 512, 64>}]} {
    %get3A = arith.constant 0 : index
    %get3A_0 = arith.constant 0 : index
    %get3A_1 = vector.load %arg2[%get3A, %get3A_0] : memref<8x64xf32, #tpu.memory_space<vmem>>, vector<8x64xf32>
    %reduce_sum3A = arith.constant dense<0.000000e+00> : vector<64xf32>
    %reduce_sum3A_2 = vector.multi_reduction <add>, %get3A_1, %reduce_sum3A [0] : vector<8x64xf32> to vector<64xf32>
    %get3A_3 = arith.constant 0 : index
    %get3A_4 = arith.constant 0 : index
    %get3A_5 = vector.load %arg3[%get3A_3, %get3A_4] : memref<8x64xf32, #tpu.memory_space<vmem>>, vector<8x64xf32>
    %reduce_sum3A_6 = arith.constant dense<0.000000e+00> : vector<64xf32>
    %reduce_sum3A_7 = vector.multi_reduction <add>, %get3A_5, %reduce_sum3A_6 [0] : vector<8x64xf32> to vector<64xf32>
    %mul3A = arith.constant 2.000000e-05 : f32
    %mul3A_8 = vector.broadcast %mul3A : f32 to vector<64xf32>
    %mul3A_9 = arith.mulf %reduce_sum3A_2, %mul3A_8 : vector<64xf32>
    %mul3A_10 = arith.constant 2.000000e-05 : f32
    %mul3A_11 = vector.broadcast %mul3A_10 : f32 to vector<64xf32>
    %mul3A_12 = arith.mulf %reduce_sum3A_7, %mul3A_11 : vector<64xf32>
    %mul3A_13 = arith.mulf %mul3A_9, %mul3A_9 : vector<64xf32>
    %sub3A = arith.subf %mul3A_12, %mul3A_13 : vector<64xf32>
    %add3A = arith.constant 9.99999974E-6 : f32
    %add3A_14 = vector.broadcast %add3A : f32 to vector<64xf32>
    %add3A_15 = arith.addf %sub3A, %add3A_14 : vector<64xf32>
    %rsqrt3A = math.rsqrt %add3A_15 : vector<64xf32>
    %get3A_16 = arith.constant 0 : index
    %get3A_17 = vector.load %arg4[%get3A_16] : memref<64xf32, #tpu.memory_space<vmem>>, vector<64xf32>
    %mul3A_18 = arith.mulf %rsqrt3A, %get3A_17 : vector<64xf32>
    %get3A_19 = arith.constant 0 : index
    %get3A_20 = arith.constant 0 : index
    %get3A_21 = vector.load %arg1[%get3A_19, %get3A_20] : memref<512x64xf32, #tpu.memory_space<vmem>>, vector<512x64xf32>
    %broadcast_in_dim3A = vector.shape_cast %mul3A_9 : vector<64xf32> to vector<1x64xf32>
    %sub3A_22 = vector.broadcast %broadcast_in_dim3A : vector<1x64xf32> to vector<512x64xf32>
    %sub3A_23 = arith.subf %get3A_21, %sub3A_22 : vector<512x64xf32>
    %broadcast_in_dim3A_24 = vector.shape_cast %mul3A_18 : vector<64xf32> to vector<1x64xf32>
    %mul3A_25 = vector.broadcast %broadcast_in_dim3A_24 : vector<1x64xf32> to vector<512x64xf32>
    %mul3A_26 = arith.mulf %sub3A_23, %mul3A_25 : vector<512x64xf32>
    %get3A_27 = arith.constant 0 : index
    %get3A_28 = vector.load %arg5[%get3A_27] : memref<64xf32, #tpu.memory_space<vmem>>, vector<64xf32>
    %broadcast_in_dim3A_29 = vector.shape_cast %get3A_28 : vector<64xf32> to vector<1x64xf32>
    %add3A_30 = vector.broadcast %broadcast_in_dim3A_29 : vector<1x64xf32> to vector<512x64xf32>
    %add3A_31 = arith.addf %mul3A_26, %add3A_30 : vector<512x64xf32>
    %ge3A = arith.constant 0.000000e+00 : f32
    %ge3A_32 = vector.broadcast %ge3A : f32 to vector<512x64xf32>
    %ge3A_33 = arith.cmpf oge, %add3A_31, %ge3A_32 : vector<512x64xf32>
    %mul3A_34 = arith.constant 0.00999999977 : f32
    %mul3A_35 = vector.broadcast %mul3A_34 : f32 to vector<512x64xf32>
    %mul3A_36 = arith.mulf %mul3A_35, %add3A_31 : vector<512x64xf32>
    %select_n3A = arith.select %ge3A_33, %add3A_31, %mul3A_36 : vector<512x64xi1>, vector<512x64xf32>
    %swap3A = arith.constant 0 : index
    %swap3A_37 = arith.constant 0 : index
    %swap3A_38 = vector.load %arg6[%swap3A, %swap3A_37] : memref<512x64xf32, #tpu.memory_space<vmem>>, vector<512x64xf32>
    tpu.vector_store %arg6[%swap3A, %swap3A_37], %select_n3A {strides = array<i32>} : memref<512x64xf32, #tpu.memory_space<vmem>>, vector<512x64xf32>,
    return
  }
  func.func @transform_0(%arg0: i32) -> (i32, i32) {
    %c0_i32 = arith.constant 0 : i32
    %c0_i32_0 = arith.constant 0 : i32
    return %arg0, %c0_i32 : i32, i32
  }
  func.func @transform_1(%arg0: i32) -> (i32, i32) {
    %c0_i32 = arith.constant 0 : i32
    %c0_i32_0 = arith.constant 0 : i32
    %c0_i32_1 = arith.constant 0 : i32
    return %c0_i32, %c0_i32_0 : i32, i32
  }
  func.func @transform_2(%arg0: i32) -> (i32, i32) {
    %c0_i32 = arith.constant 0 : i32
    %c0_i32_0 = arith.constant 0 : i32
    %c0_i32_1 = arith.constant 0 : i32
    return %c0_i32, %c0_i32_0 : i32, i32
  }
  func.func @transform_3(%arg0: i32) -> i32 {
    %c0_i32 = arith.constant 0 : i32
    %c0_i32_0 = arith.constant 0 : i32
    return %c0_i32 : i32
  }
  func.func @transform_4(%arg0: i32) -> i32 {
    %c0_i32 = arith.constant 0 : i32
    %c0_i32_0 = arith.constant 0 : i32
    return %c0_i32 : i32
  }
  func.func @transform_5(%arg0: i32) -> (i32, i32) {
    %c0_i32 = arith.constant 0 : i32
    %c0_i32_0 = arith.constant 0 : i32
    return %arg0, %c0_i32 : i32, i32
  }
}

</mosaic_0001>

<sc_bundles>
// kernel: kernel.13.cloned.1.call-start
scs
__scs_entry_jumppad:
0x0: {  	(pc) =	sbr.rel $0x88, $3  }
0x1: {  	(tag) =	ssettag $0x0;
	lr =	simm.s32 $0x1  }
0x2: {  	[smem:$0x3F97] =	sst lr;
	_ =	strace $0xD0000000  }
0x3: {  	_ = 	snop  }
0x4: {  	_ = 	snop  }
0x5: {  	_ = 	snop  }
0x6: {  	_ = 	snop  }
0x7: {  	_ = 	snop  }
__scs_overlays_trampoline_lowered:
0x8: {  	[smem:$0x3FA6] =	sst s0  }
0x9: {  	[smem:$0x3FA7] =	sst s1  }
0xa: {  	[smem:$0x3FA8] =	sst s2  }
0xb: {  	[smem:$0x3FA9] =	sst s3  }
0xc: {  	[smem:$0x3FAA] =	sst s4  }
0xd: {  	[smem:$0x3FAB] =	sst s5  }
0xe: {  	[smem:$0x3FAC] =	sst s6  }
0xf: {  	[smem:$0x3FAD] =	sst s7  }
0x10: {  	[smem:$0x3FAE] =	sst s8  }
0x11: {  	[smem:$0x3FAF] =	sst s9;
	s0 =	simm.s32 @!p0 $0x0  }
0x12: {  	s1 =	sld [smem:$0x3F95];
	s0 =	simm.s32 @p0 $0x1  }
0x13: {  	[smem:$0x3FB0] =	sst s0;
	s0 =	simm.s32 @!p1 $0x0  }
0x14: {  	s2 =	sld [smem:$0x3F94];
	s0 =	simm.s32 @p1 $0x1  }
0x15: {  	[smem:$0x3FB1] =	sst s0;
	s0 =	simm.s32 @!p2 $0x0  }
0x16: {  	s3 =	sld [smem:$0x3FDB];
	s0 =	simm.s32 @p2 $0x1  }
0x17: {  	s4 =	simm.s32 $0x1BF5;
	[smem:$0x3FB3] =	sst s0  }
0x18: {  	s0 =	sld [smem:$0x3F96];
	_ =	swait.ge [sflag:s4], $0x0  }
0x19: {  	s7 =	sld [smem:$0x3F97]  }
0x1a: {  	s8 =	sadd.s32 $0xFFFFE003, lr  }
0x1b: {  	s9 =	sadd.s32 $0xFFFFFEF7, lr;
	s5 =	simm.s32 $0xFFFFFFFF;
	p2 =	slt.u32 s8, $0xFFFFF086  }
0x1c: {  	p1 =	slt.u32 s9, $0xF7A;
	s5 =	simm.s32 @!p2 $0x0  }
0x1d: {  	s5 =	simm.s32 @p1 $0x1;
	p0 =	seq.s32 s7, s2  }
0x1e: {  	s7 =	smul.u32 @!p0 $0xF7A, s2;
	p2 =	seq.s32 @!p0 s5, $0x0  }
0x1f: {  	s9 =	smul.u32 $0xF7A, s1;
	s8 =	simm.s32 @!p0 $0x1BF5;
	p2 =	por !p2, p0  }
0x20: {  	[sflag:s8] =	ssyncset.s32 @!p0 $0xFFFFF086;
	s6 =	sadd.s32 @!p0 s3, s7;
	s7 =	simm.s32 @!p0 $0x108  }
0x21: {  	s3 =	sadd.s32 s3, s9;
	s6 =	sadd.s32 @!p0 $0x88, s6;
	s7 =	simm.s32 @p2 $0x1082  }
0x22: {  	[simem:s7], [sflag:s8] =	dma.local @!p0 [hbm:s6], $0xF7A  }
0x23: {  	s9 =	sor.u32 $0xD0000000, s2;
	s6 =	simm.s32 $0x108;
	_ =	swait.ge @!p0 [sflag:s8], $0x0  }
0x24: {  	s3 =	sadd.s32 $0x88, s3;
	s6 =	simm.s32 @!p1 $0x1082;
	[sflag:s4] =	ssyncset.s32 $0xFFFFF086  }
0x25: {  	[simem:s6], [sflag:s4] =	dma.local [hbm:s3], $0xF7A  }
0x26: {  	[smem:$0x3F97] =	sst s1;
	(tag) =	ssettag s2;
	_ =	strace s9  }
0x27: {  	s1 =	sld [smem:$0x3FA7]  }
0x28: {  	s2 =	sld [smem:$0x3FA8]  }
0x29: {  	s4 =	sld [smem:$0x3FAA]  }
0x2a: {  	p0 =	seq.s32 s5, $0x0;
	s5 =	sld [smem:$0x3FAB]  }
0x2b: {  	s6 =	sld [smem:$0x3FAC]  }
0x2c: {  	s7 =	sld [smem:$0x3FAD]  }
0x2d: {  	s3 =	simm.s32 $0x108;
	s8 =	sld [smem:$0x3FAE]  }
0x2e: {  	s3 =	simm.s32 @!p0 $0x1082;
	s9 =	sld [smem:$0x3FAF]  }
0x2f: {  	lr =	sadd.s32 s0, s3;
	s0 =	sld [smem:$0x3FA6]  }
0x30: {  	s3 =	sld [smem:$0x3FA9]  }
0x31: {  	[smem:$0x3FB2] =	sst s10  }
0x32: {  	s10 =	sld [smem:$0x3FB0];
	_ =	sdelay $0x3  }
0x33: {  	p0 =	seq.s32 s10, $0x1;
	s10 =	sld [smem:$0x3FB2];
	_ =	sdelay $0x3  }
0x34: {  	[smem:$0x3FB2] =	sst s10  }
0x35: {  	s10 =	sld [smem:$0x3FB1];
	_ =	sdelay $0x3  }
0x36: {  	p1 =	seq.s32 s10, $0x1;
	s10 =	sld [smem:$0x3FB2];
	_ =	sdelay $0x3  }
0x37: {  	[smem:$0x3FB2] =	sst s10  }
0x38: {  	s10 =	sld [smem:$0x3FB3]  }
0x39: {  	_ = 	snop;
	(pc) =	sbr.ind lr, $3  }
0x3a: {  	_ = 	snop  }
0x3b: {  	_ = 	snop  }
0x3c: {  	p2 =	seq.s32 s10, $0x1;
	s10 =	sld [smem:$0x3FB2]  }
0x3d: {  	_ =	shalt  }
0x3e: {  	_ =	shalt  }
0x3f: {  	_ =	shalt  }
0x40: {  	_ =	shalt  }
0x41: {  	_ =	shalt  }
0x42: {  	_ =	shalt  }
0x43: {  	_ =	shalt  }
0x44: {  	_ =	shalt  }
0x45: {  	_ =	shalt  }
0x46: {  	_ =	shalt  }
0x47: {  	_ =	shalt  }
0x48: {  	_ =	shalt  }
0x49: {  	_ =	shalt  }
0x4a: {  	_ =	shalt  }
0x4b: {  	_ =	shalt  }
0x4c: {  	_ =	shalt  }
0x4d: {  	_ =	shalt  }
0x4e: {  	_ =	shalt  }
0x4f: {  	_ =	shalt  }
0x50: {  	_ =	shalt  }
0x51: {  	_ =	shalt  }
0x52: {  	_ =	shalt  }
0x53: {  	_ =	shalt  }
0x54: {  	_ =	shalt  }
0x55: {  	_ =	shalt  }
0x56: {  	_ =	shalt  }
0x57: {  	_ =	shalt  }
0x58: {  	_ =	shalt  }
0x59: {  	_ =	shalt  }
0x5a: {  	_ =	shalt  }
0x5b: {  	_ =	shalt  }
0x5c: {  	_ =	shalt  }
0x5d: {  	_ =	shalt  }
0x5e: {  	_ =	shalt  }
0x5f: {  	_ =	shalt  }
0x60: {  	_ =	shalt  }
0x61: {  	_ =	shalt  }
0x62: {  	_ =	shalt  }
0x63: {  	_ =	shalt  }
0x64: {  	_ =	shalt  }
0x65: {  	_ =	shalt  }
0x66: {  	_ =	shalt  }
0x67: {  	_ =	shalt  }
0x68: {  	_ =	shalt  }
0x69: {  	_ =	shalt  }
0x6a: {  	_ =	shalt  }
0x6b: {  	_ =	shalt  }
0x6c: {  	_ =	shalt  }
0x6d: {  	_ =	shalt  }
0x6e: {  	_ =	shalt  }
0x6f: {  	_ =	shalt  }
0x70: {  	_ =	shalt  }
0x71: {  	_ =	shalt  }
0x72: {  	_ =	shalt  }
0x73: {  	_ =	shalt  }
0x74: {  	_ =	shalt  }
0x75: {  	_ =	shalt  }
0x76: {  	_ =	shalt  }
0x77: {  	_ =	shalt  }
0x78: {  	_ =	shalt  }
0x79: {  	_ =	shalt  }
0x7a: {  	_ =	shalt  }
0x7b: {  	_ =	shalt  }
0x7c: {  	_ =	shalt  }
0x7d: {  	_ =	shalt  }
0x7e: {  	_ =	shalt  }
0x7f: {  	_ =	shalt  }
0x80: {  	_ =	shalt  }
0x81: {  	_ =	shalt  }
0x82: {  	_ =	shalt  }
0x83: {  	_ =	shalt  }
0x84: {  	_ =	shalt  }
0x85: {  	_ =	shalt  }
0x86: {  	_ =	shalt  }
0x87: {  	_ =	shalt  }
.Lfunc_end0:
.L_simem_size_0:
called_computation_lowered:
.L_overlay_start_0:
0x88: {  	s2 =	sld [smem:$0x3FD9]  }
0x89: {  	s3 =	sld [smem:$0x3FFE];
	_ =	sdelay $0x1  }
0x8a: {  	s1 =	srdreg.scid  }
0x8b: {  	s0 =	sand.u32 $0x1, s1  }
0x8c: {  	s17 =	sshll.u32 s0, $0xA;
	s2 =	sadd.s32 s3, s2  }
0x8d: {  	s2 =	sadd.s32 s2, s17  }
0x8e: {  	[smem:$0x3FBE] =	sst s2  }
0x8f: {  	_ = 	snop  }
0x90: {  	s2 =	sld [smem:$0x3FD0];
	(tm) =	ssettm $0x1  }
0x91: {  	s18 =	sld [smem:$0x3FFB];
	_ =	sdelay $0x3  }
0x92: {  	_ =	strace s18  }
0x93: {  	s3 =	sld [smem:$0x3FFC];
	_ =	sdelay $0x3  }
0x94: {  	_ =	strace s3  }
0x95: {  	s3 =	sld [smem:$0x3FFD];
	_ =	sdelay $0x3  }
0x96: {  	_ =	strace s3  }
0x97: {  	_ =	strace $0x8FFFFFFF  }
0x98: {  	s19 =	sld [smem:$0x3FDB];
	_ =	sdelay $0x1  }
0x99: {  	s4 =	simm.s32 $_scs_section_size  }
0x9a: {  	s5 =	simm.s32 $_size__tile_overlayer_lowered;
	s6 =	simm.s32 $_tile_overlayer_lowered  }
0x9b: {  	s22 =	simm.s32 $0x1BFF;
	s21 =	sshll.u32 s6, $0x1;
	s3 =	sadd.s32 s4, s19  }
0x9c: {  	s7 =	simm.s32 $0x0;
	s20 =	sshll.u32 s5, $0x1;
	s5 =	sadd.s32 s21, s3  }
0x9d: {  	[timem:s7], [sflag:s22] =	dma.local [hbm:s5], s20  }
0x9e: {  	_ =	swait.ge [sflag:s22], s20  }
0x9f: {  	s4 =	ssub.s32 $0x0, s20;
	[sflag:s22] =	ssyncset.done $0x0  }
0xa0: {  	[sflag:s22] =	ssyncadd.s32 s4;
	_ =	sdelay $0x1  }
0xa1: {  	s23 =	simm.s32 $0x1B8B  }
0xa2: {  	_ =	swait.ge [sflag:s23], $0x1  }
0xa3: {  	[sflag:s23] =	ssyncset.done $0x0  }
0xa4: {  	s25 =	simm.s32 $0x1B8E;
	s24 =	sld [smem:$0x3FFE];
	[sflag:s23] =	ssyncadd.s32 $0xFFFFFFFF  }
0xa5: {  	s26 =	simm.s32 $execute0_lowered;
	[smem:$0x3FD2] =	sst s25  }
0xa6: {  	s5 =	sshll.u32 s26, $0x1;
	_ =	strace $0x80000046;
	[dreg:$0x1] =	wrdreg $0xFFFFFFFF  }
0xa7: {  	s28 =	simm.s32 $_size_execute0_lowered;
	s3 =	sadd.s32 s3, s5;
	[dreg:$0x0] =	wrdreg $0x0  }
0xa8: {  	s5 =	sshll.u32 s28, $0x1;
	[dreg:$0x2] =	wrdreg s3  }
0xa9: {  	[dreg:$0x3] =	wrdreg s5  }
0xaa: {  	[dreg:$0x4] =	wrdreg $0xC0  }
0xab: {  	_ =	task [dreg:s7], $0x5FFFF  }
0xac: {  	[dreg:$0x1] =	wrdreg $0xFFFFFFFF  }
0xad: {  	[dreg:$0x0] =	wrdreg $0x60  }
0xae: {  	[dreg:$0x2] =	wrdreg s24  }
0xaf: {  	[dreg:$0x3] =	wrdreg s2  }
0xb0: {  	[dreg:$0x4] =	wrdreg $0x9  }
0xb1: {  	_ =	task.clear_ibuf [dreg:s7], $0x5FFFF;
	_ =	strace $0x90000046  }
0xb2: {  	s29 =	simm.s32 $0x9;
	_ =	strace $0x80000048  }
0xb3: {  	_ =	swait.ge [sflag:s29], $0x1  }
0xb4: {  	[sflag:s29] =	ssyncadd.s32 $0xFFFFFFFF  }
0xb5: {  	_ =	strace $0x90000048  }
0xb6: {  	_ =	sfence  }
0xb7: {  	s30 =	sld [smem:$0x0];
	_ =	sdelay $0x2  }
0xb8: {  	s31 =	sshll.u32 s1, $0xD;
	s1 =	sshrl.u32 s1, $0x2  }
0xb9: {  	s3 =	sand.u32 $0x4000, s31;
	s1 =	sadd.s32 s1, s30  }
0xba: {  	s0 =	sor.u32 s3, s0;
	s1 =	sshll.u32 s1, $0x11  }
0xbb: {  	s0 =	sor.u32 s1, s0  }
0xbc: {  	s0 =	sadd.s32 $0x8F2B, s0  }
0xbd: {  	[sflag:s0] =	ssyncadd.remote.s32 $0x1  }
0xbe: {  	_ =	sfence.sel $0xFFFF  }
0xbf: {  	[dreg:$0x0] =	wrdreg $0xFFFFFFFF;
	(pc) =	sbr.abs _section_cstart, $3  }
0xc0: {  	[dreg:$0x1] =	wrdreg $0xFFFFFFFF  }
0xc1: {  	_ =	task.clear_ibuf [dreg:s7], $0x2FFFF;
	_ =	strace $0x9FFFFFFF  }
0xc2: {  	(tm) =	ssettm $0x7FFFFFFF  }
0xc3: {  	_ =	shalt  }
tec
execute0_lowered:
.L_overlay_start_1:
0x0: {  	(tag) =	ssettag $0x1  }
0x1: {  	s0 =	srdreg.scid  }
0x2: {  	s3 =	rddreg [dreg:$0x0];
	s4 =	sand.u32 $0x1, s0  }
0x3: {  	s5 =	rddreg [dreg:$0x1];
	s1 =	stileid.u32;
	s2 =	sshll.u32 s4, $0x4  }
0x4: {  	s0 =	rddreg [dreg:$0x2];
	s6 =	sor.u32 s1, s2  }
0x5: {  	s4 =	ssub.s32 $0x2, s4;
	s2 =	simm.s32 $0x0;
	s7 =	smul.u32 $0xC80, s6  }
0x6: {  	s8 =	sshrl.u32 s4, $0x1;
	[smem:$0x7FF] =	sst s2;
	s6 =	smul.u32 $0x1880, s6  }
0x7: {  	s31 =	ssub.s32 s4, s8;
	s8 =	simm.s32 $0x0;
	_ =	strace $0x80000047  }
0x8: {  	s3 =	sadd.s32 s7, s3;
	s4 =	sadd.s32 s5, s6;
	s5 =	smax.u32 s31, $0x1  }
0x9: {  	v0 =	vimm.f32 $0.0e+00;
	v1 =	vimm.f32 $1.000000000e+00;
	s6 =	simm.s32 $0x1;
	s7 =	simm.s32 $0x6400;
	s3 =	sadd.s32 $0x3E00, s3  }
.LBB2_1:
0xa: {  	[tilespmem:s2], [sflag:$0x1] =	stream.linear.gather [hbm4b:s3+s2], $0x6400, $0x38;
	[tilespmem:$0x12800] =	vst v63  }
0xb: {  	_ =	swait.ge [sflag:s6], $0x6400  }
0xc: {  	[sflag:s6] =	ssyncset.done $0x0  }
0xd: {  	s9 =	simm.s32 $0x0;
	[sflag:s6] =	ssyncadd.s32 $0xFFFF9C00  }
.LBB2_2:
0xe: {  	p0 =	sne.s32 s9, $0x30FC0  }
.Ltmp0:
0xf: {  	_ = 	snop;
	(pc) =	sbr.rel @p0 .LBB2_2-.Ltmp0, $3  }
0x10: {  	_ =	sdelay $0x1  }
0x11: {  	s10 =	sshra.s32 s9, $0x2  }
0x12: {  	s9 =	sadd.s32 $0x40, s9;
	[tilespmem:s10+$0x6400] =	vst v0  }
0x13: {  	s10 =	simm.s32 $0x0;
	s9 =	simm.s32 $0x40  }
.LBB2_4:
0x14: {  	p0 =	sne.s32 s9, $0x18FC0;
	v2 =	vld [tilespmem:s10+$0x0];
	_ =	sdelay $0x3  }
.Ltmp1:
0x15: {  	(pc) =	sbr.rel @p0 .LBB2_4-.Ltmp1, $2  }
0x16: {  	_ =	sdelay $0x2  }
0x17: {  	s10 =	sshra.s32 s9, $0x2;
	s9 =	sadd.s32 $0x40, s9;
	[tilespmem:v2+s7+$0x0] =	vst.idx.add.f32.msk $0xffff, v1  }
0x18: {  	v2 =	vld [tilespmem:s10+$0x0];
	_ =	sdelay $0x5  }
0x19: {  	s8 =	sadd.s32 $0x1, s8  }
0x1a: {  	p0 =	sne.s32 s8, s5  }
.Ltmp2:
0x1b: {  	[tilespmem:v2+s7+$0x0] =	vst.idx.add.f32.msk $0xffff, v1;
	(pc) =	sbr.rel @p0 .LBB2_1-.Ltmp2, $4  }
0x1c: {  	[hbm4b:s4+s2] =	stream.linear.scatter [tilespmem:s7], [sflag:$0x1], $0xC400, $0x38;
	[tilespmem:$0x12800] =	vst v63  }
0x1d: {  	_ =	swait.ge [sflag:s6], $0xC400  }
0x1e: {  	[sflag:s6] =	ssyncset.done $0x0  }
0x1f: {  	[sflag:s6] =	ssyncadd.s32 $0xFFFF3C00  }
0x20: {  	_ =	sfence.sel $0x180000  }
0x21: {  	[bflag:$0x0] =	sbarrier.arrive $0xFFFF  }
0x22: {  	p0 =	sne.s32 s1, $0x0;
	_ =	strace $0x90000047  }
0x23: {  	s0 =	sadd.s32 @!p0 $0x100000, s0;
	[bflag:$0x2] =	sbarrier.arrive $0xFFFF  }
0x24: {  	[sflag:s0] =	ssyncadd.tile.s32 @!p0 $0x1;
	_ =	shalt  }
.Lfunc_end2:
_tile_overlayer_lowered:
.L_overlay_start_2:
0x25: {  	(tag) =	ssettag $0x2  }
0x26: {  	s0 =	rddreg [dreg:$0x0];
	s2 =	stileid.u32  }
0x27: {  	s1 =	rddreg [dreg:$0x1];
	p0 =	sne.s32 s2, $0x0  }
0x28: {  	s3 =	rddreg [dreg:$0x2];
	[bflag:$0x3] =	sbarrier.arrive $0xFFFF;
	s2 =	simm.s32 @!p0 $0x1C01  }
0x29: {  	[timem:s3], [sflag:s2] =	dma.local @!p0 [hbm:s0], s1  }
0x2a: {  	s0 =	simm.s32 @!p0 $0x1  }
0x2b: {  	_ =	swait.ge @!p0 [sflag:s0], s1  }
0x2c: {  	s1 =	ssub.s32 @!p0 $0x0, s1;
	[sflag:s0] =	ssyncset.done @!p0 $0x0  }
0x2d: {  	[sflag:s0] =	ssyncadd.s32 @!p0 s1  }
0x2e: {  	[bflag:$0x3] =	sbarrier.arrive $0xFFFF  }
0x2f: {  	_ =	shalt  }

// kernel: kernel.16.cloned.1.call-start
scs
__scs_entry_jumppad:
0x0: {  	(pc) =	sbr.rel $0x88, $3  }
0x1: {  	(tag) =	ssettag $0x0;
	lr =	simm.s32 $0x1  }
0x2: {  	[smem:$0x3F97] =	sst lr;
	_ =	strace $0xD0000000  }
0x3: {  	_ = 	snop  }
0x4: {  	_ = 	snop  }
0x5: {  	_ = 	snop  }
0x6: {  	_ = 	snop  }
0x7: {  	_ = 	snop  }
__scs_overlays_trampoline_lowered:
0x8: {  	[smem:$0x3FA6] =	sst s0  }
0x9: {  	[smem:$0x3FA7] =	sst s1  }
0xa: {  	[smem:$0x3FA8] =	sst s2  }
0xb: {  	[smem:$0x3FA9] =	sst s3  }
0xc: {  	[smem:$0x3FAA] =	sst s4  }
0xd: {  	[smem:$0x3FAB] =	sst s5  }
0xe: {  	[smem:$0x3FAC] =	sst s6  }
0xf: {  	[smem:$0x3FAD] =	sst s7  }
0x10: {  	[smem:$0x3FAE] =	sst s8  }
0x11: {  	[smem:$0x3FAF] =	sst s9;
	s0 =	simm.s32 @!p0 $0x0  }
0x12: {  	s1 =	sld [smem:$0x3F95];
	s0 =	simm.s32 @p0 $0x1  }
0x13: {  	[smem:$0x3FB0] =	sst s0;
	s0 =	simm.s32 @!p1 $0x0  }
0x14: {  	s2 =	sld [smem:$0x3F94];
	s0 =	simm.s32 @p1 $0x1  }
0x15: {  	[smem:$0x3FB1] =	sst s0;
	s0 =	simm.s32 @!p2 $0x0  }
0x16: {  	s3 =	sld [smem:$0x3FDB];
	s0 =	simm.s32 @p2 $0x1  }
0x17: {  	s4 =	simm.s32 $0x1BF5;
	[smem:$0x3FB3] =	sst s0  }
0x18: {  	s0 =	sld [smem:$0x3F96];
	_ =	swait.ge [sflag:s4], $0x0  }
0x19: {  	s7 =	sld [smem:$0x3F97]  }
0x1a: {  	s8 =	sadd.s32 $0xFFFFE003, lr  }
0x1b: {  	s9 =	sadd.s32 $0xFFFFFEF7, lr;
	s5 =	simm.s32 $0xFFFFFFFF;
	p2 =	slt.u32 s8, $0xFFFFF086  }
0x1c: {  	p1 =	slt.u32 s9, $0xF7A;
	s5 =	simm.s32 @!p2 $0x0  }
0x1d: {  	s5 =	simm.s32 @p1 $0x1;
	p0 =	seq.s32 s7, s2  }
0x1e: {  	s7 =	smul.u32 @!p0 $0xF7A, s2;
	p2 =	seq.s32 @!p0 s5, $0x0  }
0x1f: {  	s9 =	smul.u32 $0xF7A, s1;
	s8 =	simm.s32 @!p0 $0x1BF5;
	p2 =	por !p2, p0  }
0x20: {  	[sflag:s8] =	ssyncset.s32 @!p0 $0xFFFFF086;
	s6 =	sadd.s32 @!p0 s3, s7;
	s7 =	simm.s32 @!p0 $0x108  }
0x21: {  	s3 =	sadd.s32 s3, s9;
	s6 =	sadd.s32 @!p0 $0x88, s6;
	s7 =	simm.s32 @p2 $0x1082  }
0x22: {  	[simem:s7], [sflag:s8] =	dma.local @!p0 [hbm:s6], $0xF7A  }
0x23: {  	s9 =	sor.u32 $0xD0000000, s2;
	s6 =	simm.s32 $0x108;
	_ =	swait.ge @!p0 [sflag:s8], $0x0  }
0x24: {  	s3 =	sadd.s32 $0x88, s3;
	s6 =	simm.s32 @!p1 $0x1082;
	[sflag:s4] =	ssyncset.s32 $0xFFFFF086  }
0x25: {  	[simem:s6], [sflag:s4] =	dma.local [hbm:s3], $0xF7A  }
0x26: {  	[smem:$0x3F97] =	sst s1;
	(tag) =	ssettag s2;
	_ =	strace s9  }
0x27: {  	s1 =	sld [smem:$0x3FA7]  }
0x28: {  	s2 =	sld [smem:$0x3FA8]  }
0x29: {  	s4 =	sld [smem:$0x3FAA]  }
0x2a: {  	p0 =	seq.s32 s5, $0x0;
	s5 =	sld [smem:$0x3FAB]  }
0x2b: {  	s6 =	sld [smem:$0x3FAC]  }
0x2c: {  	s7 =	sld [smem:$0x3FAD]  }
0x2d: {  	s3 =	simm.s32 $0x108;
	s8 =	sld [smem:$0x3FAE]  }
0x2e: {  	s3 =	simm.s32 @!p0 $0x1082;
	s9 =	sld [smem:$0x3FAF]  }
0x2f: {  	lr =	sadd.s32 s0, s3;
	s0 =	sld [smem:$0x3FA6]  }
0x30: {  	s3 =	sld [smem:$0x3FA9]  }
0x31: {  	[smem:$0x3FB2] =	sst s10  }
0x32: {  	s10 =	sld [smem:$0x3FB0];
	_ =	sdelay $0x3  }
0x33: {  	p0 =	seq.s32 s10, $0x1;
	s10 =	sld [smem:$0x3FB2];
	_ =	sdelay $0x3  }
0x34: {  	[smem:$0x3FB2] =	sst s10  }
0x35: {  	s10 =	sld [smem:$0x3FB1];
	_ =	sdelay $0x3  }
0x36: {  	p1 =	seq.s32 s10, $0x1;
	s10 =	sld [smem:$0x3FB2];
	_ =	sdelay $0x3  }
0x37: {  	[smem:$0x3FB2] =	sst s10  }
0x38: {  	s10 =	sld [smem:$0x3FB3]  }
0x39: {  	_ = 	snop;
	(pc) =	sbr.ind lr, $3  }
0x3a: {  	_ = 	snop  }
0x3b: {  	_ = 	snop  }
0x3c: {  	p2 =	seq.s32 s10, $0x1;
	s10 =	sld [smem:$0x3FB2]  }
0x3d: {  	_ =	shalt  }
0x3e: {  	_ =	shalt  }
0x3f: {  	_ =	shalt  }
0x40: {  	_ =	shalt  }
0x41: {  	_ =	shalt  }
0x42: {  	_ =	shalt  }
0x43: {  	_ =	shalt  }
0x44: {  	_ =	shalt  }
0x45: {  	_ =	shalt  }
0x46: {  	_ =	shalt  }
0x47: {  	_ =	shalt  }
0x48: {  	_ =	shalt  }
0x49: {  	_ =	shalt  }
0x4a: {  	_ =	shalt  }
0x4b: {  	_ =	shalt  }
0x4c: {  	_ =	shalt  }
0x4d: {  	_ =	shalt  }
0x4e: {  	_ =	shalt  }
0x4f: {  	_ =	shalt  }
0x50: {  	_ =	shalt  }
0x51: {  	_ =	shalt  }
0x52: {  	_ =	shalt  }
0x53: {  	_ =	shalt  }
0x54: {  	_ =	shalt  }
0x55: {  	_ =	shalt  }
0x56: {  	_ =	shalt  }
0x57: {  	_ =	shalt  }
0x58: {  	_ =	shalt  }
0x59: {  	_ =	shalt  }
0x5a: {  	_ =	shalt  }
0x5b: {  	_ =	shalt  }
0x5c: {  	_ =	shalt  }
0x5d: {  	_ =	shalt  }
0x5e: {  	_ =	shalt  }
0x5f: {  	_ =	shalt  }
0x60: {  	_ =	shalt  }
0x61: {  	_ =	shalt  }
0x62: {  	_ =	shalt  }
0x63: {  	_ =	shalt  }
0x64: {  	_ =	shalt  }
0x65: {  	_ =	shalt  }
0x66: {  	_ =	shalt  }
0x67: {  	_ =	shalt  }
0x68: {  	_ =	shalt  }
0x69: {  	_ =	shalt  }
0x6a: {  	_ =	shalt  }
0x6b: {  	_ =	shalt  }
0x6c: {  	_ =	shalt  }
0x6d: {  	_ =	shalt  }
0x6e: {  	_ =	shalt  }
0x6f: {  	_ =	shalt  }
0x70: {  	_ =	shalt  }
0x71: {  	_ =	shalt  }
0x72: {  	_ =	shalt  }
0x73: {  	_ =	shalt  }
0x74: {  	_ =	shalt  }
0x75: {  	_ =	shalt  }
0x76: {  	_ =	shalt  }
0x77: {  	_ =	shalt  }
0x78: {  	_ =	shalt  }
0x79: {  	_ =	shalt  }
0x7a: {  	_ =	shalt  }
0x7b: {  	_ =	shalt  }
0x7c: {  	_ =	shalt  }
0x7d: {  	_ =	shalt  }
0x7e: {  	_ =	shalt  }
0x7f: {  	_ =	shalt  }
0x80: {  	_ =	shalt  }
0x81: {  	_ =	shalt  }
0x82: {  	_ =	shalt  }
0x83: {  	_ =	shalt  }
0x84: {  	_ =	shalt  }
0x85: {  	_ =	shalt  }
0x86: {  	_ =	shalt  }
0x87: {  	_ =	shalt  }
.Lfunc_end0:
.L_simem_size_0:
called_computation.1_lowered:
.L_overlay_start_0:
0x88: {  	s2 =	sld [smem:$0x3FD9]  }
0x89: {  	s3 =	sld [smem:$0x3FFE];
	_ =	sdelay $0x1  }
0x8a: {  	s1 =	srdreg.scid  }
0x8b: {  	s0 =	sand.u32 $0x1, s1  }
0x8c: {  	s16 =	sshll.u32 s0, $0xA;
	s2 =	sadd.s32 s3, s2  }
0x8d: {  	s2 =	sadd.s32 s2, s16  }
0x8e: {  	[smem:$0x3FBE] =	sst s2  }
0x8f: {  	_ = 	snop  }
0x90: {  	(tm) =	ssettm $0x1  }
0x91: {  	s17 =	sld [smem:$0x3FFB];
	_ =	sdelay $0x3  }
0x92: {  	_ =	strace s17  }
0x93: {  	s2 =	sld [smem:$0x3FFC];
	_ =	sdelay $0x3  }
0x94: {  	_ =	strace s2  }
0x95: {  	s2 =	sld [smem:$0x3FFD];
	_ =	sdelay $0x3  }
0x96: {  	_ =	strace s2  }
0x97: {  	_ =	strace $0x8FFFFFFF  }
0x98: {  	s18 =	sld [smem:$0x3FDB];
	_ =	sdelay $0x1  }
0x99: {  	s19 =	simm.s32 $_scs_section_size  }
0x9a: {  	s4 =	simm.s32 $_size__tile_overlayer_lowered;
	s5 =	simm.s32 $_tile_overlayer_lowered  }
0x9b: {  	s22 =	simm.s32 $0x1BFF;
	s21 =	sshll.u32 s5, $0x1;
	s2 =	sadd.s32 s19, s18  }
0x9c: {  	s6 =	simm.s32 $0x0;
	s20 =	sshll.u32 s4, $0x1;
	s4 =	sadd.s32 s21, s2  }
0x9d: {  	[timem:s6], [sflag:s22] =	dma.local [hbm:s4], s20  }
0x9e: {  	_ =	swait.ge [sflag:s22], s20  }
0x9f: {  	s3 =	ssub.s32 $0x0, s20;
	[sflag:s22] =	ssyncset.done $0x0  }
0xa0: {  	[sflag:s22] =	ssyncadd.s32 s3;
	_ =	sdelay $0x1  }
0xa1: {  	s23 =	simm.s32 $0x1B8B  }
0xa2: {  	_ =	swait.ge [sflag:s23], $0x1  }
0xa3: {  	[sflag:s23] =	ssyncset.done $0x0  }
0xa4: {  	s25 =	simm.s32 $0x1B8E;
	s24 =	sld [smem:$0x3FFE];
	[sflag:s23] =	ssyncadd.s32 $0xFFFFFFFF  }
0xa5: {  	s26 =	simm.s32 $execute0_lowered;
	[smem:$0x3FD2] =	sst s25  }
0xa6: {  	s4 =	sshll.u32 s26, $0x1;
	_ =	strace $0x80000049;
	[dreg:$0x1] =	wrdreg $0xFFFFFFFF  }
0xa7: {  	s28 =	simm.s32 $_size_execute0_lowered;
	s2 =	sadd.s32 s2, s4;
	[dreg:$0x0] =	wrdreg $0x0  }
0xa8: {  	s4 =	sshll.u32 s28, $0x1;
	[dreg:$0x2] =	wrdreg s2  }
0xa9: {  	[dreg:$0x3] =	wrdreg s4  }
0xaa: {  	[dreg:$0x4] =	wrdreg $0xC0  }
0xab: {  	_ =	task [dreg:s6], $0x5FFFF  }
0xac: {  	[dreg:$0x1] =	wrdreg $0xFFFFFFFF  }
0xad: {  	[dreg:$0x0] =	wrdreg $0x60  }
0xae: {  	[dreg:$0x2] =	wrdreg s24  }
0xaf: {  	[dreg:$0x3] =	wrdreg $0x192200  }
0xb0: {  	[dreg:$0x4] =	wrdreg $0x9  }
0xb1: {  	_ =	task.clear_ibuf [dreg:s6], $0x5FFFF;
	_ =	strace $0x90000049  }
0xb2: {  	s29 =	simm.s32 $0x9;
	_ =	strace $0x8000004B  }
0xb3: {  	_ =	swait.ge [sflag:s29], $0x1  }
0xb4: {  	[sflag:s29] =	ssyncadd.s32 $0xFFFFFFFF  }
0xb5: {  	_ =	strace $0x9000004B  }
0xb6: {  	_ =	sfence  }
0xb7: {  	s30 =	sld [smem:$0x0];
	_ =	sdelay $0x2  }
0xb8: {  	s31 =	sshll.u32 s1, $0xD;
	s1 =	sshrl.u32 s1, $0x2  }
0xb9: {  	s3 =	sand.u32 $0x4000, s31;
	s1 =	sadd.s32 s1, s30  }
0xba: {  	s0 =	sor.u32 s3, s0;
	s1 =	sshll.u32 s1, $0x11  }
0xbb: {  	s0 =	sor.u32 s1, s0  }
0xbc: {  	s0 =	sadd.s32 $0x8F2B, s0  }
0xbd: {  	[sflag:s0] =	ssyncadd.remote.s32 $0x1  }
0xbe: {  	_ =	sfence.sel $0xFFFF  }
0xbf: {  	[dreg:$0x0] =	wrdreg $0xFFFFFFFF;
	(pc) =	sbr.abs _section_cstart, $3  }
0xc0: {  	[dreg:$0x1] =	wrdreg $0xFFFFFFFF  }
0xc1: {  	_ =	task.clear_ibuf [dreg:s6], $0x2FFFF;
	_ =	strace $0x9FFFFFFF  }
0xc2: {  	(tm) =	ssettm $0x7FFFFFFF  }
0xc3: {  	_ =	shalt  }
tec
execute0_lowered:
.L_overlay_start_1:
0x0: {  	(tag) =	ssettag $0x1  }
0x1: {  	s0 =	rddreg [dreg:$0x0]  }
0x2: {  	s2 =	rddreg [dreg:$0x1]  }
0x3: {  	s8 =	stileid.u32;
	s3 =	simm.s32 $0x0;
	s9 =	srdreg.scid  }
0x4: {  	s1 =	smul.u32 $0x1900, s8;
	[smem:$0x7FF] =	sst s3  }
0x5: {  	s5 =	sadd.s32 $0x3E00, s0;
	s4 =	smul.u32 $0x18800, s8;
	s6 =	sadd.s32 $0x1BD400, s0  }
0x6: {  	s9 =	sand.u32 $0x1, s9;
	s7 =	sadd.s32 $0x345400, s0;
	_ =	strace $0x8000004A  }
0x7: {  	s3 =	ssub.s32 $0x2, s9;
	[dreg:$0x3] =	wrdreg s9;
	s1 =	sadd.s32 s1, s0  }
0x8: {  	s10 =	sshrl.u32 s3, $0x1;
	s11 =	sshrl.u32 s4, $0x2;
	s1 =	sadd.s32 $0x1CE00, s1  }
0x9: {  	s0 =	ssub.s32 s3, s10;
	s12 =	sadd.s32 s11, s2;
	[dreg:$0x4] =	wrdreg s1  }
0xa: {  	s0 =	smax.u32 s0, $0x1;
	[dreg:$0x5] =	wrdreg s12  }
0xb: {  	s13 =	sadd.s32 $0x620, s12;
	[dreg:$0x6] =	wrdreg s0  }
0xc: {  	s14 =	sadd.s32 $0xC40, s12;
	[dreg:$0x7] =	wrdreg s13  }
0xd: {  	s15 =	sadd.s32 $0x1260, s12;
	[dreg:$0x8] =	wrdreg s14  }
0xe: {  	s16 =	sadd.s32 $0x1880, s12;
	[dreg:$0x9] =	wrdreg s15  }
0xf: {  	s29 =	simm.s32 $0x3;
	s17 =	sadd.s32 $0x1EA0, s12;
	[dreg:$0xa] =	wrdreg s16  }
0x10: {  	s30 =	simm.s32 $0x18C00;
	s18 =	sadd.s32 $0x24C0, s12;
	[dreg:$0xb] =	wrdreg s17  }
0x11: {  	s31 =	simm.s32 $0xC800;
	s19 =	sadd.s32 $0x2AE0, s12;
	[dreg:$0xc] =	wrdreg s18  }
0x12: {  	s4 =	simm.s32 $0x2;
	s20 =	sadd.s32 $0x3100, s12;
	[dreg:$0xd] =	wrdreg s19  }
0x13: {  	s10 =	smul.u32 $0xC400, s9;
	s21 =	sadd.s32 $0x3720, s12;
	[dreg:$0xe] =	wrdreg s20  }
0x14: {  	s9 =	smul.u32 $0x620, s8;
	s22 =	sadd.s32 $0x3D40, s12;
	[dreg:$0xf] =	wrdreg s21  }
0x15: {  	s11 =	smul.u32 $0x190, s8;
	s23 =	sadd.s32 $0x4360, s12;
	[dreg:$0x10] =	wrdreg s22  }
0x16: {  	s3 =	simm.s32 $0xCB00;
	s24 =	sadd.s32 $0x4980, s12;
	[dreg:$0x11] =	wrdreg s23  }
0x17: {  	s8 =	simm.s32 $0xC980;
	s25 =	sadd.s32 $0x4FA0, s12;
	[dreg:$0x12] =	wrdreg s24  }
0x18: {  	s26 =	sadd.s32 $0x55C0, s12;
	s28 =	sadd.s32 $0x5BE0, s12;
	[dreg:$0x13] =	wrdreg s25  }
0x19: {  	s1 =	simm.s32 $0xC900;
	s12 =	simm.s32 $0x10B00;
	[dreg:$0x14] =	wrdreg s26  }
0x1a: {  	[dreg:$0x15] =	wrdreg s28;
	s0 =	simm.s32 $0x80;
	s13 =	simm.s32 $0x1  }
0x1b: {  	s14 =	simm.s32 $0xCA00;
	s15 =	simm.s32 $0x14B00;
	s16 =	simm.s32 $0xCA80  }
0x1c: {  	v1 =	vimm.f32 $0.0e+00;
	v2 =	vimm.bf16 $0.0e+00;
	v0 =	vmov s10;
	s17 =	simm.s32 $0x15300;
	s10 =	simm.s32 $0x15B00;
	s19 =	simm.s32 $0x0  }
.LBB2_1:
0x1d: {  	[dreg:$0x16] =	wrdreg s19  }
0x1e: {  	s18 =	simm.s32 $0x0;
	s28 =	rddreg [dreg:$0x4]  }
0x1f: {  	[tilespmem:s18], [sflag:$0x3] =	stream.linear.gather [hbm4b:s28+s18], $0xC800, $0x38;
	[tilespmem:$0x1F460] =	vst v63  }
0x20: {  	_ =	swait.ge [sflag:s29], $0xC800  }
0x21: {  	[sflag:s29] =	ssyncset.done $0x0  }
0x22: {  	s19 =	simm.s32 $0x0;
	s18 =	simm.s32 $0x200;
	[sflag:s29] =	ssyncadd.s32 $0xFFFF3800  }
.LBB2_2:
0x23: {  	p0 =	sne.s32 s18, $0xC200;
	[tilespmem:s19+$0x15B70] =	vst v1  }
0x24: {  	[tilespmem:s19+$0x15B00] =	vst v1  }
0x25: {  	[tilespmem:s19+$0x15B10] =	vst v1  }
.Ltmp0:
0x26: {  	[tilespmem:s19+$0x15B20] =	vst v1;
	(pc) =	sbr.rel @p0 .LBB2_2-.Ltmp0, $4  }
0x27: {  	[tilespmem:s19+$0x15B30] =	vst v1  }
0x28: {  	[tilespmem:s19+$0x15B40] =	vst v1  }
0x29: {  	[tilespmem:s19+$0x15B50] =	vst v1  }
0x2a: {  	[tilespmem:s19+$0x15B60] =	vst v1;
	s19 =	sshra.s32 s18, $0x2;
	s18 =	sadd.s32 $0x200, s18  }
0x2b: {  	[tilespmem:s19+$0x15B70] =	vst v1  }
0x2c: {  	[tilespmem:s19+$0x15B00] =	vst v1  }
0x2d: {  	[tilespmem:s19+$0x15B10] =	vst v1  }
0x2e: {  	[tilespmem:s19+$0x15B20] =	vst v1  }
0x2f: {  	[tilespmem:s19+$0x15B30] =	vst v1  }
0x30: {  	[tilespmem:s19+$0x15B40] =	vst v1  }
0x31: {  	[tilespmem:s19+$0x15B50] =	vst v1  }
0x32: {  	s18 =	simm.s32 $0x0;
	[tilespmem:s19+$0x15B60] =	vst v1;
	s19 =	simm.s32 $0x40;
	s20 =	simm.s32 $0x0  }
.LBB2_4:
0x33: {  	p0 =	sne.s32 s19, $0x1840;
	[tilespmem:s20+$0x18C00] =	vst v2;
	s20 =	smov.u32 s19;
	s19 =	sadd.s32 $0x40, s19  }
.Ltmp1:
0x34: {  	(pc) =	sbr.rel @p0 .LBB2_4-.Ltmp1, $2  }
0x35: {  	_ =	sdelay $0x2  }
0x36: {  	s20 =	sshra.s32 s20, $0x2  }
0x37: {  	[tilespmem:s20+$0x18C00] =	vst v2  }
.LBB2_6:
0x38: {  	s19 =	rddreg [dreg:$0x5]  }
0x39: {  	[spmem:s19] =	stream.linear.scatter [tilespmem:s30], [sflag:$0x3], $0x620, $0x38;
	[tilespmem:$0x1F460] =	vst v63  }
0x3a: {  	_ =	swait.ge [sflag:s29], $0x620  }
0x3b: {  	[sflag:s29] =	ssyncset.done $0x0  }
0x3c: {  	s20 =	rddreg [dreg:$0x7];
	[sflag:s29] =	ssyncadd.s32 $0xFFFFF9E0  }
0x3d: {  	[spmem:s20] =	stream.linear.scatter [tilespmem:s30], [sflag:$0x3], $0x620, $0x38;
	[tilespmem:$0x1F460] =	vst v63  }
0x3e: {  	_ =	swait.ge [sflag:s29], $0x620  }
0x3f: {  	[sflag:s29] =	ssyncset.done $0x0  }
0x40: {  	s21 =	rddreg [dreg:$0x8];
	[sflag:s29] =	ssyncadd.s32 $0xFFFFF9E0  }
0x41: {  	[spmem:s21] =	stream.linear.scatter [tilespmem:s30], [sflag:$0x3], $0x620, $0x38;
	[tilespmem:$0x1F460] =	vst v63  }
0x42: {  	_ =	swait.ge [sflag:s29], $0x620  }
0x43: {  	[sflag:s29] =	ssyncset.done $0x0  }
0x44: {  	s22 =	rddreg [dreg:$0x9];
	[sflag:s29] =	ssyncadd.s32 $0xFFFFF9E0  }
0x45: {  	[spmem:s22] =	stream.linear.scatter [tilespmem:s30], [sflag:$0x3], $0x620, $0x38;
	[tilespmem:$0x1F460] =	vst v63  }
0x46: {  	_ =	swait.ge [sflag:s29], $0x620  }
0x47: {  	[sflag:s29] =	ssyncset.done $0x0  }
0x48: {  	s23 =	rddreg [dreg:$0xa];
	[sflag:s29] =	ssyncadd.s32 $0xFFFFF9E0  }
0x49: {  	[spmem:s23] =	stream.linear.scatter [tilespmem:s30], [sflag:$0x3], $0x620, $0x38;
	[tilespmem:$0x1F460] =	vst v63  }
0x4a: {  	_ =	swait.ge [sflag:s29], $0x620  }
0x4b: {  	[sflag:s29] =	ssyncset.done $0x0  }
0x4c: {  	s24 =	rddreg [dreg:$0xb];
	[sflag:s29] =	ssyncadd.s32 $0xFFFFF9E0  }
0x4d: {  	[spmem:s24] =	stream.linear.scatter [tilespmem:s30], [sflag:$0x3], $0x620, $0x38;
	[tilespmem:$0x1F460] =	vst v63  }
0x4e: {  	_ =	swait.ge [sflag:s29], $0x620  }
0x4f: {  	[sflag:s29] =	ssyncset.done $0x0  }
0x50: {  	s25 =	rddreg [dreg:$0xc];
	[sflag:s29] =	ssyncadd.s32 $0xFFFFF9E0  }
0x51: {  	[spmem:s25] =	stream.linear.scatter [tilespmem:s30], [sflag:$0x3], $0x620, $0x38;
	[tilespmem:$0x1F460] =	vst v63  }
0x52: {  	_ =	swait.ge [sflag:s29], $0x620  }
0x53: {  	[sflag:s29] =	ssyncset.done $0x0  }
0x54: {  	s26 =	rddreg [dreg:$0xd];
	[sflag:s29] =	ssyncadd.s32 $0xFFFFF9E0  }
0x55: {  	[spmem:s26] =	stream.linear.scatter [tilespmem:s30], [sflag:$0x3], $0x620, $0x38;
	[tilespmem:$0x1F460] =	vst v63  }
0x56: {  	_ =	swait.ge [sflag:s29], $0x620  }
0x57: {  	[sflag:s29] =	ssyncset.done $0x0  }
0x58: {  	s28 =	rddreg [dreg:$0xe];
	[sflag:s29] =	ssyncadd.s32 $0xFFFFF9E0  }
0x59: {  	[spmem:s28] =	stream.linear.scatter [tilespmem:s30], [sflag:$0x3], $0x620, $0x38;
	[tilespmem:$0x1F460] =	vst v63  }
0x5a: {  	_ =	swait.ge [sflag:s29], $0x620  }
0x5b: {  	[sflag:s29] =	ssyncset.done $0x0  }
0x5c: {  	s20 =	rddreg [dreg:$0xf];
	[sflag:s29] =	ssyncadd.s32 $0xFFFFF9E0  }
0x5d: {  	[spmem:s20] =	stream.linear.scatter [tilespmem:s30], [sflag:$0x3], $0x620, $0x38;
	[tilespmem:$0x1F460] =	vst v63  }
0x5e: {  	_ =	swait.ge [sflag:s29], $0x620  }
0x5f: {  	[sflag:s29] =	ssyncset.done $0x0  }
0x60: {  	s21 =	rddreg [dreg:$0x10];
	[sflag:s29] =	ssyncadd.s32 $0xFFFFF9E0  }
0x61: {  	[spmem:s21] =	stream.linear.scatter [tilespmem:s30], [sflag:$0x3], $0x620, $0x38;
	[tilespmem:$0x1F460] =	vst v63  }
0x62: {  	_ =	swait.ge [sflag:s29], $0x620  }
0x63: {  	[sflag:s29] =	ssyncset.done $0x0  }
0x64: {  	s22 =	rddreg [dreg:$0x11];
	[sflag:s29] =	ssyncadd.s32 $0xFFFFF9E0  }
0x65: {  	[spmem:s22] =	stream.linear.scatter [tilespmem:s30], [sflag:$0x3], $0x620, $0x38;
	[tilespmem:$0x1F460] =	vst v63  }
0x66: {  	_ =	swait.ge [sflag:s29], $0x620  }
0x67: {  	[sflag:s29] =	ssyncset.done $0x0  }
0x68: {  	s23 =	rddreg [dreg:$0x12];
	[sflag:s29] =	ssyncadd.s32 $0xFFFFF9E0  }
0x69: {  	[spmem:s23] =	stream.linear.scatter [tilespmem:s30], [sflag:$0x3], $0x620, $0x38;
	[tilespmem:$0x1F460] =	vst v63  }
0x6a: {  	_ =	swait.ge [sflag:s29], $0x620  }
0x6b: {  	[sflag:s29] =	ssyncset.done $0x0  }
0x6c: {  	s24 =	rddreg [dreg:$0x13];
	[sflag:s29] =	ssyncadd.s32 $0xFFFFF9E0  }
0x6d: {  	[spmem:s24] =	stream.linear.scatter [tilespmem:s30], [sflag:$0x3], $0x620, $0x38;
	[tilespmem:$0x1F460] =	vst v63  }
0x6e: {  	_ =	swait.ge [sflag:s29], $0x620  }
0x6f: {  	[sflag:s29] =	ssyncset.done $0x0  }
0x70: {  	s25 =	rddreg [dreg:$0x14];
	[sflag:s29] =	ssyncadd.s32 $0xFFFFF9E0  }
0x71: {  	[spmem:s25] =	stream.linear.scatter [tilespmem:s30], [sflag:$0x3], $0x620, $0x38;
	[tilespmem:$0x1F460] =	vst v63  }
0x72: {  	_ =	swait.ge [sflag:s29], $0x620  }
0x73: {  	[sflag:s29] =	ssyncset.done $0x0  }
0x74: {  	s26 =	rddreg [dreg:$0x15];
	[sflag:s29] =	ssyncadd.s32 $0xFFFFF9E0  }
0x75: {  	[spmem:s26] =	stream.linear.scatter [tilespmem:s30], [sflag:$0x3], $0x620, $0x38;
	[tilespmem:$0x1F460] =	vst v63  }
0x76: {  	s28 =	sshrl.u32 s18, $0x2;
	_ =	swait.ge [sflag:s29], $0x620  }
0x77: {  	s19 =	smul.u32 $0x6200, s28;
	s20 =	sand.u32 $0x3, s18;
	[sflag:s29] =	ssyncset.done $0x0  }
0x78: {  	s21 =	smul.u32 $0x64, s20;
	[sflag:s29] =	ssyncadd.s32 $0xFFFFF9E0  }
0x79: {  	v3 =	vmov s19;
	s22 =	simm.s32 $0x0;
	s23 =	simm.s32 $0x0;
	[bflag:$0x0] =	sbarrier.arrive $0xFFFF  }
.LBB2_7:
0x7a: {  	s24 =	sshll.u32 s23, $0x1  }
0x7b: {  	s24 =	sadd.s32 s21, s24  }
0x7c: {  	s25 =	sadd.s32 s11, s24  }
0x7d: {  	s24 =	sshll.u32 s24, $0x7;
	s25 =	sshll.u32 s25, $0x4  }
0x7e: {  	s24 =	sand.u32 $0x3FFFFF80, s24;
	s25 =	sadd.s32 s5, s25  }
0x7f: {  	[tilespmem:s31], [sflag:$0x2] =	stream.linear.gather [hbm4b:s25+s22], $0x100, $0x38;
	[tilespmem:$0x1F460] =	vst v63  }
0x80: {  	v4 =	vld [tilespmem:s24+$0x0];
	_ =	sdelay $0x4  }
0x81: {  	v4 =	vadd.s32 v0, v4  }
0x82: {  	[tilespmem:$0xC900] =	vst v4  }
0x83: {  	v4 =	vld [tilespmem:s24+$0x10];
	_ =	sdelay $0x4  }
0x84: {  	v4 =	vadd.s32 v0, v4  }
0x85: {  	[tilespmem:$0xC910] =	vst v4  }
0x86: {  	v4 =	vld [tilespmem:s24+$0x20];
	_ =	sdelay $0x4  }
0x87: {  	v4 =	vadd.s32 v0, v4  }
0x88: {  	[tilespmem:$0xC920] =	vst v4  }
0x89: {  	v4 =	vld [tilespmem:s24+$0x30];
	_ =	sdelay $0x4  }
0x8a: {  	v4 =	vadd.s32 v0, v4  }
0x8b: {  	[tilespmem:$0xC930] =	vst v4  }
0x8c: {  	v4 =	vld [tilespmem:s24+$0x40];
	_ =	sdelay $0x4  }
0x8d: {  	v4 =	vadd.s32 v0, v4  }
0x8e: {  	[tilespmem:$0xC940] =	vst v4  }
0x8f: {  	v4 =	vld [tilespmem:s24+$0x50];
	_ =	sdelay $0x4  }
0x90: {  	v4 =	vadd.s32 v0, v4  }
0x91: {  	[tilespmem:$0xC950] =	vst v4  }
0x92: {  	v4 =	vld [tilespmem:s24+$0x60];
	_ =	sdelay $0x4  }
0x93: {  	v4 =	vadd.s32 v0, v4  }
0x94: {  	[tilespmem:$0xC960] =	vst v4  }
0x95: {  	v4 =	vld [tilespmem:s24+$0x70];
	_ =	sdelay $0x4  }
0x96: {  	v4 =	vadd.s32 v0, v4  }
0x97: {  	[tilespmem:$0xC970] =	vst v4  }
0x98: {  	[tilespmem:s3], [sflag:$0x1] =	stream.indirect.gather [hbm4b:s6+s0], $0x80, s1, s0, $0xb8;
	[tilespmem:$0x1F460] =	vst v63  }
0x99: {  	v4 =	vld [tilespmem:s24+$0x80];
	_ =	sdelay $0x4  }
0x9a: {  	v4 =	vadd.s32 v0, v4  }
0x9b: {  	[tilespmem:$0xC980] =	vst v4  }
0x9c: {  	v4 =	vld [tilespmem:s24+$0x90];
	_ =	sdelay $0x4  }
0x9d: {  	v4 =	vadd.s32 v0, v4  }
0x9e: {  	[tilespmem:$0xC990] =	vst v4  }
0x9f: {  	v4 =	vld [tilespmem:s24+$0xA0];
	_ =	sdelay $0x4  }
0xa0: {  	v4 =	vadd.s32 v0, v4  }
0xa1: {  	[tilespmem:$0xC9A0] =	vst v4  }
0xa2: {  	v4 =	vld [tilespmem:s24+$0xB0];
	_ =	sdelay $0x4  }
0xa3: {  	v4 =	vadd.s32 v0, v4  }
0xa4: {  	[tilespmem:$0xC9B0] =	vst v4  }
0xa5: {  	v4 =	vld [tilespmem:s24+$0xC0];
	_ =	sdelay $0x4  }
0xa6: {  	v4 =	vadd.s32 v0, v4  }
0xa7: {  	[tilespmem:$0xC9C0] =	vst v4  }
0xa8: {  	v4 =	vld [tilespmem:s24+$0xD0];
	_ =	sdelay $0x4  }
0xa9: {  	v4 =	vadd.s32 v0, v4  }
0xaa: {  	[tilespmem:$0xC9D0] =	vst v4  }
0xab: {  	v4 =	vld [tilespmem:s24+$0xE0];
	_ =	sdelay $0x4  }
0xac: {  	v4 =	vadd.s32 v0, v4  }
0xad: {  	[tilespmem:$0xC9E0] =	vst v4  }
0xae: {  	v4 =	vld [tilespmem:s24+$0xF0];
	_ =	sdelay $0x4  }
0xaf: {  	v4 =	vadd.s32 v0, v4  }
0xb0: {  	[tilespmem:$0xC9F0] =	vst v4  }
0xb1: {  	[tilespmem:s12], [sflag:$0x1] =	stream.indirect.gather [hbm4b:s6+s0], $0x80, s8, s0, $0xb8;
	[tilespmem:$0x1F460] =	vst v63  }
0xb2: {  	_ =	swait.ge [sflag:s4], $0x100  }
0xb3: {  	[sflag:s4] =	ssyncset.done $0x0  }
0xb4: {  	[sflag:s4] =	ssyncadd.s32 $0xFFFFFF00  }
0xb5: {  	v4 =	vld [tilespmem:$0xC800]  }
0xb6: {  	v6 =	vld [tilespmem:$0xC820]  }
0xb7: {  	v9 =	vld [tilespmem:$0xC840]  }
0xb8: {  	v11 =	vld [tilespmem:$0xC850]  }
0xb9: {  	v12 =	vld [tilespmem:$0xC860]  }
0xba: {  	v46 =	vld [tilespmem:$0xC870]  }
0xbb: {  	v14 =	vld [tilespmem:$0xC880]  }
0xbc: {  	v15 =	vld [tilespmem:$0xC890]  }
0xbd: {  	v50 =	vld [tilespmem:$0xC8A0]  }
0xbe: {  	v16 =	vld [tilespmem:$0xC8B0]  }
0xbf: {  	v53 =	vld [tilespmem:$0xC8C0];
	v7 =	vsub.s32 v4, v3  }
0xc0: {  	v55 =	vld [tilespmem:$0xC8D0];
	v4 =	vand.u32 $0x3F, v4;
	v10 =	vsub.s32 v6, v3;
	v6 =	vand.u32 $0x3F, v6  }
0xc1: {  	v57 =	vld [tilespmem:$0xC8E0];
	v45 =	vsub.s32 v9, v3;
	v9 =	vand.u32 $0x3F, v9;
	v13 =	vsub.s32 v11, v3  }
0xc2: {  	v47 =	vand.u32 $0x3F, v11;
	v48 =	vsub.s32 v12, v3;
	v12 =	vand.u32 $0x3F, v12  }
0xc3: {  	v49 =	vsub.s32 v46, v3;
	v51 =	vsub.s32 v14, v3;
	v52 =	vand.u32 $0x3F, v15  }
0xc4: {  	v54 =	vand.u32 $0x3F, v50;
	v56 =	vsub.s32 v16, v3;
	v58 =	vand.u32 $0x3F, v16  }
0xc5: {  	v59 =	vsub.s32 v53, v3;
	v60 =	vand.u32 $0x3F, v53;
	v62 =	vand.u32 $0x3F, v55  }
0xc6: {  	v5 =	vld [tilespmem:$0xC810];
	v63 =	vsub.s32 v57, v3;
	vm0 =	vlt.u32 v7, $0x6200;
	v4 =	vor.u32 $0x6200, v4  }
0xc7: {  	vm14 =	vlt.u32 v10, $0x6200;
	v6 =	vor.u32 $0x6200, v6;
	vm4 =	vlt.u32 v45, $0x6200  }
0xc8: {  	v9 =	vor.u32 $0x6200, v9;
	vm5 =	vlt.u32 v13, $0x6200;
	vm6 =	vlt.u32 v48, $0x6200  }
0xc9: {  	v8 =	vld [tilespmem:$0xC830];
	v12 =	vor.u32 $0x6200, v12;
	vm7 =	vlt.u32 v49, $0x6200;
	vm8 =	vlt.u32 v51, $0x6200  }
0xca: {  	vm11 =	vlt.u32 v56, $0x6200;
	vm12 =	vlt.u32 v59, $0x6200;
	v4 =	vsel vm0, v7, v4  }
0xcb: {  	v7 =	vsub.s32 v5, v3;
	v5 =	vand.u32 $0x3F, v5;
	v6 =	vsel vm14, v10, v6  }
0xcc: {  	v11 =	vsel vm6, v48, v12;
	v10 =	vand.u32 $0x3F, v46;
	vm13 =	vlt.u32 v7, $0x6200;
	[tilespmem:$0xCA00] =	vst v4  }
0xcd: {  	v5 =	vor.u32 $0x6200, v5;
	v4 =	vor.u32 $0x6200, v10;
	[tilespmem:$0xCA20] =	vst v6;
	v6 =	vsub.s32 v15, v3  }
0xce: {  	[tilespmem:$0xCA60] =	vst v11;
	v5 =	vsel vm13, v7, v5;
	v7 =	vsub.s32 v8, v3;
	v8 =	vand.u32 $0x3F, v8  }
0xcf: {  	v4 =	vsel vm7, v49, v4;
	vm15 =	vlt.u32 v7, $0x6200;
	v8 =	vor.u32 $0x6200, v8;
	[tilespmem:$0xCA10] =	vst v5  }
0xd0: {  	vm14 =	vlt.u32 v63, $0x6200;
	vm9 =	vlt.u32 v6, $0x6200;
	[tilespmem:$0xCA70] =	vst v4;
	v7 =	vsel vm15, v7, v8  }
0xd1: {  	v5 =	vand.u32 $0x3F, v14;
	v4 =	vor.u32 $0x6200, v58;
	v8 =	vsel vm4, v45, v9;
	[tilespmem:$0xCA30] =	vst v7  }
0xd2: {  	v5 =	vor.u32 $0x6200, v5;
	v4 =	vsel vm11, v56, v4;
	v7 =	vor.u32 $0x6200, v52;
	[tilespmem:$0xCA40] =	vst v8  }
0xd3: {  	v61 =	vld [tilespmem:$0xC8F0];
	v5 =	vsel vm8, v51, v5;
	[tilespmem:$0xCAB0] =	vst v4;
	v6 =	vsel vm9, v6, v7;
	v7 =	vsub.s32 v50, v3  }
0xd4: {  	v9 =	vor.u32 $0x6200, v47;
	v8 =	vor.u32 $0x6200, v54;
	[tilespmem:$0xCA80] =	vst v5;
	vm10 =	vlt.u32 v7, $0x6200  }
0xd5: {  	v9 =	vsel vm5, v13, v9;
	[tilespmem:$0xCA90] =	vst v6;
	v6 =	vsub.s32 v55, v3;
	v7 =	vsel vm10, v7, v8  }
0xd6: {  	v5 =	vor.u32 $0x6200, v60;
	vm13 =	vlt.u32 v6, $0x6200;
	[tilespmem:$0xCAA0] =	vst v7;
	v7 =	vor.u32 $0x6200, v62  }
0xd7: {  	[tilespmem:$0xCA50] =	vst v9;
	v5 =	vsel vm12, v59, v5;
	v4 =	vsel vm13, v6, v7;
	v6 =	vand.u32 $0x3F, v57  }
0xd8: {  	[tilespmem:$0xCAC0] =	vst v5;
	v7 =	vand.u32 $0x3F, v61;
	v5 =	vor.u32 $0x6200, v6;
	v6 =	vsub.s32 v61, v3  }
0xd9: {  	[tilespmem:$0xCAD0] =	vst v4;
	v4 =	vsel vm14, v63, v5;
	vm15 =	vlt.u32 v6, $0x6200;
	v5 =	vor.u32 $0x6200, v7  }
0xda: {  	[tilespmem:$0xCAE0] =	vst v4;
	v4 =	vsel vm15, v6, v5  }
0xdb: {  	[tilespmem:$0xCAF0] =	vst v4  }
0xdc: {  	_ =	swait.ge [sflag:s13], $0x4000  }
0xdd: {  	[sflag:s13] =	ssyncset.done $0x0  }
0xde: {  	s24 =	simm.s32 $0xCB10;
	[sflag:s13] =	ssyncadd.s32 $0xFFFFC000  }
0xdf: {  	v4 =	vld [tilespmem:s24+$0x0]  }
0xe0: {  	s26 =	simm.s32 $0x40;
	s25 =	simm.s32 $0x0;
	v5 =	vld [tilespmem:s24+$0xFFFFFFF0]  }
.LBB2_8:
0xe1: {  	p0 =	sne.s32 s26, $0x1FC0;
	_ =	sdelay $0x2  }
.Ltmp2:
0xe2: {  	(pc) =	sbr.rel @p0 .LBB2_8-.Ltmp2, $4  }
0xe3: {  	s28 =	sshra.s32 s25, $0x2;
	s25 =	smov.u32 s26;
	v4 =	vpack.i.f32.bf16 v4, v5  }
0xe4: {  	s24 =	sadd.s32 $0x80, s24;
	[tilespmem:s28+$0x14B00] =	vst v4  }
0xe5: {  	v4 =	vld [tilespmem:s24+$0x0]  }
0xe6: {  	s26 =	sadd.s32 $0x40, s26;
	v5 =	vld [tilespmem:s24+$0xFFFFFFF0]  }
0xe7: {  	_ =	sdelay $0x3  }
0xe8: {  	s24 =	sshra.s32 s25, $0x2;
	v4 =	vpack.i.f32.bf16 v4, v5  }
0xe9: {  	[tilespmem:s24+$0x14B00] =	vst v4  }
0xea: {  	_ =	swait.ge [sflag:s13], $0x4000  }
0xeb: {  	[sflag:s13] =	ssyncset.done $0x0  }
0xec: {  	s24 =	simm.s32 $0x10B00;
	[sflag:s13] =	ssyncadd.s32 $0xFFFFC000  }
0xed: {  	v4 =	vld [tilespmem:s24+$0x10]  }
0xee: {  	s25 =	simm.s32 $0x0;
	s26 =	simm.s32 $0x40;
	v5 =	vld [tilespmem:s24+$0x0]  }
.LBB2_10:
0xef: {  	p0 =	sne.s32 s26, $0x1FC0;
	_ =	sdelay $0x2  }
.Ltmp3:
0xf0: {  	(pc) =	sbr.rel @p0 .LBB2_10-.Ltmp3, $4  }
0xf1: {  	s28 =	sshra.s32 s25, $0x2;
	s25 =	smov.u32 s26;
	v4 =	vpack.i.f32.bf16 v4, v5  }
0xf2: {  	s24 =	sadd.s32 $0x80, s24;
	[tilespmem:s28+$0x15300] =	vst v4  }
0xf3: {  	v4 =	vld [tilespmem:s24+$0x10]  }
0xf4: {  	s26 =	sadd.s32 $0x40, s26;
	v5 =	vld [tilespmem:s24+$0x0]  }
0xf5: {  	_ =	sdelay $0x3  }
0xf6: {  	s24 =	sshra.s32 s25, $0x2;
	v4 =	vpack.i.f32.bf16 v4, v5  }
0xf7: {  	[tilespmem:s24+$0x15300] =	vst v4  }
0xf8: {  	[spmem:s2] =	stream.indirect.scatter.add.bf16 [tilespmem:s15], [sflag:$0x3], $0x10, s14, s0, $0xb8;
	[tilespmem:$0x1F460] =	vst v63  }
0xf9: {  	s23 =	sadd.s32 $0x1, s23;
	_ =	swait.ge [sflag:s29], $0x800  }
0xfa: {  	p0 =	sne.s32 s23, $0x32;
	[sflag:s29] =	ssyncset.done $0x0  }
.Ltmp4:
0xfb: {  	[sflag:s29] =	ssyncadd.s32 $0xFFFFF800;
	(pc) =	sbr.rel @p0 .LBB2_7-.Ltmp4, $4  }
0xfc: {  	[spmem:s2] =	stream.indirect.scatter.add.bf16 [tilespmem:s17], [sflag:$0x3], $0x10, s16, s0, $0xb8;
	[tilespmem:$0x1F460] =	vst v63  }
0xfd: {  	_ =	swait.ge [sflag:s29], $0x800  }
0xfe: {  	[sflag:s29] =	ssyncset.done $0x0  }
0xff: {  	[sflag:s29] =	ssyncadd.s32 $0xFFFFF800  }
0x100: {  	s20 =	sshll.u32 s20, $0x1;
	s21 =	rddreg [dreg:$0x3]  }
0x101: {  	s20 =	sor.u32 s21, s20  }
0x102: {  	s20 =	smul.u32 $0xC400, s20  }
0x103: {  	s19 =	sadd.s32 s9, s19  }
0x104: {  	[bflag:$0x0] =	sbarrier.arrive $0xFFFF;
	s19 =	sadd.s32 s20, s19;
	s20 =	simm.s32 $0x0  }
.LBB2_13:
0x105: {  	s21 =	smul.u32 $0x62, s20;
	_ =	sdelay $0x1  }
0x106: {  	s22 =	sadd.s32 s9, s21  }
0x107: {  	s22 =	sshll.u32 s22, $0x4  }
0x108: {  	s22 =	sand.u32 $0x3FFFFFF0, s22  }
0x109: {  	s22 =	sadd.s32 s22, s2  }
0x10a: {  	[tilespmem:s30], [sflag:$0x3] =	stream.linear.gather [spmem:s22], $0x620, $0x38;
	[tilespmem:$0x1F460] =	vst v63  }
0x10b: {  	_ =	swait.ge [sflag:s29], $0x620  }
0x10c: {  	[sflag:s29] =	ssyncset.done $0x0  }
0x10d: {  	s28 =	simm.s32 $0x0;
	[sflag:s29] =	ssyncadd.s32 $0xFFFFF9E0  }
0x10e: {  	v3 =	vld [tilespmem:s28+$0x18C00];
	_ =	sdelay $0x4  }
0x10f: {  	s22 =	simm.s32 $0x15B10;
	v4 =	vunpack.i.l.bf16.f32 v3  }
0x110: {  	v3 =	vunpack.i.u.bf16.f32 v3;
	[tilespmem:s22+$0xFFFFFFF0] =	vst v4  }
0x111: {  	s24 =	simm.s32 $0x10;
	s23 =	simm.s32 $0x80;
	[tilespmem:s22+$0x0] =	vst v3  }
.LBB2_14:
0x112: {  	p0 =	sne.s32 s23, $0x1840;
	v3 =	vld [tilespmem:s24+$0x18C00];
	_ =	sdelay $0x2  }
.Ltmp5:
0x113: {  	(pc) =	sbr.rel @p0 .LBB2_14-.Ltmp5, $4  }
0x114: {  	_ = 	snop  }
0x115: {  	s22 =	sadd.s32 $0x80, s22;
	v4 =	vunpack.i.u.bf16.f32 v3;
	v3 =	vunpack.i.l.bf16.f32 v3  }
0x116: {  	[tilespmem:s22+$0xFFFFFFF0] =	vst v3  }
0x117: {  	s24 =	sshra.s32 s23, $0x2;
	s23 =	sadd.s32 $0x40, s23;
	[tilespmem:s22+$0x0] =	vst v4  }
0x118: {  	v3 =	vld [tilespmem:s24+$0x18C00];
	_ =	sdelay $0x4  }
0x119: {  	s22 =	sadd.s32 $0x80, s22;
	s21 =	sadd.s32 s21, s19;
	s20 =	sadd.s32 $0x1, s20;
	v4 =	vunpack.i.l.bf16.f32 v3  }
0x11a: {  	s21 =	sshll.u32 s21, $0x4;
	p0 =	sne.s32 s20, $0x10;
	v3 =	vunpack.i.u.bf16.f32 v3;
	[tilespmem:s22+$0xFFFFFFF0] =	vst v4  }
.Ltmp6:
0x11b: {  	s28 =	simm.s32 $0x0;
	s21 =	sadd.s32 s7, s21;
	[tilespmem:s22+$0x0] =	vst v3;
	(pc) =	sbr.rel @p0 .LBB2_13-.Ltmp6, $4  }
0x11c: {  	[hbm4b:s21+s28] =	stream.linear.scatter [tilespmem:s10], [sflag:$0x3], $0x3100, $0x38;
	[tilespmem:$0x1F460] =	vst v63  }
0x11d: {  	_ =	swait.ge [sflag:s29], $0x3100  }
0x11e: {  	[sflag:s29] =	ssyncset.done $0x0  }
0x11f: {  	[sflag:s29] =	ssyncadd.s32 $0xFFFFCF00  }
0x120: {  	s19 =	simm.s32 $0x40;
	s20 =	simm.s32 $0x0  }
.LBB2_17:
0x121: {  	p0 =	sne.s32 s19, $0x1840;
	[tilespmem:s20+$0x18C00] =	vst v2;
	s20 =	smov.u32 s19;
	s19 =	sadd.s32 $0x40, s19  }
.Ltmp7:
0x122: {  	(pc) =	sbr.rel @p0 .LBB2_17-.Ltmp7, $2  }
0x123: {  	_ =	sdelay $0x2  }
0x124: {  	s20 =	sshra.s32 s20, $0x2  }
0x125: {  	s18 =	sadd.s32 $0x1, s18  }
0x126: {  	p0 =	sne.s32 s18, $0x8  }
.Ltmp8:
0x127: {  	_ = 	snop;
	(pc) =	sbr.rel @p0 .LBB2_6-.Ltmp8, $2  }
0x128: {  	_ =	sdelay $0x2  }
0x129: {  	[tilespmem:s20+$0x18C00] =	vst v2  }
0x12a: {  	s19 =	rddreg [dreg:$0x16]  }
0x12b: {  	s18 =	rddreg [dreg:$0x6];
	s19 =	sadd.s32 $0x1, s19  }
0x12c: {  	p0 =	sne.s32 s19, s18  }
.Ltmp9:
0x12d: {  	_ = 	snop;
	(pc) =	sbr.rel @p0 .LBB2_1-.Ltmp9, $1  }
0x12e: {  	_ =	sdelay $0x3  }
0x12f: {  	_ =	sfence.sel $0x180000  }
0x130: {  	[bflag:$0x0] =	sbarrier.arrive $0xFFFF  }
0x131: {  	_ =	strace $0x9000004A  }
0x132: {  	s0 =	stileid.u32;
	[bflag:$0x2] =	sbarrier.arrive $0xFFFF  }
0x133: {  	p0 =	sne.s32 s0, $0x0;
	s0 =	rddreg [dreg:$0x2]  }
0x134: {  	s0 =	sadd.s32 @!p0 $0x100000, s0  }
0x135: {  	[sflag:s0] =	ssyncadd.tile.s32 @!p0 $0x1;
	_ =	shalt  }
.Lfunc_end2:
_tile_overlayer_lowered:
.L_overlay_start_2:
0x136: {  	(tag) =	ssettag $0x2  }
0x137: {  	s0 =	rddreg [dreg:$0x0];
	s2 =	stileid.u32  }
0x138: {  	s1 =	rddreg [dreg:$0x1];
	p0 =	sne.s32 s2, $0x0  }
0x139: {  	s3 =	rddreg [dreg:$0x2];
	[bflag:$0x3] =	sbarrier.arrive $0xFFFF;
	s2 =	simm.s32 @!p0 $0x1C03  }
0x13a: {  	[timem:s3], [sflag:s2] =	dma.local @!p0 [hbm:s0], s1  }
0x13b: {  	s0 =	simm.s32 @!p0 $0x3  }
0x13c: {  	_ =	swait.ge @!p0 [sflag:s0], s1  }
0x13d: {  	s1 =	ssub.s32 @!p0 $0x0, s1;
	[sflag:s0] =	ssyncset.done @!p0 $0x0  }
0x13e: {  	[sflag:s0] =	ssyncadd.s32 @!p0 s1  }
0x13f: {  	[bflag:$0x3] =	sbarrier.arrive $0xFFFF  }
0x140: {  	_ =	shalt  }

// kernel: kernel.19.cloned.1.call-start
scs
__scs_entry_jumppad:
0x0: {  	(pc) =	sbr.rel $0x88, $3  }
0x1: {  	(tag) =	ssettag $0x0;
	lr =	simm.s32 $0x1  }
0x2: {  	[smem:$0x3F97] =	sst lr;
	_ =	strace $0xD0000000  }
0x3: {  	_ = 	snop  }
0x4: {  	_ = 	snop  }
0x5: {  	_ = 	snop  }
0x6: {  	_ = 	snop  }
0x7: {  	_ = 	snop  }
__scs_overlays_trampoline_lowered:
0x8: {  	[smem:$0x3FA6] =	sst s0  }
0x9: {  	[smem:$0x3FA7] =	sst s1  }
0xa: {  	[smem:$0x3FA8] =	sst s2  }
0xb: {  	[smem:$0x3FA9] =	sst s3  }
0xc: {  	[smem:$0x3FAA] =	sst s4  }
0xd: {  	[smem:$0x3FAB] =	sst s5  }
0xe: {  	[smem:$0x3FAC] =	sst s6  }
0xf: {  	[smem:$0x3FAD] =	sst s7  }
0x10: {  	[smem:$0x3FAE] =	sst s8  }
0x11: {  	[smem:$0x3FAF] =	sst s9;
	s0 =	simm.s32 @!p0 $0x0  }
0x12: {  	s1 =	sld [smem:$0x3F95];
	s0 =	simm.s32 @p0 $0x1  }
0x13: {  	[smem:$0x3FB0] =	sst s0;
	s0 =	simm.s32 @!p1 $0x0  }
0x14: {  	s2 =	sld [smem:$0x3F94];
	s0 =	simm.s32 @p1 $0x1  }
0x15: {  	[smem:$0x3FB1] =	sst s0;
	s0 =	simm.s32 @!p2 $0x0  }
0x16: {  	s3 =	sld [smem:$0x3FDB];
	s0 =	simm.s32 @p2 $0x1  }
0x17: {  	s4 =	simm.s32 $0x1BF5;
	[smem:$0x3FB3] =	sst s0  }
0x18: {  	s0 =	sld [smem:$0x3F96];
	_ =	swait.ge [sflag:s4], $0x0  }
0x19: {  	s7 =	sld [smem:$0x3F97]  }
0x1a: {  	s8 =	sadd.s32 $0xFFFFE003, lr  }
0x1b: {  	s9 =	sadd.s32 $0xFFFFFEF7, lr;
	s5 =	simm.s32 $0xFFFFFFFF;
	p2 =	slt.u32 s8, $0xFFFFF086  }
0x1c: {  	p1 =	slt.u32 s9, $0xF7A;
	s5 =	simm.s32 @!p2 $0x0  }
0x1d: {  	s5 =	simm.s32 @p1 $0x1;
	p0 =	seq.s32 s7, s2  }
0x1e: {  	s7 =	smul.u32 @!p0 $0xF7A, s2;
	p2 =	seq.s32 @!p0 s5, $0x0  }
0x1f: {  	s9 =	smul.u32 $0xF7A, s1;
	s8 =	simm.s32 @!p0 $0x1BF5;
	p2 =	por !p2, p0  }
0x20: {  	[sflag:s8] =	ssyncset.s32 @!p0 $0xFFFFF086;
	s6 =	sadd.s32 @!p0 s3, s7;
	s7 =	simm.s32 @!p0 $0x108  }
0x21: {  	s3 =	sadd.s32 s3, s9;
	s6 =	sadd.s32 @!p0 $0x88, s6;
	s7 =	simm.s32 @p2 $0x1082  }
0x22: {  	[simem:s7], [sflag:s8] =	dma.local @!p0 [hbm:s6], $0xF7A  }
0x23: {  	s9 =	sor.u32 $0xD0000000, s2;
	s6 =	simm.s32 $0x108;
	_ =	swait.ge @!p0 [sflag:s8], $0x0  }
0x24: {  	s3 =	sadd.s32 $0x88, s3;
	s6 =	simm.s32 @!p1 $0x1082;
	[sflag:s4] =	ssyncset.s32 $0xFFFFF086  }
0x25: {  	[simem:s6], [sflag:s4] =	dma.local [hbm:s3], $0xF7A  }
0x26: {  	[smem:$0x3F97] =	sst s1;
	(tag) =	ssettag s2;
	_ =	strace s9  }
0x27: {  	s1 =	sld [smem:$0x3FA7]  }
0x28: {  	s2 =	sld [smem:$0x3FA8]  }
0x29: {  	s4 =	sld [smem:$0x3FAA]  }
0x2a: {  	p0 =	seq.s32 s5, $0x0;
	s5 =	sld [smem:$0x3FAB]  }
0x2b: {  	s6 =	sld [smem:$0x3FAC]  }
0x2c: {  	s7 =	sld [smem:$0x3FAD]  }
0x2d: {  	s3 =	simm.s32 $0x108;
	s8 =	sld [smem:$0x3FAE]  }
0x2e: {  	s3 =	simm.s32 @!p0 $0x1082;
	s9 =	sld [smem:$0x3FAF]  }
0x2f: {  	lr =	sadd.s32 s0, s3;
	s0 =	sld [smem:$0x3FA6]  }
0x30: {  	s3 =	sld [smem:$0x3FA9]  }
0x31: {  	[smem:$0x3FB2] =	sst s10  }
0x32: {  	s10 =	sld [smem:$0x3FB0];
	_ =	sdelay $0x3  }
0x33: {  	p0 =	seq.s32 s10, $0x1;
	s10 =	sld [smem:$0x3FB2];
	_ =	sdelay $0x3  }
0x34: {  	[smem:$0x3FB2] =	sst s10  }
0x35: {  	s10 =	sld [smem:$0x3FB1];
	_ =	sdelay $0x3  }
0x36: {  	p1 =	seq.s32 s10, $0x1;
	s10 =	sld [smem:$0x3FB2];
	_ =	sdelay $0x3  }
0x37: {  	[smem:$0x3FB2] =	sst s10  }
0x38: {  	s10 =	sld [smem:$0x3FB3]  }
0x39: {  	_ = 	snop;
	(pc) =	sbr.ind lr, $3  }
0x3a: {  	_ = 	snop  }
0x3b: {  	_ = 	snop  }
0x3c: {  	p2 =	seq.s32 s10, $0x1;
	s10 =	sld [smem:$0x3FB2]  }
0x3d: {  	_ =	shalt  }
0x3e: {  	_ =	shalt  }
0x3f: {  	_ =	shalt  }
0x40: {  	_ =	shalt  }
0x41: {  	_ =	shalt  }
0x42: {  	_ =	shalt  }
0x43: {  	_ =	shalt  }
0x44: {  	_ =	shalt  }
0x45: {  	_ =	shalt  }
0x46: {  	_ =	shalt  }
0x47: {  	_ =	shalt  }
0x48: {  	_ =	shalt  }
0x49: {  	_ =	shalt  }
0x4a: {  	_ =	shalt  }
0x4b: {  	_ =	shalt  }
0x4c: {  	_ =	shalt  }
0x4d: {  	_ =	shalt  }
0x4e: {  	_ =	shalt  }
0x4f: {  	_ =	shalt  }
0x50: {  	_ =	shalt  }
0x51: {  	_ =	shalt  }
0x52: {  	_ =	shalt  }
0x53: {  	_ =	shalt  }
0x54: {  	_ =	shalt  }
0x55: {  	_ =	shalt  }
0x56: {  	_ =	shalt  }
0x57: {  	_ =	shalt  }
0x58: {  	_ =	shalt  }
0x59: {  	_ =	shalt  }
0x5a: {  	_ =	shalt  }
0x5b: {  	_ =	shalt  }
0x5c: {  	_ =	shalt  }
0x5d: {  	_ =	shalt  }
0x5e: {  	_ =	shalt  }
0x5f: {  	_ =	shalt  }
0x60: {  	_ =	shalt  }
0x61: {  	_ =	shalt  }
0x62: {  	_ =	shalt  }
0x63: {  	_ =	shalt  }
0x64: {  	_ =	shalt  }
0x65: {  	_ =	shalt  }
0x66: {  	_ =	shalt  }
0x67: {  	_ =	shalt  }
0x68: {  	_ =	shalt  }
0x69: {  	_ =	shalt  }
0x6a: {  	_ =	shalt  }
0x6b: {  	_ =	shalt  }
0x6c: {  	_ =	shalt  }
0x6d: {  	_ =	shalt  }
0x6e: {  	_ =	shalt  }
0x6f: {  	_ =	shalt  }
0x70: {  	_ =	shalt  }
0x71: {  	_ =	shalt  }
0x72: {  	_ =	shalt  }
0x73: {  	_ =	shalt  }
0x74: {  	_ =	shalt  }
0x75: {  	_ =	shalt  }
0x76: {  	_ =	shalt  }
0x77: {  	_ =	shalt  }
0x78: {  	_ =	shalt  }
0x79: {  	_ =	shalt  }
0x7a: {  	_ =	shalt  }
0x7b: {  	_ =	shalt  }
0x7c: {  	_ =	shalt  }
0x7d: {  	_ =	shalt  }
0x7e: {  	_ =	shalt  }
0x7f: {  	_ =	shalt  }
0x80: {  	_ =	shalt  }
0x81: {  	_ =	shalt  }
0x82: {  	_ =	shalt  }
0x83: {  	_ =	shalt  }
0x84: {  	_ =	shalt  }
0x85: {  	_ =	shalt  }
0x86: {  	_ =	shalt  }
0x87: {  	_ =	shalt  }
.Lfunc_end0:
.L_simem_size_0:
called_computation.2_lowered:
.L_overlay_start_0:
0x88: {  	s2 =	sld [smem:$0x3FD9]  }
0x89: {  	s3 =	sld [smem:$0x3FFE];
	_ =	sdelay $0x1  }
0x8a: {  	s1 =	srdreg.scid  }
0x8b: {  	s0 =	sand.u32 $0x1, s1  }
0x8c: {  	s16 =	sshll.u32 s0, $0xA;
	s2 =	sadd.s32 s3, s2  }
0x8d: {  	s2 =	sadd.s32 s2, s16  }
0x8e: {  	[smem:$0x3FBE] =	sst s2  }
0x8f: {  	_ = 	snop  }
0x90: {  	(tm) =	ssettm $0x1  }
0x91: {  	s17 =	sld [smem:$0x3FFB];
	_ =	sdelay $0x3  }
0x92: {  	_ =	strace s17  }
0x93: {  	s2 =	sld [smem:$0x3FFC];
	_ =	sdelay $0x3  }
0x94: {  	_ =	strace s2  }
0x95: {  	s2 =	sld [smem:$0x3FFD];
	_ =	sdelay $0x3  }
0x96: {  	_ =	strace s2  }
0x97: {  	_ =	strace $0x8FFFFFFF  }
0x98: {  	s18 =	sld [smem:$0x3FDB];
	_ =	sdelay $0x1  }
0x99: {  	s19 =	simm.s32 $_scs_section_size  }
0x9a: {  	s4 =	simm.s32 $_size__tile_overlayer_lowered;
	s5 =	simm.s32 $_tile_overlayer_lowered  }
0x9b: {  	s22 =	simm.s32 $0x1BFF;
	s21 =	sshll.u32 s5, $0x1;
	s2 =	sadd.s32 s19, s18  }
0x9c: {  	s6 =	simm.s32 $0x0;
	s20 =	sshll.u32 s4, $0x1;
	s4 =	sadd.s32 s21, s2  }
0x9d: {  	[timem:s6], [sflag:s22] =	dma.local [hbm:s4], s20  }
0x9e: {  	_ =	swait.ge [sflag:s22], s20  }
0x9f: {  	s3 =	ssub.s32 $0x0, s20;
	[sflag:s22] =	ssyncset.done $0x0  }
0xa0: {  	[sflag:s22] =	ssyncadd.s32 s3;
	_ =	sdelay $0x1  }
0xa1: {  	s23 =	simm.s32 $0x1B8B  }
0xa2: {  	_ =	swait.ge [sflag:s23], $0x1  }
0xa3: {  	[sflag:s23] =	ssyncset.done $0x0  }
0xa4: {  	s25 =	simm.s32 $0x1B8E;
	s24 =	sld [smem:$0x3FFE];
	[sflag:s23] =	ssyncadd.s32 $0xFFFFFFFF  }
0xa5: {  	s26 =	simm.s32 $execute0_lowered;
	[smem:$0x3FD2] =	sst s25  }
0xa6: {  	s4 =	sshll.u32 s26, $0x1;
	_ =	strace $0x8000004C;
	[dreg:$0x1] =	wrdreg $0xFFFFFFFF  }
0xa7: {  	s28 =	simm.s32 $_size_execute0_lowered;
	s2 =	sadd.s32 s2, s4;
	[dreg:$0x0] =	wrdreg $0x0  }
0xa8: {  	s4 =	sshll.u32 s28, $0x1;
	[dreg:$0x2] =	wrdreg s2  }
0xa9: {  	[dreg:$0x3] =	wrdreg s4  }
0xaa: {  	[dreg:$0x4] =	wrdreg $0xC0  }
0xab: {  	_ =	task [dreg:s6], $0x5FFFF  }
0xac: {  	[dreg:$0x1] =	wrdreg $0xFFFFFFFF  }
0xad: {  	[dreg:$0x0] =	wrdreg $0x60  }
0xae: {  	[dreg:$0x2] =	wrdreg s24  }
0xaf: {  	[dreg:$0x3] =	wrdreg $0x192200  }
0xb0: {  	[dreg:$0x4] =	wrdreg $0x9  }
0xb1: {  	_ =	task.clear_ibuf [dreg:s6], $0x5FFFF;
	_ =	strace $0x9000004C  }
0xb2: {  	s29 =	simm.s32 $0x9;
	_ =	strace $0x8000004E  }
0xb3: {  	_ =	swait.ge [sflag:s29], $0x1  }
0xb4: {  	[sflag:s29] =	ssyncadd.s32 $0xFFFFFFFF  }
0xb5: {  	_ =	strace $0x9000004E  }
0xb6: {  	_ =	sfence  }
0xb7: {  	s30 =	sld [smem:$0x0];
	_ =	sdelay $0x2  }
0xb8: {  	s31 =	sshll.u32 s1, $0xD;
	s1 =	sshrl.u32 s1, $0x2  }
0xb9: {  	s3 =	sand.u32 $0x4000, s31;
	s1 =	sadd.s32 s1, s30  }
0xba: {  	s0 =	sor.u32 s3, s0;
	s1 =	sshll.u32 s1, $0x11  }
0xbb: {  	s0 =	sor.u32 s1, s0  }
0xbc: {  	s0 =	sadd.s32 $0x8F2B, s0  }
0xbd: {  	[sflag:s0] =	ssyncadd.remote.s32 $0x1  }
0xbe: {  	_ =	sfence.sel $0xFFFF  }
0xbf: {  	[dreg:$0x0] =	wrdreg $0xFFFFFFFF;
	(pc) =	sbr.abs _section_cstart, $3  }
0xc0: {  	[dreg:$0x1] =	wrdreg $0xFFFFFFFF  }
0xc1: {  	_ =	task.clear_ibuf [dreg:s6], $0x2FFFF;
	_ =	strace $0x9FFFFFFF  }
0xc2: {  	(tm) =	ssettm $0x7FFFFFFF  }
0xc3: {  	_ =	shalt  }
tec
execute0_lowered:
.L_overlay_start_1:
0x0: {  	(tag) =	ssettag $0x1  }
0x1: {  	s0 =	rddreg [dreg:$0x0]  }
0x2: {  	s2 =	rddreg [dreg:$0x1]  }
0x3: {  	s8 =	stileid.u32;
	s3 =	simm.s32 $0x0;
	s9 =	srdreg.scid  }
0x4: {  	s1 =	smul.u32 $0x1900, s8;
	[smem:$0x7FF] =	sst s3  }
0x5: {  	s5 =	sadd.s32 $0x3E00, s0;
	s4 =	smul.u32 $0x18800, s8;
	s6 =	sadd.s32 $0x1BF800, s0  }
0x6: {  	s9 =	sand.u32 $0x1, s9;
	s7 =	sadd.s32 $0x347800, s0;
	_ =	strace $0x8000004D  }
0x7: {  	s3 =	ssub.s32 $0x2, s9;
	[dreg:$0x3] =	wrdreg s9;
	s1 =	sadd.s32 s1, s0  }
0x8: {  	s10 =	sshrl.u32 s3, $0x1;
	s11 =	sshrl.u32 s4, $0x2;
	s1 =	sadd.s32 $0x1CE00, s1  }
0x9: {  	s0 =	ssub.s32 s3, s10;
	s12 =	sadd.s32 s11, s2;
	[dreg:$0x4] =	wrdreg s1  }
0xa: {  	s0 =	smax.u32 s0, $0x1;
	[dreg:$0x5] =	wrdreg s12  }
0xb: {  	s13 =	sadd.s32 $0x620, s12;
	[dreg:$0x6] =	wrdreg s0  }
0xc: {  	s14 =	sadd.s32 $0xC40, s12;
	[dreg:$0x7] =	wrdreg s13  }
0xd: {  	s15 =	sadd.s32 $0x1260, s12;
	[dreg:$0x8] =	wrdreg s14  }
0xe: {  	s16 =	sadd.s32 $0x1880, s12;
	[dreg:$0x9] =	wrdreg s15  }
0xf: {  	s29 =	simm.s32 $0x3;
	s17 =	sadd.s32 $0x1EA0, s12;
	[dreg:$0xa] =	wrdreg s16  }
0x10: {  	s30 =	simm.s32 $0x18C00;
	s18 =	sadd.s32 $0x24C0, s12;
	[dreg:$0xb] =	wrdreg s17  }
0x11: {  	s31 =	simm.s32 $0xC800;
	s19 =	sadd.s32 $0x2AE0, s12;
	[dreg:$0xc] =	wrdreg s18  }
0x12: {  	s4 =	simm.s32 $0x2;
	s20 =	sadd.s32 $0x3100, s12;
	[dreg:$0xd] =	wrdreg s19  }
0x13: {  	s10 =	smul.u32 $0xC400, s9;
	s21 =	sadd.s32 $0x3720, s12;
	[dreg:$0xe] =	wrdreg s20  }
0x14: {  	s9 =	smul.u32 $0x620, s8;
	s22 =	sadd.s32 $0x3D40, s12;
	[dreg:$0xf] =	wrdreg s21  }
0x15: {  	s11 =	smul.u32 $0x190, s8;
	s23 =	sadd.s32 $0x4360, s12;
	[dreg:$0x10] =	wrdreg s22  }
0x16: {  	s3 =	simm.s32 $0xCB00;
	s24 =	sadd.s32 $0x4980, s12;
	[dreg:$0x11] =	wrdreg s23  }
0x17: {  	s8 =	simm.s32 $0xC980;
	s25 =	sadd.s32 $0x4FA0, s12;
	[dreg:$0x12] =	wrdreg s24  }
0x18: {  	s26 =	sadd.s32 $0x55C0, s12;
	s28 =	sadd.s32 $0x5BE0, s12;
	[dreg:$0x13] =	wrdreg s25  }
0x19: {  	s1 =	simm.s32 $0xC900;
	s12 =	simm.s32 $0x10B00;
	[dreg:$0x14] =	wrdreg s26  }
0x1a: {  	[dreg:$0x15] =	wrdreg s28;
	s0 =	simm.s32 $0x80;
	s13 =	simm.s32 $0x1  }
0x1b: {  	s14 =	simm.s32 $0xCA00;
	s15 =	simm.s32 $0x14B00;
	s16 =	simm.s32 $0xCA80  }
0x1c: {  	v1 =	vimm.f32 $0.0e+00;
	v2 =	vimm.bf16 $0.0e+00;
	v0 =	vmov s10;
	s17 =	simm.s32 $0x15300;
	s10 =	simm.s32 $0x15B00;
	s19 =	simm.s32 $0x0  }
.LBB2_1:
0x1d: {  	[dreg:$0x16] =	wrdreg s19  }
0x1e: {  	s18 =	simm.s32 $0x0;
	s28 =	rddreg [dreg:$0x4]  }
0x1f: {  	[tilespmem:s18], [sflag:$0x3] =	stream.linear.gather [hbm4b:s28+s18], $0xC800, $0x38;
	[tilespmem:$0x1F460] =	vst v63  }
0x20: {  	_ =	swait.ge [sflag:s29], $0xC800  }
0x21: {  	[sflag:s29] =	ssyncset.done $0x0  }
0x22: {  	s19 =	simm.s32 $0x0;
	s18 =	simm.s32 $0x200;
	[sflag:s29] =	ssyncadd.s32 $0xFFFF3800  }
.LBB2_2:
0x23: {  	p0 =	sne.s32 s18, $0xC200;
	[tilespmem:s19+$0x15B70] =	vst v1  }
0x24: {  	[tilespmem:s19+$0x15B00] =	vst v1  }
0x25: {  	[tilespmem:s19+$0x15B10] =	vst v1  }
.Ltmp0:
0x26: {  	[tilespmem:s19+$0x15B20] =	vst v1;
	(pc) =	sbr.rel @p0 .LBB2_2-.Ltmp0, $4  }
0x27: {  	[tilespmem:s19+$0x15B30] =	vst v1  }
0x28: {  	[tilespmem:s19+$0x15B40] =	vst v1  }
0x29: {  	[tilespmem:s19+$0x15B50] =	vst v1  }
0x2a: {  	[tilespmem:s19+$0x15B60] =	vst v1;
	s19 =	sshra.s32 s18, $0x2;
	s18 =	sadd.s32 $0x200, s18  }
0x2b: {  	[tilespmem:s19+$0x15B70] =	vst v1  }
0x2c: {  	[tilespmem:s19+$0x15B00] =	vst v1  }
0x2d: {  	[tilespmem:s19+$0x15B10] =	vst v1  }
0x2e: {  	[tilespmem:s19+$0x15B20] =	vst v1  }
0x2f: {  	[tilespmem:s19+$0x15B30] =	vst v1  }
0x30: {  	[tilespmem:s19+$0x15B40] =	vst v1  }
0x31: {  	[tilespmem:s19+$0x15B50] =	vst v1  }
0x32: {  	s18 =	simm.s32 $0x0;
	[tilespmem:s19+$0x15B60] =	vst v1;
	s19 =	simm.s32 $0x40;
	s20 =	simm.s32 $0x0  }
.LBB2_4:
0x33: {  	p0 =	sne.s32 s19, $0x1840;
	[tilespmem:s20+$0x18C00] =	vst v2;
	s20 =	smov.u32 s19;
	s19 =	sadd.s32 $0x40, s19  }
.Ltmp1:
0x34: {  	(pc) =	sbr.rel @p0 .LBB2_4-.Ltmp1, $2  }
0x35: {  	_ =	sdelay $0x2  }
0x36: {  	s20 =	sshra.s32 s20, $0x2  }
0x37: {  	[tilespmem:s20+$0x18C00] =	vst v2  }
.LBB2_6:
0x38: {  	s19 =	rddreg [dreg:$0x5]  }
0x39: {  	[spmem:s19] =	stream.linear.scatter [tilespmem:s30], [sflag:$0x3], $0x620, $0x38;
	[tilespmem:$0x1F460] =	vst v63  }
0x3a: {  	_ =	swait.ge [sflag:s29], $0x620  }
0x3b: {  	[sflag:s29] =	ssyncset.done $0x0  }
0x3c: {  	s20 =	rddreg [dreg:$0x7];
	[sflag:s29] =	ssyncadd.s32 $0xFFFFF9E0  }
0x3d: {  	[spmem:s20] =	stream.linear.scatter [tilespmem:s30], [sflag:$0x3], $0x620, $0x38;
	[tilespmem:$0x1F460] =	vst v63  }
0x3e: {  	_ =	swait.ge [sflag:s29], $0x620  }
0x3f: {  	[sflag:s29] =	ssyncset.done $0x0  }
0x40: {  	s21 =	rddreg [dreg:$0x8];
	[sflag:s29] =	ssyncadd.s32 $0xFFFFF9E0  }
0x41: {  	[spmem:s21] =	stream.linear.scatter [tilespmem:s30], [sflag:$0x3], $0x620, $0x38;
	[tilespmem:$0x1F460] =	vst v63  }
0x42: {  	_ =	swait.ge [sflag:s29], $0x620  }
0x43: {  	[sflag:s29] =	ssyncset.done $0x0  }
0x44: {  	s22 =	rddreg [dreg:$0x9];
	[sflag:s29] =	ssyncadd.s32 $0xFFFFF9E0  }
0x45: {  	[spmem:s22] =	stream.linear.scatter [tilespmem:s30], [sflag:$0x3], $0x620, $0x38;
	[tilespmem:$0x1F460] =	vst v63  }
0x46: {  	_ =	swait.ge [sflag:s29], $0x620  }
0x47: {  	[sflag:s29] =	ssyncset.done $0x0  }
0x48: {  	s23 =	rddreg [dreg:$0xa];
	[sflag:s29] =	ssyncadd.s32 $0xFFFFF9E0  }
0x49: {  	[spmem:s23] =	stream.linear.scatter [tilespmem:s30], [sflag:$0x3], $0x620, $0x38;
	[tilespmem:$0x1F460] =	vst v63  }
0x4a: {  	_ =	swait.ge [sflag:s29], $0x620  }
0x4b: {  	[sflag:s29] =	ssyncset.done $0x0  }
0x4c: {  	s24 =	rddreg [dreg:$0xb];
	[sflag:s29] =	ssyncadd.s32 $0xFFFFF9E0  }
0x4d: {  	[spmem:s24] =	stream.linear.scatter [tilespmem:s30], [sflag:$0x3], $0x620, $0x38;
	[tilespmem:$0x1F460] =	vst v63  }
0x4e: {  	_ =	swait.ge [sflag:s29], $0x620  }
0x4f: {  	[sflag:s29] =	ssyncset.done $0x0  }
0x50: {  	s25 =	rddreg [dreg:$0xc];
	[sflag:s29] =	ssyncadd.s32 $0xFFFFF9E0  }
0x51: {  	[spmem:s25] =	stream.linear.scatter [tilespmem:s30], [sflag:$0x3], $0x620, $0x38;
	[tilespmem:$0x1F460] =	vst v63  }
0x52: {  	_ =	swait.ge [sflag:s29], $0x620  }
0x53: {  	[sflag:s29] =	ssyncset.done $0x0  }
0x54: {  	s26 =	rddreg [dreg:$0xd];
	[sflag:s29] =	ssyncadd.s32 $0xFFFFF9E0  }
0x55: {  	[spmem:s26] =	stream.linear.scatter [tilespmem:s30], [sflag:$0x3], $0x620, $0x38;
	[tilespmem:$0x1F460] =	vst v63  }
0x56: {  	_ =	swait.ge [sflag:s29], $0x620  }
0x57: {  	[sflag:s29] =	ssyncset.done $0x0  }
0x58: {  	s28 =	rddreg [dreg:$0xe];
	[sflag:s29] =	ssyncadd.s32 $0xFFFFF9E0  }
0x59: {  	[spmem:s28] =	stream.linear.scatter [tilespmem:s30], [sflag:$0x3], $0x620, $0x38;
	[tilespmem:$0x1F460] =	vst v63  }
0x5a: {  	_ =	swait.ge [sflag:s29], $0x620  }
0x5b: {  	[sflag:s29] =	ssyncset.done $0x0  }
0x5c: {  	s20 =	rddreg [dreg:$0xf];
	[sflag:s29] =	ssyncadd.s32 $0xFFFFF9E0  }
0x5d: {  	[spmem:s20] =	stream.linear.scatter [tilespmem:s30], [sflag:$0x3], $0x620, $0x38;
	[tilespmem:$0x1F460] =	vst v63  }
0x5e: {  	_ =	swait.ge [sflag:s29], $0x620  }
0x5f: {  	[sflag:s29] =	ssyncset.done $0x0  }
0x60: {  	s21 =	rddreg [dreg:$0x10];
	[sflag:s29] =	ssyncadd.s32 $0xFFFFF9E0  }
0x61: {  	[spmem:s21] =	stream.linear.scatter [tilespmem:s30], [sflag:$0x3], $0x620, $0x38;
	[tilespmem:$0x1F460] =	vst v63  }
0x62: {  	_ =	swait.ge [sflag:s29], $0x620  }
0x63: {  	[sflag:s29] =	ssyncset.done $0x0  }
0x64: {  	s22 =	rddreg [dreg:$0x11];
	[sflag:s29] =	ssyncadd.s32 $0xFFFFF9E0  }
0x65: {  	[spmem:s22] =	stream.linear.scatter [tilespmem:s30], [sflag:$0x3], $0x620, $0x38;
	[tilespmem:$0x1F460] =	vst v63  }
0x66: {  	_ =	swait.ge [sflag:s29], $0x620  }
0x67: {  	[sflag:s29] =	ssyncset.done $0x0  }
0x68: {  	s23 =	rddreg [dreg:$0x12];
	[sflag:s29] =	ssyncadd.s32 $0xFFFFF9E0  }
0x69: {  	[spmem:s23] =	stream.linear.scatter [tilespmem:s30], [sflag:$0x3], $0x620, $0x38;
	[tilespmem:$0x1F460] =	vst v63  }
0x6a: {  	_ =	swait.ge [sflag:s29], $0x620  }
0x6b: {  	[sflag:s29] =	ssyncset.done $0x0  }
0x6c: {  	s24 =	rddreg [dreg:$0x13];
	[sflag:s29] =	ssyncadd.s32 $0xFFFFF9E0  }
0x6d: {  	[spmem:s24] =	stream.linear.scatter [tilespmem:s30], [sflag:$0x3], $0x620, $0x38;
	[tilespmem:$0x1F460] =	vst v63  }
0x6e: {  	_ =	swait.ge [sflag:s29], $0x620  }
0x6f: {  	[sflag:s29] =	ssyncset.done $0x0  }
0x70: {  	s25 =	rddreg [dreg:$0x14];
	[sflag:s29] =	ssyncadd.s32 $0xFFFFF9E0  }
0x71: {  	[spmem:s25] =	stream.linear.scatter [tilespmem:s30], [sflag:$0x3], $0x620, $0x38;
	[tilespmem:$0x1F460] =	vst v63  }
0x72: {  	_ =	swait.ge [sflag:s29], $0x620  }
0x73: {  	[sflag:s29] =	ssyncset.done $0x0  }
0x74: {  	s26 =	rddreg [dreg:$0x15];
	[sflag:s29] =	ssyncadd.s32 $0xFFFFF9E0  }
0x75: {  	[spmem:s26] =	stream.linear.scatter [tilespmem:s30], [sflag:$0x3], $0x620, $0x38;
	[tilespmem:$0x1F460] =	vst v63  }
0x76: {  	s28 =	sshrl.u32 s18, $0x2;
	_ =	swait.ge [sflag:s29], $0x620  }
0x77: {  	s19 =	smul.u32 $0x6200, s28;
	s20 =	sand.u32 $0x3, s18;
	[sflag:s29] =	ssyncset.done $0x0  }
0x78: {  	s21 =	smul.u32 $0x64, s20;
	[sflag:s29] =	ssyncadd.s32 $0xFFFFF9E0  }
0x79: {  	v3 =	vmov s19;
	s22 =	simm.s32 $0x0;
	s23 =	simm.s32 $0x0;
	[bflag:$0x0] =	sbarrier.arrive $0xFFFF  }
.LBB2_7:
0x7a: {  	s24 =	sshll.u32 s23, $0x1  }
0x7b: {  	s24 =	sadd.s32 s21, s24  }
0x7c: {  	s25 =	sadd.s32 s11, s24  }
0x7d: {  	s24 =	sshll.u32 s24, $0x7;
	s25 =	sshll.u32 s25, $0x4  }
0x7e: {  	s24 =	sand.u32 $0x3FFFFF80, s24;
	s25 =	sadd.s32 s5, s25  }
0x7f: {  	[tilespmem:s31], [sflag:$0x2] =	stream.linear.gather [hbm4b:s25+s22], $0x100, $0x38;
	[tilespmem:$0x1F460] =	vst v63  }
0x80: {  	v4 =	vld [tilespmem:s24+$0x0];
	_ =	sdelay $0x4  }
0x81: {  	v4 =	vadd.s32 v0, v4  }
0x82: {  	[tilespmem:$0xC900] =	vst v4  }
0x83: {  	v4 =	vld [tilespmem:s24+$0x10];
	_ =	sdelay $0x4  }
0x84: {  	v4 =	vadd.s32 v0, v4  }
0x85: {  	[tilespmem:$0xC910] =	vst v4  }
0x86: {  	v4 =	vld [tilespmem:s24+$0x20];
	_ =	sdelay $0x4  }
0x87: {  	v4 =	vadd.s32 v0, v4  }
0x88: {  	[tilespmem:$0xC920] =	vst v4  }
0x89: {  	v4 =	vld [tilespmem:s24+$0x30];
	_ =	sdelay $0x4  }
0x8a: {  	v4 =	vadd.s32 v0, v4  }
0x8b: {  	[tilespmem:$0xC930] =	vst v4  }
0x8c: {  	v4 =	vld [tilespmem:s24+$0x40];
	_ =	sdelay $0x4  }
0x8d: {  	v4 =	vadd.s32 v0, v4  }
0x8e: {  	[tilespmem:$0xC940] =	vst v4  }
0x8f: {  	v4 =	vld [tilespmem:s24+$0x50];
	_ =	sdelay $0x4  }
0x90: {  	v4 =	vadd.s32 v0, v4  }
0x91: {  	[tilespmem:$0xC950] =	vst v4  }
0x92: {  	v4 =	vld [tilespmem:s24+$0x60];
	_ =	sdelay $0x4  }
0x93: {  	v4 =	vadd.s32 v0, v4  }
0x94: {  	[tilespmem:$0xC960] =	vst v4  }
0x95: {  	v4 =	vld [tilespmem:s24+$0x70];
	_ =	sdelay $0x4  }
0x96: {  	v4 =	vadd.s32 v0, v4  }
0x97: {  	[tilespmem:$0xC970] =	vst v4  }
0x98: {  	[tilespmem:s3], [sflag:$0x1] =	stream.indirect.gather [hbm4b:s6+s0], $0x80, s1, s0, $0xb8;
	[tilespmem:$0x1F460] =	vst v63  }
0x99: {  	v4 =	vld [tilespmem:s24+$0x80];
	_ =	sdelay $0x4  }
0x9a: {  	v4 =	vadd.s32 v0, v4  }
0x9b: {  	[tilespmem:$0xC980] =	vst v4  }
0x9c: {  	v4 =	vld [tilespmem:s24+$0x90];
	_ =	sdelay $0x4  }
0x9d: {  	v4 =	vadd.s32 v0, v4  }
0x9e: {  	[tilespmem:$0xC990] =	vst v4  }
0x9f: {  	v4 =	vld [tilespmem:s24+$0xA0];
	_ =	sdelay $0x4  }
0xa0: {  	v4 =	vadd.s32 v0, v4  }
0xa1: {  	[tilespmem:$0xC9A0] =	vst v4  }
0xa2: {  	v4 =	vld [tilespmem:s24+$0xB0];
	_ =	sdelay $0x4  }
0xa3: {  	v4 =	vadd.s32 v0, v4  }
0xa4: {  	[tilespmem:$0xC9B0] =	vst v4  }
0xa5: {  	v4 =	vld [tilespmem:s24+$0xC0];
	_ =	sdelay $0x4  }
0xa6: {  	v4 =	vadd.s32 v0, v4  }
0xa7: {  	[tilespmem:$0xC9C0] =	vst v4  }
0xa8: {  	v4 =	vld [tilespmem:s24+$0xD0];
	_ =	sdelay $0x4  }
0xa9: {  	v4 =	vadd.s32 v0, v4  }
0xaa: {  	[tilespmem:$0xC9D0] =	vst v4  }
0xab: {  	v4 =	vld [tilespmem:s24+$0xE0];
	_ =	sdelay $0x4  }
0xac: {  	v4 =	vadd.s32 v0, v4  }
0xad: {  	[tilespmem:$0xC9E0] =	vst v4  }
0xae: {  	v4 =	vld [tilespmem:s24+$0xF0];
	_ =	sdelay $0x4  }
0xaf: {  	v4 =	vadd.s32 v0, v4  }
0xb0: {  	[tilespmem:$0xC9F0] =	vst v4  }
0xb1: {  	[tilespmem:s12], [sflag:$0x1] =	stream.indirect.gather [hbm4b:s6+s0], $0x80, s8, s0, $0xb8;
	[tilespmem:$0x1F460] =	vst v63  }
0xb2: {  	_ =	swait.ge [sflag:s4], $0x100  }
0xb3: {  	[sflag:s4] =	ssyncset.done $0x0  }
0xb4: {  	[sflag:s4] =	ssyncadd.s32 $0xFFFFFF00  }
0xb5: {  	v4 =	vld [tilespmem:$0xC800]  }
0xb6: {  	v6 =	vld [tilespmem:$0xC820]  }
0xb7: {  	v9 =	vld [tilespmem:$0xC840]  }
0xb8: {  	v11 =	vld [tilespmem:$0xC850]  }
0xb9: {  	v12 =	vld [tilespmem:$0xC860]  }
0xba: {  	v46 =	vld [tilespmem:$0xC870]  }
0xbb: {  	v14 =	vld [tilespmem:$0xC880]  }
0xbc: {  	v15 =	vld [tilespmem:$0xC890]  }
0xbd: {  	v50 =	vld [tilespmem:$0xC8A0]  }
0xbe: {  	v16 =	vld [tilespmem:$0xC8B0]  }
0xbf: {  	v53 =	vld [tilespmem:$0xC8C0];
	v7 =	vsub.s32 v4, v3  }
0xc0: {  	v55 =	vld [tilespmem:$0xC8D0];
	v4 =	vand.u32 $0x3F, v4;
	v10 =	vsub.s32 v6, v3;
	v6 =	vand.u32 $0x3F, v6  }
0xc1: {  	v57 =	vld [tilespmem:$0xC8E0];
	v45 =	vsub.s32 v9, v3;
	v9 =	vand.u32 $0x3F, v9;
	v13 =	vsub.s32 v11, v3  }
0xc2: {  	v47 =	vand.u32 $0x3F, v11;
	v48 =	vsub.s32 v12, v3;
	v12 =	vand.u32 $0x3F, v12  }
0xc3: {  	v49 =	vsub.s32 v46, v3;
	v51 =	vsub.s32 v14, v3;
	v52 =	vand.u32 $0x3F, v15  }
0xc4: {  	v54 =	vand.u32 $0x3F, v50;
	v56 =	vsub.s32 v16, v3;
	v58 =	vand.u32 $0x3F, v16  }
0xc5: {  	v59 =	vsub.s32 v53, v3;
	v60 =	vand.u32 $0x3F, v53;
	v62 =	vand.u32 $0x3F, v55  }
0xc6: {  	v5 =	vld [tilespmem:$0xC810];
	v63 =	vsub.s32 v57, v3;
	vm0 =	vlt.u32 v7, $0x6200;
	v4 =	vor.u32 $0x6200, v4  }
0xc7: {  	vm14 =	vlt.u32 v10, $0x6200;
	v6 =	vor.u32 $0x6200, v6;
	vm4 =	vlt.u32 v45, $0x6200  }
0xc8: {  	v9 =	vor.u32 $0x6200, v9;
	vm5 =	vlt.u32 v13, $0x6200;
	vm6 =	vlt.u32 v48, $0x6200  }
0xc9: {  	v8 =	vld [tilespmem:$0xC830];
	v12 =	vor.u32 $0x6200, v12;
	vm7 =	vlt.u32 v49, $0x6200;
	vm8 =	vlt.u32 v51, $0x6200  }
0xca: {  	vm11 =	vlt.u32 v56, $0x6200;
	vm12 =	vlt.u32 v59, $0x6200;
	v4 =	vsel vm0, v7, v4  }
0xcb: {  	v7 =	vsub.s32 v5, v3;
	v5 =	vand.u32 $0x3F, v5;
	v6 =	vsel vm14, v10, v6  }
0xcc: {  	v11 =	vsel vm6, v48, v12;
	v10 =	vand.u32 $0x3F, v46;
	vm13 =	vlt.u32 v7, $0x6200;
	[tilespmem:$0xCA00] =	vst v4  }
0xcd: {  	v5 =	vor.u32 $0x6200, v5;
	v4 =	vor.u32 $0x6200, v10;
	[tilespmem:$0xCA20] =	vst v6;
	v6 =	vsub.s32 v15, v3  }
0xce: {  	[tilespmem:$0xCA60] =	vst v11;
	v5 =	vsel vm13, v7, v5;
	v7 =	vsub.s32 v8, v3;
	v8 =	vand.u32 $0x3F, v8  }
0xcf: {  	v4 =	vsel vm7, v49, v4;
	vm15 =	vlt.u32 v7, $0x6200;
	v8 =	vor.u32 $0x6200, v8;
	[tilespmem:$0xCA10] =	vst v5  }
0xd0: {  	vm14 =	vlt.u32 v63, $0x6200;
	vm9 =	vlt.u32 v6, $0x6200;
	[tilespmem:$0xCA70] =	vst v4;
	v7 =	vsel vm15, v7, v8  }
0xd1: {  	v5 =	vand.u32 $0x3F, v14;
	v4 =	vor.u32 $0x6200, v58;
	v8 =	vsel vm4, v45, v9;
	[tilespmem:$0xCA30] =	vst v7  }
0xd2: {  	v5 =	vor.u32 $0x6200, v5;
	v4 =	vsel vm11, v56, v4;
	v7 =	vor.u32 $0x6200, v52;
	[tilespmem:$0xCA40] =	vst v8  }
0xd3: {  	v61 =	vld [tilespmem:$0xC8F0];
	v5 =	vsel vm8, v51, v5;
	[tilespmem:$0xCAB0] =	vst v4;
	v6 =	vsel vm9, v6, v7;
	v7 =	vsub.s32 v50, v3  }
0xd4: {  	v9 =	vor.u32 $0x6200, v47;
	v8 =	vor.u32 $0x6200, v54;
	[tilespmem:$0xCA80] =	vst v5;
	vm10 =	vlt.u32 v7, $0x6200  }
0xd5: {  	v9 =	vsel vm5, v13, v9;
	[tilespmem:$0xCA90] =	vst v6;
	v6 =	vsub.s32 v55, v3;
	v7 =	vsel vm10, v7, v8  }
0xd6: {  	v5 =	vor.u32 $0x6200, v60;
	vm13 =	vlt.u32 v6, $0x6200;
	[tilespmem:$0xCAA0] =	vst v7;
	v7 =	vor.u32 $0x6200, v62  }
0xd7: {  	[tilespmem:$0xCA50] =	vst v9;
	v5 =	vsel vm12, v59, v5;
	v4 =	vsel vm13, v6, v7;
	v6 =	vand.u32 $0x3F, v57  }
0xd8: {  	[tilespmem:$0xCAC0] =	vst v5;
	v7 =	vand.u32 $0x3F, v61;
	v5 =	vor.u32 $0x6200, v6;
	v6 =	vsub.s32 v61, v3  }
0xd9: {  	[tilespmem:$0xCAD0] =	vst v4;
	v4 =	vsel vm14, v63, v5;
	vm15 =	vlt.u32 v6, $0x6200;
	v5 =	vor.u32 $0x6200, v7  }
0xda: {  	[tilespmem:$0xCAE0] =	vst v4;
	v4 =	vsel vm15, v6, v5  }
0xdb: {  	[tilespmem:$0xCAF0] =	vst v4  }
0xdc: {  	_ =	swait.ge [sflag:s13], $0x4000  }
0xdd: {  	[sflag:s13] =	ssyncset.done $0x0  }
0xde: {  	s24 =	simm.s32 $0xCB10;
	[sflag:s13] =	ssyncadd.s32 $0xFFFFC000  }
0xdf: {  	v4 =	vld [tilespmem:s24+$0x0]  }
0xe0: {  	s26 =	simm.s32 $0x40;
	s25 =	simm.s32 $0x0;
	v5 =	vld [tilespmem:s24+$0xFFFFFFF0]  }
.LBB2_8:
0xe1: {  	p0 =	sne.s32 s26, $0x1FC0;
	_ =	sdelay $0x2  }
.Ltmp2:
0xe2: {  	(pc) =	sbr.rel @p0 .LBB2_8-.Ltmp2, $4  }
0xe3: {  	s28 =	sshra.s32 s25, $0x2;
	s25 =	smov.u32 s26;
	v4 =	vpack.i.f32.bf16 v4, v5  }
0xe4: {  	s24 =	sadd.s32 $0x80, s24;
	[tilespmem:s28+$0x14B00] =	vst v4  }
0xe5: {  	v4 =	vld [tilespmem:s24+$0x0]  }
0xe6: {  	s26 =	sadd.s32 $0x40, s26;
	v5 =	vld [tilespmem:s24+$0xFFFFFFF0]  }
0xe7: {  	_ =	sdelay $0x3  }
0xe8: {  	s24 =	sshra.s32 s25, $0x2;
	v4 =	vpack.i.f32.bf16 v4, v5  }
0xe9: {  	[tilespmem:s24+$0x14B00] =	vst v4  }
0xea: {  	_ =	swait.ge [sflag:s13], $0x4000  }
0xeb: {  	[sflag:s13] =	ssyncset.done $0x0  }
0xec: {  	s24 =	simm.s32 $0x10B00;
	[sflag:s13] =	ssyncadd.s32 $0xFFFFC000  }
0xed: {  	v4 =	vld [tilespmem:s24+$0x10]  }
0xee: {  	s25 =	simm.s32 $0x0;
	s26 =	simm.s32 $0x40;
	v5 =	vld [tilespmem:s24+$0x0]  }
.LBB2_10:
0xef: {  	p0 =	sne.s32 s26, $0x1FC0;
	_ =	sdelay $0x2  }
.Ltmp3:
0xf0: {  	(pc) =	sbr.rel @p0 .LBB2_10-.Ltmp3, $4  }
0xf1: {  	s28 =	sshra.s32 s25, $0x2;
	s25 =	smov.u32 s26;
	v4 =	vpack.i.f32.bf16 v4, v5  }
0xf2: {  	s24 =	sadd.s32 $0x80, s24;
	[tilespmem:s28+$0x15300] =	vst v4  }
0xf3: {  	v4 =	vld [tilespmem:s24+$0x10]  }
0xf4: {  	s26 =	sadd.s32 $0x40, s26;
	v5 =	vld [tilespmem:s24+$0x0]  }
0xf5: {  	_ =	sdelay $0x3  }
0xf6: {  	s24 =	sshra.s32 s25, $0x2;
	v4 =	vpack.i.f32.bf16 v4, v5  }
0xf7: {  	[tilespmem:s24+$0x15300] =	vst v4  }
0xf8: {  	[spmem:s2] =	stream.indirect.scatter.add.bf16 [tilespmem:s15], [sflag:$0x3], $0x10, s14, s0, $0xb8;
	[tilespmem:$0x1F460] =	vst v63  }
0xf9: {  	s23 =	sadd.s32 $0x1, s23;
	_ =	swait.ge [sflag:s29], $0x800  }
0xfa: {  	p0 =	sne.s32 s23, $0x32;
	[sflag:s29] =	ssyncset.done $0x0  }
.Ltmp4:
0xfb: {  	[sflag:s29] =	ssyncadd.s32 $0xFFFFF800;
	(pc) =	sbr.rel @p0 .LBB2_7-.Ltmp4, $4  }
0xfc: {  	[spmem:s2] =	stream.indirect.scatter.add.bf16 [tilespmem:s17], [sflag:$0x3], $0x10, s16, s0, $0xb8;
	[tilespmem:$0x1F460] =	vst v63  }
0xfd: {  	_ =	swait.ge [sflag:s29], $0x800  }
0xfe: {  	[sflag:s29] =	ssyncset.done $0x0  }
0xff: {  	[sflag:s29] =	ssyncadd.s32 $0xFFFFF800  }
0x100: {  	s20 =	sshll.u32 s20, $0x1;
	s21 =	rddreg [dreg:$0x3]  }
0x101: {  	s20 =	sor.u32 s21, s20  }
0x102: {  	s20 =	smul.u32 $0xC400, s20  }
0x103: {  	s19 =	sadd.s32 s9, s19  }
0x104: {  	[bflag:$0x0] =	sbarrier.arrive $0xFFFF;
	s19 =	sadd.s32 s20, s19;
	s20 =	simm.s32 $0x0  }
.LBB2_13:
0x105: {  	s21 =	smul.u32 $0x62, s20;
	_ =	sdelay $0x1  }
0x106: {  	s22 =	sadd.s32 s9, s21  }
0x107: {  	s22 =	sshll.u32 s22, $0x4  }
0x108: {  	s22 =	sand.u32 $0x3FFFFFF0, s22  }
0x109: {  	s22 =	sadd.s32 s22, s2  }
0x10a: {  	[tilespmem:s30], [sflag:$0x3] =	stream.linear.gather [spmem:s22], $0x620, $0x38;
	[tilespmem:$0x1F460] =	vst v63  }
0x10b: {  	_ =	swait.ge [sflag:s29], $0x620  }
0x10c: {  	[sflag:s29] =	ssyncset.done $0x0  }
0x10d: {  	s28 =	simm.s32 $0x0;
	[sflag:s29] =	ssyncadd.s32 $0xFFFFF9E0  }
0x10e: {  	v3 =	vld [tilespmem:s28+$0x18C00];
	_ =	sdelay $0x4  }
0x10f: {  	s22 =	simm.s32 $0x15B10;
	v4 =	vunpack.i.l.bf16.f32 v3  }
0x110: {  	v3 =	vunpack.i.u.bf16.f32 v3;
	[tilespmem:s22+$0xFFFFFFF0] =	vst v4  }
0x111: {  	s24 =	simm.s32 $0x10;
	s23 =	simm.s32 $0x80;
	[tilespmem:s22+$0x0] =	vst v3  }
.LBB2_14:
0x112: {  	p0 =	sne.s32 s23, $0x1840;
	v3 =	vld [tilespmem:s24+$0x18C00];
	_ =	sdelay $0x2  }
.Ltmp5:
0x113: {  	(pc) =	sbr.rel @p0 .LBB2_14-.Ltmp5, $4  }
0x114: {  	_ = 	snop  }
0x115: {  	s22 =	sadd.s32 $0x80, s22;
	v4 =	vunpack.i.u.bf16.f32 v3;
	v3 =	vunpack.i.l.bf16.f32 v3  }
0x116: {  	[tilespmem:s22+$0xFFFFFFF0] =	vst v3  }
0x117: {  	s24 =	sshra.s32 s23, $0x2;
	s23 =	sadd.s32 $0x40, s23;
	[tilespmem:s22+$0x0] =	vst v4  }
0x118: {  	v3 =	vld [tilespmem:s24+$0x18C00];
	_ =	sdelay $0x4  }
0x119: {  	s22 =	sadd.s32 $0x80, s22;
	s21 =	sadd.s32 s21, s19;
	s20 =	sadd.s32 $0x1, s20;
	v4 =	vunpack.i.l.bf16.f32 v3  }
0x11a: {  	s21 =	sshll.u32 s21, $0x4;
	p0 =	sne.s32 s20, $0x10;
	v3 =	vunpack.i.u.bf16.f32 v3;
	[tilespmem:s22+$0xFFFFFFF0] =	vst v4  }
.Ltmp6:
0x11b: {  	s28 =	simm.s32 $0x0;
	s21 =	sadd.s32 s7, s21;
	[tilespmem:s22+$0x0] =	vst v3;
	(pc) =	sbr.rel @p0 .LBB2_13-.Ltmp6, $4  }
0x11c: {  	[hbm4b:s21+s28] =	stream.linear.scatter [tilespmem:s10], [sflag:$0x3], $0x3100, $0x38;
	[tilespmem:$0x1F460] =	vst v63  }
0x11d: {  	_ =	swait.ge [sflag:s29], $0x3100  }
0x11e: {  	[sflag:s29] =	ssyncset.done $0x0  }
0x11f: {  	[sflag:s29] =	ssyncadd.s32 $0xFFFFCF00  }
0x120: {  	s19 =	simm.s32 $0x40;
	s20 =	simm.s32 $0x0  }
.LBB2_17:
0x121: {  	p0 =	sne.s32 s19, $0x1840;
	[tilespmem:s20+$0x18C00] =	vst v2;
	s20 =	smov.u32 s19;
	s19 =	sadd.s32 $0x40, s19  }
.Ltmp7:
0x122: {  	(pc) =	sbr.rel @p0 .LBB2_17-.Ltmp7, $2  }
0x123: {  	_ =	sdelay $0x2  }
0x124: {  	s20 =	sshra.s32 s20, $0x2  }
0x125: {  	s18 =	sadd.s32 $0x1, s18  }
0x126: {  	p0 =	sne.s32 s18, $0x8  }
.Ltmp8:
0x127: {  	_ = 	snop;
	(pc) =	sbr.rel @p0 .LBB2_6-.Ltmp8, $2  }
0x128: {  	_ =	sdelay $0x2  }
0x129: {  	[tilespmem:s20+$0x18C00] =	vst v2  }
0x12a: {  	s19 =	rddreg [dreg:$0x16]  }
0x12b: {  	s18 =	rddreg [dreg:$0x6];
	s19 =	sadd.s32 $0x1, s19  }
0x12c: {  	p0 =	sne.s32 s19, s18  }
.Ltmp9:
0x12d: {  	_ = 	snop;
	(pc) =	sbr.rel @p0 .LBB2_1-.Ltmp9, $1  }
0x12e: {  	_ =	sdelay $0x3  }
0x12f: {  	_ =	sfence.sel $0x180000  }
0x130: {  	[bflag:$0x0] =	sbarrier.arrive $0xFFFF  }
0x131: {  	_ =	strace $0x9000004D  }
0x132: {  	s0 =	stileid.u32;
	[bflag:$0x2] =	sbarrier.arrive $0xFFFF  }
0x133: {  	p0 =	sne.s32 s0, $0x0;
	s0 =	rddreg [dreg:$0x2]  }
0x134: {  	s0 =	sadd.s32 @!p0 $0x100000, s0  }
0x135: {  	[sflag:s0] =	ssyncadd.tile.s32 @!p0 $0x1;
	_ =	shalt  }
.Lfunc_end2:
_tile_overlayer_lowered:
.L_overlay_start_2:
0x136: {  	(tag) =	ssettag $0x2  }
0x137: {  	s0 =	rddreg [dreg:$0x0];
	s2 =	stileid.u32  }
0x138: {  	s1 =	rddreg [dreg:$0x1];
	p0 =	sne.s32 s2, $0x0  }
0x139: {  	s3 =	rddreg [dreg:$0x2];
	[bflag:$0x3] =	sbarrier.arrive $0xFFFF;
	s2 =	simm.s32 @!p0 $0x1C03  }
0x13a: {  	[timem:s3], [sflag:s2] =	dma.local @!p0 [hbm:s0], s1  }
0x13b: {  	s0 =	simm.s32 @!p0 $0x3  }
0x13c: {  	_ =	swait.ge @!p0 [sflag:s0], s1  }
0x13d: {  	s1 =	ssub.s32 @!p0 $0x0, s1;
	[sflag:s0] =	ssyncset.done @!p0 $0x0  }
0x13e: {  	[sflag:s0] =	ssyncadd.s32 @!p0 s1  }
0x13f: {  	[bflag:$0x3] =	sbarrier.arrive $0xFFFF  }
0x140: {  	_ =	shalt  }

</sc_bundles>
